<compile_context>
chip_gen: v7x
topology: tpu7x:2x2x1
jax: 0.10.2.dev20260603
libtpu: 0.0.44.dev20260713+nightly
codegen_flags: <defaults>
</compile_context>

<pallas_src>
import functools

import jax
import jax.numpy as jnp
from jax import lax
from jax.experimental import pallas as pl
from jax.experimental.pallas import tpu as pltpu
from jax.experimental.pallas import tpu_sc as plsc

NC = 2
NS = 16
NW = NC * NS
LANES = 16
BBLK = 128
RING = 4
AHEAD = 3
OBUF = 2


def _make_emb_kernel(batch, seq_len, d, vocab):
    assert batch == BBLK * NW
    assert d % LANES == 0
    assert vocab % 2 == 0
    assert seq_len % RING == 0
    assert seq_len % 2 == 0
    d_vecs = d // LANES
    bgs = BBLK // LANES
    ngroup = seq_len // RING

    mesh = plsc.VectorSubcoreMesh(core_axis_name="c", subcore_axis_name="s")
    scratch = (
        [pltpu.VMEM((seq_len, BBLK), jnp.int32)]
        + [pltpu.VMEM((seq_len * d + LANES,), jnp.float32)]
        + [pltpu.VMEM((BBLK,), jnp.int32) for _ in range(RING)]
        + [pltpu.VMEM((BBLK, 2 * d), jnp.float32) for _ in range(RING)]
        + [pltpu.VMEM((d, BBLK), jnp.float32) for _ in range(OBUF)]
        + [pltpu.SemaphoreType.DMA for _ in range(4 * RING + OBUF)]
    )

    @functools.partial(
        pl.kernel,
        out_type=jax.ShapeDtypeStruct((seq_len, d, batch), jnp.float32),
        mesh=mesh,
        scratch_types=scratch,
        compiler_params=pltpu.CompilerParams(needs_layout_passes=False),
    )
    def emb_kernel(ids_hbm, table2_hbm, pos_hbm, out_hbm, ids_v, pos_v, *rest):
        idx2 = rest[:RING]
        rows = rest[RING:2 * RING]
        obuf = rest[2 * RING:2 * RING + OBUF]
        gsem = rest[2 * RING + OBUF:6 * RING + OBUF]
        ssem = rest[6 * RING + OBUF:]

        wid = lax.axis_index("s") * NC + lax.axis_index("c")
        b0 = wid * BBLK

        pltpu.sync_copy(ids_hbm.at[:, pl.ds(b0, BBLK)], ids_v)
        pltpu.sync_copy(pos_hbm, pos_v.at[pl.ds(0, seq_len * d)])

        def prep_idx(s, buf):
            for g in range(bgs):
                v = ids_v[s, pl.ds(LANES * g, LANES)]
                idx2[buf][pl.ds(LANES * g, LANES)] = jax.lax.shift_right_logical(
                    v, 1)

        GSPLIT = 4
        gsub = BBLK // GSPLIT

        def issue_gather(buf):
            for i in range(GSPLIT):
                pltpu.async_copy(
                    table2_hbm.at[idx2[buf].at[pl.ds(gsub * i, gsub)]],
                    rows[buf].at[pl.ds(gsub * i, gsub)],
                    gsem[GSPLIT * buf + i])

        def wait_gather(buf):
            for i in range(GSPLIT):
                pltpu.make_async_copy(
                    table2_hbm.at[idx2[buf].at[pl.ds(gsub * i, gsub)]],
                    rows[buf].at[pl.ds(gsub * i, gsub)],
                    gsem[GSPLIT * buf + i]).wait()

        def issue_store(s, ob):
            pltpu.async_copy(obuf[ob], out_hbm.at[s, :, pl.ds(b0, BBLK)],
                             ssem[ob])

        def wait_store(s, ob):
            pltpu.make_async_copy(obuf[ob], out_hbm.at[s, :, pl.ds(b0, BBLK)],
                                  ssem[ob]).wait()

        for s in range(AHEAD):
            prep_idx(s, s % RING)
            issue_gather(s % RING)

        lane_iota = lax.iota(jnp.int32, LANES)
        row_base = [LANES * g + lane_iota for g in range(bgs)]

        def group_body(g, carry):
            for j in range(RING):
                s = RING * g + j
                bp = (j + AHEAD) % RING

                glim = (seq_len - 1 - AHEAD - j) // RING
                if glim >= ngroup - 1:
                    prep_idx(s + AHEAD, bp)
                    issue_gather(bp)
                else:
                    @pl.when(g <= glim)
                    def _():
                        prep_idx(s + AHEAD, bp)
                        issue_gather(bp)

                wait_gather(j)

                ob = j % OBUF
                if j < OBUF:
                    @pl.when(g >= 1)
                    def _():
                        wait_store(s - OBUF, ob)
                else:
                    wait_store(s - OBUF, ob)

                col_base = []
                for bg in range(bgs):
                    iv = ids_v[s, pl.ds(LANES * bg, LANES)]
                    col_base.append((iv & 1) * d)

                pbase = s * d

                def ck_body(ck, carry, j=j, ob=ob, col_base=col_base):
                    k = ck & (LANES - 1)
                    cbase = (ck >> 4) << 4
                    dck = ((k + lane_iota) & (LANES - 1)) + cbase
                    pvec = plsc.load_gather(pos_v, [pbase + dck])
                    for bg in range(bgs):
                        v = plsc.load_gather(
                            rows[j], [row_base[bg], col_base[bg] + dck])
                        plsc.store_scatter(
                            obuf[ob], [dck, row_base[bg]], v + pvec)
                    return carry

                lax.fori_loop(0, (d // LANES) * LANES, ck_body, 0, unroll=2)

                issue_store(s, ob)
            return carry

        lax.fori_loop(0, ngroup, group_body, jnp.int32(0))

        for k in range(OBUF):
            s = seq_len - OBUF + k
            wait_store(s, (RING - OBUF + k) % OBUF)

    return emb_kernel


def kernel(input_ids, table, pos_table):
    batch, seq_len = input_ids.shape
    vocab, d = table.shape
    ids_t = input_ids.T
    table2 = table.reshape(vocab // 2, 2 * d)
    pos_flat = pos_table.reshape(seq_len * d)
    emb = _make_emb_kernel(batch, seq_len, d, vocab)
    out_sdb = emb(ids_t, table2, pos_flat)
    return out_sdb.transpose(2, 0, 1)

# --- scband reference (transcript-rebuilt; emitter-appended) ---
"""Pipeline reference for scband-emb-wrapper-70781061038422 (READ-ONLY COPY).

The authoritative reference and input builder live on the scoring server;
editing this copy changes nothing except your own understanding.
"""

import jax, jax.numpy as jnp
import numpy as np

VOCAB = 1000000
EMBED_DIM = 64
BATCH = 4096
SEQ_LEN = 200


def setup_inputs(seed: int = 0) -> dict:
    key = jax.random.key(seed)
    k_ids, k_tab, k_pos = jax.random.split(key, 3)
    input_ids = jax.random.randint(k_ids, (BATCH, SEQ_LEN), 0, VOCAB, dtype=jnp.int64 if jax.config.jax_enable_x64 else jnp.int32).astype(jnp.int32)
    table = jax.random.normal(k_tab, (VOCAB, EMBED_DIM), dtype=jnp.float32) * 0.02
    pos_table = jax.random.normal(k_pos, (SEQ_LEN, EMBED_DIM), dtype=jnp.float32) * 0.02
    return {"input_ids": input_ids, "table": table, "pos_table": pos_table}


def reference(input_ids, table, pos_table):
    # shared_embed(input_ids): token embedding lookup
    inputs_embeds = jnp.take(table, input_ids, axis=0)  # [B, S, D]
    # encoder_decoder_embeddings(input_ids.shape): learned positional embedding,
    # depends only on sequence length, broadcast over batch
    seq_len = input_ids.shape[1]
    embed_pos = pos_table[:seq_len]  # [S, D]
    return inputs_embeds + embed_pos[None, :, :]

if __name__ == "__main__":
    import jax
    _d = setup_inputs()
    print(jax.jit(kernel)(*tuple(_d.values())))

</pallas_src>

<mosaic_0001>
#map = affine_map<(d0, d1) -> (0, 0)>
#map1 = affine_map<(d0, d1) -> (0)>
#map2 = affine_map<(d0, d1) -> (0, 0, 0)>
module attributes {stable_mosaic.version = 14 : i64} {
  func.func @emb_kernel(%arg0: i32, %arg1: i32, %arg2: memref<200x4096xi32, #tpu.memory_space<hbm>>, %arg3: memref<500000x128xf32, #tpu.memory_space<hbm>>, %arg4: memref<12800xf32, #tpu.memory_space<hbm>>, %arg5: memref<200x64x4096xf32, #tpu.memory_space<hbm>>, %arg6: memref<200x128xi32, #tpu.memory_space<vmem>>, %arg7: memref<12816xf32, #tpu.memory_space<vmem>>, %arg8: memref<128xi32, #tpu.memory_space<vmem>>, %arg9: memref<128xi32, #tpu.memory_space<vmem>>, %arg10: memref<128xi32, #tpu.memory_space<vmem>>, %arg11: memref<128xi32, #tpu.memory_space<vmem>>, %arg12: memref<128x128xf32, #tpu.memory_space<vmem>>, %arg13: memref<128x128xf32, #tpu.memory_space<vmem>>, %arg14: memref<128x128xf32, #tpu.memory_space<vmem>>, %arg15: memref<128x128xf32, #tpu.memory_space<vmem>>, %arg16: memref<64x128xf32, #tpu.memory_space<vmem>>, %arg17: memref<64x128xf32, #tpu.memory_space<vmem>>, %arg18: memref<!tpu.dma_semaphore, #tpu.memory_space<semaphore_mem>>, %arg19: memref<!tpu.dma_semaphore, #tpu.memory_space<semaphore_mem>>, %arg20: memref<!tpu.dma_semaphore, #tpu.memory_space<semaphore_mem>>, %arg21: memref<!tpu.dma_semaphore, #tpu.memory_space<semaphore_mem>>, %arg22: memref<!tpu.dma_semaphore, #tpu.memory_space<semaphore_mem>>, %arg23: memref<!tpu.dma_semaphore, #tpu.memory_space<semaphore_mem>>, %arg24: memref<!tpu.dma_semaphore, #tpu.memory_space<semaphore_mem>>, %arg25: memref<!tpu.dma_semaphore, #tpu.memory_space<semaphore_mem>>, %arg26: memref<!tpu.dma_semaphore, #tpu.memory_space<semaphore_mem>>, %arg27: memref<!tpu.dma_semaphore, #tpu.memory_space<semaphore_mem>>, %arg28: memref<!tpu.dma_semaphore, #tpu.memory_space<semaphore_mem>>, %arg29: memref<!tpu.dma_semaphore, #tpu.memory_space<semaphore_mem>>, %arg30: memref<!tpu.dma_semaphore, #tpu.memory_space<semaphore_mem>>, %arg31: memref<!tpu.dma_semaphore, #tpu.memory_space<semaphore_mem>>, %arg32: memref<!tpu.dma_semaphore, #tpu.memory_space<semaphore_mem>>, %arg33: memref<!tpu.dma_semaphore, #tpu.memory_space<semaphore_mem>>, %arg34: memref<!tpu.dma_semaphore, #tpu.memory_space<semaphore_mem>>, %arg35: memref<!tpu.dma_semaphore, #tpu.memory_space<semaphore_mem>>) attributes {dimension_semantics = [#tpu.dimension_semantics<core_parallel>, #tpu.dimension_semantics<subcore_parallel>], iteration_bounds = array<i64: 2, 16>, scalar_prefetch = 0 : i64, scratch_operands = 30 : i64, tpu.core_type = #tpu.core_type<sc_vector_subcore>, window_params = [{transform_indices = #map}, {transform_indices = #map}, {transform_indices = #map1}, {transform_indices = #map2}]} {
    %mul3A = arith.constant 2 : i32
    %mul3A_0 = arith.muli %arg1, %mul3A : i32
    %add3A = arith.addi %mul3A_0, %arg0 : i32
    %mul3A_1 = arith.constant 128 : i32
    %mul3A_2 = arith.muli %add3A, %mul3A_1 : i32
    "tpu.region"() ({
      %run_scoped3A = tpu.sem_alloc : memref<!tpu.dma_semaphore, #tpu.memory_space<semaphore_mem>>
      %dma_start3A_353 = arith.constant 0 : i32
      %dma_start3A_354 = tpu.memref_slice %arg2[%dma_start3A_353, %mul3A_2] : memref<200x4096xi32, #tpu.memory_space<hbm>> -> memref<200x128xi32, #tpu.memory_space<hbm>>
      %dma_start3A_355 = arith.constant 0 : i32
      %dma_start3A_356 = tpu.memref_slice %arg2[%dma_start3A_355, %mul3A_2] : memref<200x4096xi32, #tpu.memory_space<hbm>> -> memref<200x128xi32, #tpu.memory_space<hbm>>
      tpu.enqueue_dma source(%dma_start3A_356 : memref<200x128xi32, #tpu.memory_space<hbm>>) target(%arg6 : memref<200x128xi32, #tpu.memory_space<vmem>>) target_semaphore(%run_scoped3A : memref<!tpu.dma_semaphore, #tpu.memory_space<semaphore_mem>>)
      %dma_wait3A_357 = arith.constant 0 : i32
      %dma_wait3A_358 = tpu.memref_slice %arg2[%dma_wait3A_357, %mul3A_2] : memref<200x4096xi32, #tpu.memory_space<hbm>> -> memref<200x128xi32, #tpu.memory_space<hbm>>
      %dma_wait3A_359 = arith.constant 0 : i32
      %dma_wait3A_360 = tpu.memref_slice %arg2[%dma_wait3A_359, %mul3A_2] : memref<200x4096xi32, #tpu.memory_space<hbm>> -> memref<200x128xi32, #tpu.memory_space<hbm>>
      tpu.wait_dma2 semaphore(%run_scoped3A : memref<!tpu.dma_semaphore, #tpu.memory_space<semaphore_mem>>) src(%dma_wait3A_360 : memref<200x128xi32, #tpu.memory_space<hbm>>) dst(%arg6 : memref<200x128xi32, #tpu.memory_space<vmem>>)
      tpu.yield
    }) : () -> ()
    "tpu.region"() ({
      %run_scoped3A = tpu.sem_alloc : memref<!tpu.dma_semaphore, #tpu.memory_space<semaphore_mem>>
      %dma_start3A_353 = arith.constant 0 : i32
      %dma_start3A_354 = tpu.memref_slice %arg7[%dma_start3A_353] : memref<12816xf32, #tpu.memory_space<vmem>> -> memref<12800xf32, #tpu.memory_space<vmem>>
      %dma_start3A_355 = arith.constant 0 : i32
      %dma_start3A_356 = tpu.memref_slice %arg7[%dma_start3A_355] : memref<12816xf32, #tpu.memory_space<vmem>> -> memref<12800xf32, #tpu.memory_space<vmem>>
      tpu.enqueue_dma source(%arg4 : memref<12800xf32, #tpu.memory_space<hbm>>) target(%dma_start3A_356 : memref<12800xf32, #tpu.memory_space<vmem>>) target_semaphore(%run_scoped3A : memref<!tpu.dma_semaphore, #tpu.memory_space<semaphore_mem>>)
      %dma_wait3A_357 = arith.constant 0 : i32
      %dma_wait3A_358 = tpu.memref_slice %arg7[%dma_wait3A_357] : memref<12816xf32, #tpu.memory_space<vmem>> -> memref<12800xf32, #tpu.memory_space<vmem>>
      %dma_wait3A_359 = arith.constant 0 : i32
      %dma_wait3A_360 = tpu.memref_slice %arg7[%dma_wait3A_359] : memref<12816xf32, #tpu.memory_space<vmem>> -> memref<12800xf32, #tpu.memory_space<vmem>>
      tpu.wait_dma2 semaphore(%run_scoped3A : memref<!tpu.dma_semaphore, #tpu.memory_space<semaphore_mem>>) src(%arg4 : memref<12800xf32, #tpu.memory_space<hbm>>) dst(%dma_wait3A_360 : memref<12800xf32, #tpu.memory_space<vmem>>)
      tpu.yield
    }) : () -> ()
    %get3A = arith.constant 0 : i32
    %get3A_3 = arith.index_cast %get3A : i32 to index
    %get3A_4 = arith.constant 0 : index
    %get3A_5 = tpu.vector_load %arg6[%get3A_3, %get3A_4] {strides = array<i32>} : memref<200x128xi32, #tpu.memory_space<vmem>>, vector<16xi32>,
    %shift_right_logical3A = arith.constant 1 : i32
    %shift_right_logical3A_6 = vector.broadcast %shift_right_logical3A : i32 to vector<16xi32>
    %shift_right_logical3A_7 = arith.shrui %get3A_5, %shift_right_logical3A_6 : vector<16xi32>
    %swap3A = arith.constant 0 : index
    %swap3A_8 = tpu.vector_load %arg8[%swap3A] {strides = array<i32>} : memref<128xi32, #tpu.memory_space<vmem>>, vector<16xi32>,
    tpu.vector_store %arg8[%swap3A], %shift_right_logical3A_7 {strides = array<i32>} : memref<128xi32, #tpu.memory_space<vmem>>, vector<16xi32>,
    %get3A_9 = arith.constant 0 : i32
    %get3A_10 = arith.index_cast %get3A_9 : i32 to index
    %get3A_11 = arith.constant 16 : index
    %get3A_12 = tpu.vector_load %arg6[%get3A_10, %get3A_11] {strides = array<i32>} : memref<200x128xi32, #tpu.memory_space<vmem>>, vector<16xi32>,
    %shift_right_logical3A_13 = arith.constant 1 : i32
    %shift_right_logical3A_14 = vector.broadcast %shift_right_logical3A_13 : i32 to vector<16xi32>
    %shift_right_logical3A_15 = arith.shrui %get3A_12, %shift_right_logical3A_14 : vector<16xi32>
    %swap3A_16 = arith.constant 16 : index
    %swap3A_17 = tpu.vector_load %arg8[%swap3A_16] {strides = array<i32>} : memref<128xi32, #tpu.memory_space<vmem>>, vector<16xi32>,
    tpu.vector_store %arg8[%swap3A_16], %shift_right_logical3A_15 {strides = array<i32>} : memref<128xi32, #tpu.memory_space<vmem>>, vector<16xi32>,
    %get3A_18 = arith.constant 0 : i32
    %get3A_19 = arith.index_cast %get3A_18 : i32 to index
    %get3A_20 = arith.constant 32 : index
    %get3A_21 = tpu.vector_load %arg6[%get3A_19, %get3A_20] {strides = array<i32>} : memref<200x128xi32, #tpu.memory_space<vmem>>, vector<16xi32>,
    %shift_right_logical3A_22 = arith.constant 1 : i32
    %shift_right_logical3A_23 = vector.broadcast %shift_right_logical3A_22 : i32 to vector<16xi32>
    %shift_right_logical3A_24 = arith.shrui %get3A_21, %shift_right_logical3A_23 : vector<16xi32>
    %swap3A_25 = arith.constant 32 : index
    %swap3A_26 = tpu.vector_load %arg8[%swap3A_25] {strides = array<i32>} : memref<128xi32, #tpu.memory_space<vmem>>, vector<16xi32>,
    tpu.vector_store %arg8[%swap3A_25], %shift_right_logical3A_24 {strides = array<i32>} : memref<128xi32, #tpu.memory_space<vmem>>, vector<16xi32>,
    %get3A_27 = arith.constant 0 : i32
    %get3A_28 = arith.index_cast %get3A_27 : i32 to index
    %get3A_29 = arith.constant 48 : index
    %get3A_30 = tpu.vector_load %arg6[%get3A_28, %get3A_29] {strides = array<i32>} : memref<200x128xi32, #tpu.memory_space<vmem>>, vector<16xi32>,
    %shift_right_logical3A_31 = arith.constant 1 : i32
    %shift_right_logical3A_32 = vector.broadcast %shift_right_logical3A_31 : i32 to vector<16xi32>
    %shift_right_logical3A_33 = arith.shrui %get3A_30, %shift_right_logical3A_32 : vector<16xi32>
    %swap3A_34 = arith.constant 48 : index
    %swap3A_35 = tpu.vector_load %arg8[%swap3A_34] {strides = array<i32>} : memref<128xi32, #tpu.memory_space<vmem>>, vector<16xi32>,
    tpu.vector_store %arg8[%swap3A_34], %shift_right_logical3A_33 {strides = array<i32>} : memref<128xi32, #tpu.memory_space<vmem>>, vector<16xi32>,
    %get3A_36 = arith.constant 0 : i32
    %get3A_37 = arith.index_cast %get3A_36 : i32 to index
    %get3A_38 = arith.constant 64 : index
    %get3A_39 = tpu.vector_load %arg6[%get3A_37, %get3A_38] {strides = array<i32>} : memref<200x128xi32, #tpu.memory_space<vmem>>, vector<16xi32>,
    %shift_right_logical3A_40 = arith.constant 1 : i32
    %shift_right_logical3A_41 = vector.broadcast %shift_right_logical3A_40 : i32 to vector<16xi32>
    %shift_right_logical3A_42 = arith.shrui %get3A_39, %shift_right_logical3A_41 : vector<16xi32>
    %swap3A_43 = arith.constant 64 : index
    %swap3A_44 = tpu.vector_load %arg8[%swap3A_43] {strides = array<i32>} : memref<128xi32, #tpu.memory_space<vmem>>, vector<16xi32>,
    tpu.vector_store %arg8[%swap3A_43], %shift_right_logical3A_42 {strides = array<i32>} : memref<128xi32, #tpu.memory_space<vmem>>, vector<16xi32>,
    %get3A_45 = arith.constant 0 : i32
    %get3A_46 = arith.index_cast %get3A_45 : i32 to index
    %get3A_47 = arith.constant 80 : index
    %get3A_48 = tpu.vector_load %arg6[%get3A_46, %get3A_47] {strides = array<i32>} : memref<200x128xi32, #tpu.memory_space<vmem>>, vector<16xi32>,
    %shift_right_logical3A_49 = arith.constant 1 : i32
    %shift_right_logical3A_50 = vector.broadcast %shift_right_logical3A_49 : i32 to vector<16xi32>
    %shift_right_logical3A_51 = arith.shrui %get3A_48, %shift_right_logical3A_50 : vector<16xi32>
    %swap3A_52 = arith.constant 80 : index
    %swap3A_53 = tpu.vector_load %arg8[%swap3A_52] {strides = array<i32>} : memref<128xi32, #tpu.memory_space<vmem>>, vector<16xi32>,
    tpu.vector_store %arg8[%swap3A_52], %shift_right_logical3A_51 {strides = array<i32>} : memref<128xi32, #tpu.memory_space<vmem>>, vector<16xi32>,
    %get3A_54 = arith.constant 0 : i32
    %get3A_55 = arith.index_cast %get3A_54 : i32 to index
    %get3A_56 = arith.constant 96 : index
    %get3A_57 = tpu.vector_load %arg6[%get3A_55, %get3A_56] {strides = array<i32>} : memref<200x128xi32, #tpu.memory_space<vmem>>, vector<16xi32>,
    %shift_right_logical3A_58 = arith.constant 1 : i32
    %shift_right_logical3A_59 = vector.broadcast %shift_right_logical3A_58 : i32 to vector<16xi32>
    %shift_right_logical3A_60 = arith.shrui %get3A_57, %shift_right_logical3A_59 : vector<16xi32>
    %swap3A_61 = arith.constant 96 : index
    %swap3A_62 = tpu.vector_load %arg8[%swap3A_61] {strides = array<i32>} : memref<128xi32, #tpu.memory_space<vmem>>, vector<16xi32>,
    tpu.vector_store %arg8[%swap3A_61], %shift_right_logical3A_60 {strides = array<i32>} : memref<128xi32, #tpu.memory_space<vmem>>, vector<16xi32>,
    %get3A_63 = arith.constant 0 : i32
    %get3A_64 = arith.index_cast %get3A_63 : i32 to index
    %get3A_65 = arith.constant 112 : index
    %get3A_66 = tpu.vector_load %arg6[%get3A_64, %get3A_65] {strides = array<i32>} : memref<200x128xi32, #tpu.memory_space<vmem>>, vector<16xi32>,
    %shift_right_logical3A_67 = arith.constant 1 : i32
    %shift_right_logical3A_68 = vector.broadcast %shift_right_logical3A_67 : i32 to vector<16xi32>
    %shift_right_logical3A_69 = arith.shrui %get3A_66, %shift_right_logical3A_68 : vector<16xi32>
    %swap3A_70 = arith.constant 112 : index
    %swap3A_71 = tpu.vector_load %arg8[%swap3A_70] {strides = array<i32>} : memref<128xi32, #tpu.memory_space<vmem>>, vector<16xi32>,
    tpu.vector_store %arg8[%swap3A_70], %shift_right_logical3A_69 {strides = array<i32>} : memref<128xi32, #tpu.memory_space<vmem>>, vector<16xi32>,
    %dma_start3A = arith.constant 0 : i32
    %dma_start3A_72 = arith.constant 0 : i32
    %dma_start3A_73 = tpu.memref_slice %arg12[%dma_start3A, %dma_start3A_72] : memref<128x128xf32, #tpu.memory_space<vmem>> -> memref<32x128xf32, #tpu.memory_space<vmem>>
    %dma_start3A_74 = arith.constant 0 : i32
    %dma_start3A_75 = tpu.memref_slice %arg8[%dma_start3A_74] : memref<128xi32, #tpu.memory_space<vmem>> -> memref<32xi32, #tpu.memory_space<vmem>>
    %dma_start3A_76 = arith.constant 0 : i32
    %dma_start3A_77 = arith.constant 0 : i32
    %dma_start3A_78 = tpu.memref_slice %arg3[%dma_start3A_76, %dma_start3A_77] : memref<500000x128xf32, #tpu.memory_space<hbm>> -> memref<500000x128xf32, #tpu.memory_space<hbm>>
    tpu.enqueue_indirect_dma source(%dma_start3A_78 : memref<500000x128xf32, #tpu.memory_space<hbm>>) target(%dma_start3A_73 : memref<32x128xf32, #tpu.memory_space<vmem>>) offsets(%dma_start3A_75 : memref<32xi32, #tpu.memory_space<vmem>>) semaphore(%arg18 : memref<!tpu.dma_semaphore, #tpu.memory_space<semaphore_mem>>)
    %dma_start3A_79 = arith.constant 32 : i32
    %dma_start3A_80 = arith.constant 0 : i32
    %dma_start3A_81 = tpu.memref_slice %arg12[%dma_start3A_79, %dma_start3A_80] : memref<128x128xf32, #tpu.memory_space<vmem>> -> memref<32x128xf32, #tpu.memory_space<vmem>>
    %dma_start3A_82 = arith.constant 32 : i32
    %dma_start3A_83 = tpu.memref_slice %arg8[%dma_start3A_82] : memref<128xi32, #tpu.memory_space<vmem>> -> memref<32xi32, #tpu.memory_space<vmem>>
    %dma_start3A_84 = arith.constant 0 : i32
    %dma_start3A_85 = arith.constant 0 : i32
    %dma_start3A_86 = tpu.memref_slice %arg3[%dma_start3A_84, %dma_start3A_85] : memref<500000x128xf32, #tpu.memory_space<hbm>> -> memref<500000x128xf32, #tpu.memory_space<hbm>>
    tpu.enqueue_indirect_dma source(%dma_start3A_86 : memref<500000x128xf32, #tpu.memory_space<hbm>>) target(%dma_start3A_81 : memref<32x128xf32, #tpu.memory_space<vmem>>) offsets(%dma_start3A_83 : memref<32xi32, #tpu.memory_space<vmem>>) semaphore(%arg19 : memref<!tpu.dma_semaphore, #tpu.memory_space<semaphore_mem>>)
    %dma_start3A_87 = arith.constant 64 : i32
    %dma_start3A_88 = arith.constant 0 : i32
    %dma_start3A_89 = tpu.memref_slice %arg12[%dma_start3A_87, %dma_start3A_88] : memref<128x128xf32, #tpu.memory_space<vmem>> -> memref<32x128xf32, #tpu.memory_space<vmem>>
    %dma_start3A_90 = arith.constant 64 : i32
    %dma_start3A_91 = tpu.memref_slice %arg8[%dma_start3A_90] : memref<128xi32, #tpu.memory_space<vmem>> -> memref<32xi32, #tpu.memory_space<vmem>>
    %dma_start3A_92 = arith.constant 0 : i32
    %dma_start3A_93 = arith.constant 0 : i32
    %dma_start3A_94 = tpu.memref_slice %arg3[%dma_start3A_92, %dma_start3A_93] : memref<500000x128xf32, #tpu.memory_space<hbm>> -> memref<500000x128xf32, #tpu.memory_space<hbm>>
    tpu.enqueue_indirect_dma source(%dma_start3A_94 : memref<500000x128xf32, #tpu.memory_space<hbm>>) target(%dma_start3A_89 : memref<32x128xf32, #tpu.memory_space<vmem>>) offsets(%dma_start3A_91 : memref<32xi32, #tpu.memory_space<vmem>>) semaphore(%arg20 : memref<!tpu.dma_semaphore, #tpu.memory_space<semaphore_mem>>)
    %dma_start3A_95 = arith.constant 96 : i32
    %dma_start3A_96 = arith.constant 0 : i32
    %dma_start3A_97 = tpu.memref_slice %arg12[%dma_start3A_95, %dma_start3A_96] : memref<128x128xf32, #tpu.memory_space<vmem>> -> memref<32x128xf32, #tpu.memory_space<vmem>>
    %dma_start3A_98 = arith.constant 96 : i32
    %dma_start3A_99 = tpu.memref_slice %arg8[%dma_start3A_98] : memref<128xi32, #tpu.memory_space<vmem>> -> memref<32xi32, #tpu.memory_space<vmem>>
    %dma_start3A_100 = arith.constant 0 : i32
    %dma_start3A_101 = arith.constant 0 : i32
    %dma_start3A_102 = tpu.memref_slice %arg3[%dma_start3A_100, %dma_start3A_101] : memref<500000x128xf32, #tpu.memory_space<hbm>> -> memref<500000x128xf32, #tpu.memory_space<hbm>>
    tpu.enqueue_indirect_dma source(%dma_start3A_102 : memref<500000x128xf32, #tpu.memory_space<hbm>>) target(%dma_start3A_97 : memref<32x128xf32, #tpu.memory_space<vmem>>) offsets(%dma_start3A_99 : memref<32xi32, #tpu.memory_space<vmem>>) semaphore(%arg21 : memref<!tpu.dma_semaphore, #tpu.memory_space<semaphore_mem>>)
    %get3A_103 = arith.constant 1 : i32
    %get3A_104 = arith.index_cast %get3A_103 : i32 to index
    %get3A_105 = arith.constant 0 : index
    %get3A_106 = tpu.vector_load %arg6[%get3A_104, %get3A_105] {strides = array<i32>} : memref<200x128xi32, #tpu.memory_space<vmem>>, vector<16xi32>,
    %shift_right_logical3A_107 = arith.constant 1 : i32
    %shift_right_logical3A_108 = vector.broadcast %shift_right_logical3A_107 : i32 to vector<16xi32>
    %shift_right_logical3A_109 = arith.shrui %get3A_106, %shift_right_logical3A_108 : vector<16xi32>
    %swap3A_110 = arith.constant 0 : index
    %swap3A_111 = tpu.vector_load %arg9[%swap3A_110] {strides = array<i32>} : memref<128xi32, #tpu.memory_space<vmem>>, vector<16xi32>,
    tpu.vector_store %arg9[%swap3A_110], %shift_right_logical3A_109 {strides = array<i32>} : memref<128xi32, #tpu.memory_space<vmem>>, vector<16xi32>,
    %get3A_112 = arith.constant 1 : i32
    %get3A_113 = arith.index_cast %get3A_112 : i32 to index
    %get3A_114 = arith.constant 16 : index
    %get3A_115 = tpu.vector_load %arg6[%get3A_113, %get3A_114] {strides = array<i32>} : memref<200x128xi32, #tpu.memory_space<vmem>>, vector<16xi32>,
    %shift_right_logical3A_116 = arith.constant 1 : i32
    %shift_right_logical3A_117 = vector.broadcast %shift_right_logical3A_116 : i32 to vector<16xi32>
    %shift_right_logical3A_118 = arith.shrui %get3A_115, %shift_right_logical3A_117 : vector<16xi32>
    %swap3A_119 = arith.constant 16 : index
    %swap3A_120 = tpu.vector_load %arg9[%swap3A_119] {strides = array<i32>} : memref<128xi32, #tpu.memory_space<vmem>>, vector<16xi32>,
    tpu.vector_store %arg9[%swap3A_119], %shift_right_logical3A_118 {strides = array<i32>} : memref<128xi32, #tpu.memory_space<vmem>>, vector<16xi32>,
    %get3A_121 = arith.constant 1 : i32
    %get3A_122 = arith.index_cast %get3A_121 : i32 to index
    %get3A_123 = arith.constant 32 : index
    %get3A_124 = tpu.vector_load %arg6[%get3A_122, %get3A_123] {strides = array<i32>} : memref<200x128xi32, #tpu.memory_space<vmem>>, vector<16xi32>,
    %shift_right_logical3A_125 = arith.constant 1 : i32
    %shift_right_logical3A_126 = vector.broadcast %shift_right_logical3A_125 : i32 to vector<16xi32>
    %shift_right_logical3A_127 = arith.shrui %get3A_124, %shift_right_logical3A_126 : vector<16xi32>
    %swap3A_128 = arith.constant 32 : index
    %swap3A_129 = tpu.vector_load %arg9[%swap3A_128] {strides = array<i32>} : memref<128xi32, #tpu.memory_space<vmem>>, vector<16xi32>,
    tpu.vector_store %arg9[%swap3A_128], %shift_right_logical3A_127 {strides = array<i32>} : memref<128xi32, #tpu.memory_space<vmem>>, vector<16xi32>,
    %get3A_130 = arith.constant 1 : i32
    %get3A_131 = arith.index_cast %get3A_130 : i32 to index
    %get3A_132 = arith.constant 48 : index
    %get3A_133 = tpu.vector_load %arg6[%get3A_131, %get3A_132] {strides = array<i32>} : memref<200x128xi32, #tpu.memory_space<vmem>>, vector<16xi32>,
    %shift_right_logical3A_134 = arith.constant 1 : i32
    %shift_right_logical3A_135 = vector.broadcast %shift_right_logical3A_134 : i32 to vector<16xi32>
    %shift_right_logical3A_136 = arith.shrui %get3A_133, %shift_right_logical3A_135 : vector<16xi32>
    %swap3A_137 = arith.constant 48 : index
    %swap3A_138 = tpu.vector_load %arg9[%swap3A_137] {strides = array<i32>} : memref<128xi32, #tpu.memory_space<vmem>>, vector<16xi32>,
    tpu.vector_store %arg9[%swap3A_137], %shift_right_logical3A_136 {strides = array<i32>} : memref<128xi32, #tpu.memory_space<vmem>>, vector<16xi32>,
    %get3A_139 = arith.constant 1 : i32
    %get3A_140 = arith.index_cast %get3A_139 : i32 to index
    %get3A_141 = arith.constant 64 : index
    %get3A_142 = tpu.vector_load %arg6[%get3A_140, %get3A_141] {strides = array<i32>} : memref<200x128xi32, #tpu.memory_space<vmem>>, vector<16xi32>,
    %shift_right_logical3A_143 = arith.constant 1 : i32
    %shift_right_logical3A_144 = vector.broadcast %shift_right_logical3A_143 : i32 to vector<16xi32>
    %shift_right_logical3A_145 = arith.shrui %get3A_142, %shift_right_logical3A_144 : vector<16xi32>
    %swap3A_146 = arith.constant 64 : index
    %swap3A_147 = tpu.vector_load %arg9[%swap3A_146] {strides = array<i32>} : memref<128xi32, #tpu.memory_space<vmem>>, vector<16xi32>,
    tpu.vector_store %arg9[%swap3A_146], %shift_right_logical3A_145 {strides = array<i32>} : memref<128xi32, #tpu.memory_space<vmem>>, vector<16xi32>,
    %get3A_148 = arith.constant 1 : i32
    %get3A_149 = arith.index_cast %get3A_148 : i32 to index
    %get3A_150 = arith.constant 80 : index
    %get3A_151 = tpu.vector_load %arg6[%get3A_149, %get3A_150] {strides = array<i32>} : memref<200x128xi32, #tpu.memory_space<vmem>>, vector<16xi32>,
    %shift_right_logical3A_152 = arith.constant 1 : i32
    %shift_right_logical3A_153 = vector.broadcast %shift_right_logical3A_152 : i32 to vector<16xi32>
    %shift_right_logical3A_154 = arith.shrui %get3A_151, %shift_right_logical3A_153 : vector<16xi32>
    %swap3A_155 = arith.constant 80 : index
    %swap3A_156 = tpu.vector_load %arg9[%swap3A_155] {strides = array<i32>} : memref<128xi32, #tpu.memory_space<vmem>>, vector<16xi32>,
    tpu.vector_store %arg9[%swap3A_155], %shift_right_logical3A_154 {strides = array<i32>} : memref<128xi32, #tpu.memory_space<vmem>>, vector<16xi32>,
    %get3A_157 = arith.constant 1 : i32
    %get3A_158 = arith.index_cast %get3A_157 : i32 to index
    %get3A_159 = arith.constant 96 : index
    %get3A_160 = tpu.vector_load %arg6[%get3A_158, %get3A_159] {strides = array<i32>} : memref<200x128xi32, #tpu.memory_space<vmem>>, vector<16xi32>,
    %shift_right_logical3A_161 = arith.constant 1 : i32
    %shift_right_logical3A_162 = vector.broadcast %shift_right_logical3A_161 : i32 to vector<16xi32>
    %shift_right_logical3A_163 = arith.shrui %get3A_160, %shift_right_logical3A_162 : vector<16xi32>
    %swap3A_164 = arith.constant 96 : index
    %swap3A_165 = tpu.vector_load %arg9[%swap3A_164] {strides = array<i32>} : memref<128xi32, #tpu.memory_space<vmem>>, vector<16xi32>,
    tpu.vector_store %arg9[%swap3A_164], %shift_right_logical3A_163 {strides = array<i32>} : memref<128xi32, #tpu.memory_space<vmem>>, vector<16xi32>,
    %get3A_166 = arith.constant 1 : i32
    %get3A_167 = arith.index_cast %get3A_166 : i32 to index
    %get3A_168 = arith.constant 112 : index
    %get3A_169 = tpu.vector_load %arg6[%get3A_167, %get3A_168] {strides = array<i32>} : memref<200x128xi32, #tpu.memory_space<vmem>>, vector<16xi32>,
    %shift_right_logical3A_170 = arith.constant 1 : i32
    %shift_right_logical3A_171 = vector.broadcast %shift_right_logical3A_170 : i32 to vector<16xi32>
    %shift_right_logical3A_172 = arith.shrui %get3A_169, %shift_right_logical3A_171 : vector<16xi32>
    %swap3A_173 = arith.constant 112 : index
    %swap3A_174 = tpu.vector_load %arg9[%swap3A_173] {strides = array<i32>} : memref<128xi32, #tpu.memory_space<vmem>>, vector<16xi32>,
    tpu.vector_store %arg9[%swap3A_173], %shift_right_logical3A_172 {strides = array<i32>} : memref<128xi32, #tpu.memory_space<vmem>>, vector<16xi32>,
    %dma_start3A_175 = arith.constant 0 : i32
    %dma_start3A_176 = arith.constant 0 : i32
    %dma_start3A_177 = tpu.memref_slice %arg13[%dma_start3A_175, %dma_start3A_176] : memref<128x128xf32, #tpu.memory_space<vmem>> -> memref<32x128xf32, #tpu.memory_space<vmem>>
    %dma_start3A_178 = arith.constant 0 : i32
    %dma_start3A_179 = tpu.memref_slice %arg9[%dma_start3A_178] : memref<128xi32, #tpu.memory_space<vmem>> -> memref<32xi32, #tpu.memory_space<vmem>>
    %dma_start3A_180 = arith.constant 0 : i32
    %dma_start3A_181 = arith.constant 0 : i32
    %dma_start3A_182 = tpu.memref_slice %arg3[%dma_start3A_180, %dma_start3A_181] : memref<500000x128xf32, #tpu.memory_space<hbm>> -> memref<500000x128xf32, #tpu.memory_space<hbm>>
    tpu.enqueue_indirect_dma source(%dma_start3A_182 : memref<500000x128xf32, #tpu.memory_space<hbm>>) target(%dma_start3A_177 : memref<32x128xf32, #tpu.memory_space<vmem>>) offsets(%dma_start3A_179 : memref<32xi32, #tpu.memory_space<vmem>>) semaphore(%arg22 : memref<!tpu.dma_semaphore, #tpu.memory_space<semaphore_mem>>)
    %dma_start3A_183 = arith.constant 32 : i32
    %dma_start3A_184 = arith.constant 0 : i32
    %dma_start3A_185 = tpu.memref_slice %arg13[%dma_start3A_183, %dma_start3A_184] : memref<128x128xf32, #tpu.memory_space<vmem>> -> memref<32x128xf32, #tpu.memory_space<vmem>>
    %dma_start3A_186 = arith.constant 32 : i32
    %dma_start3A_187 = tpu.memref_slice %arg9[%dma_start3A_186] : memref<128xi32, #tpu.memory_space<vmem>> -> memref<32xi32, #tpu.memory_space<vmem>>
    %dma_start3A_188 = arith.constant 0 : i32
    %dma_start3A_189 = arith.constant 0 : i32
    %dma_start3A_190 = tpu.memref_slice %arg3[%dma_start3A_188, %dma_start3A_189] : memref<500000x128xf32, #tpu.memory_space<hbm>> -> memref<500000x128xf32, #tpu.memory_space<hbm>>
    tpu.enqueue_indirect_dma source(%dma_start3A_190 : memref<500000x128xf32, #tpu.memory_space<hbm>>) target(%dma_start3A_185 : memref<32x128xf32, #tpu.memory_space<vmem>>) offsets(%dma_start3A_187 : memref<32xi32, #tpu.memory_space<vmem>>) semaphore(%arg23 : memref<!tpu.dma_semaphore, #tpu.memory_space<semaphore_mem>>)
    %dma_start3A_191 = arith.constant 64 : i32
    %dma_start3A_192 = arith.constant 0 : i32
    %dma_start3A_193 = tpu.memref_slice %arg13[%dma_start3A_191, %dma_start3A_192] : memref<128x128xf32, #tpu.memory_space<vmem>> -> memref<32x128xf32, #tpu.memory_space<vmem>>
    %dma_start3A_194 = arith.constant 64 : i32
    %dma_start3A_195 = tpu.memref_slice %arg9[%dma_start3A_194] : memref<128xi32, #tpu.memory_space<vmem>> -> memref<32xi32, #tpu.memory_space<vmem>>
    %dma_start3A_196 = arith.constant 0 : i32
    %dma_start3A_197 = arith.constant 0 : i32
    %dma_start3A_198 = tpu.memref_slice %arg3[%dma_start3A_196, %dma_start3A_197] : memref<500000x128xf32, #tpu.memory_space<hbm>> -> memref<500000x128xf32, #tpu.memory_space<hbm>>
    tpu.enqueue_indirect_dma source(%dma_start3A_198 : memref<500000x128xf32, #tpu.memory_space<hbm>>) target(%dma_start3A_193 : memref<32x128xf32, #tpu.memory_space<vmem>>) offsets(%dma_start3A_195 : memref<32xi32, #tpu.memory_space<vmem>>) semaphore(%arg24 : memref<!tpu.dma_semaphore, #tpu.memory_space<semaphore_mem>>)
    %dma_start3A_199 = arith.constant 96 : i32
    %dma_start3A_200 = arith.constant 0 : i32
    %dma_start3A_201 = tpu.memref_slice %arg13[%dma_start3A_199, %dma_start3A_200] : memref<128x128xf32, #tpu.memory_space<vmem>> -> memref<32x128xf32, #tpu.memory_space<vmem>>
    %dma_start3A_202 = arith.constant 96 : i32
    %dma_start3A_203 = tpu.memref_slice %arg9[%dma_start3A_202] : memref<128xi32, #tpu.memory_space<vmem>> -> memref<32xi32, #tpu.memory_space<vmem>>
    %dma_start3A_204 = arith.constant 0 : i32
    %dma_start3A_205 = arith.constant 0 : i32
    %dma_start3A_206 = tpu.memref_slice %arg3[%dma_start3A_204, %dma_start3A_205] : memref<500000x128xf32, #tpu.memory_space<hbm>> -> memref<500000x128xf32, #tpu.memory_space<hbm>>
    tpu.enqueue_indirect_dma source(%dma_start3A_206 : memref<500000x128xf32, #tpu.memory_space<hbm>>) target(%dma_start3A_201 : memref<32x128xf32, #tpu.memory_space<vmem>>) offsets(%dma_start3A_203 : memref<32xi32, #tpu.memory_space<vmem>>) semaphore(%arg25 : memref<!tpu.dma_semaphore, #tpu.memory_space<semaphore_mem>>)
    %get3A_207 = arith.constant 2 : i32
    %get3A_208 = arith.index_cast %get3A_207 : i32 to index
    %get3A_209 = arith.constant 0 : index
    %get3A_210 = tpu.vector_load %arg6[%get3A_208, %get3A_209] {strides = array<i32>} : memref<200x128xi32, #tpu.memory_space<vmem>>, vector<16xi32>,
    %shift_right_logical3A_211 = arith.constant 1 : i32
    %shift_right_logical3A_212 = vector.broadcast %shift_right_logical3A_211 : i32 to vector<16xi32>
    %shift_right_logical3A_213 = arith.shrui %get3A_210, %shift_right_logical3A_212 : vector<16xi32>
    %swap3A_214 = arith.constant 0 : index
    %swap3A_215 = tpu.vector_load %arg10[%swap3A_214] {strides = array<i32>} : memref<128xi32, #tpu.memory_space<vmem>>, vector<16xi32>,
    tpu.vector_store %arg10[%swap3A_214], %shift_right_logical3A_213 {strides = array<i32>} : memref<128xi32, #tpu.memory_space<vmem>>, vector<16xi32>,
    %get3A_216 = arith.constant 2 : i32
    %get3A_217 = arith.index_cast %get3A_216 : i32 to index
    %get3A_218 = arith.constant 16 : index
    %get3A_219 = tpu.vector_load %arg6[%get3A_217, %get3A_218] {strides = array<i32>} : memref<200x128xi32, #tpu.memory_space<vmem>>, vector<16xi32>,
    %shift_right_logical3A_220 = arith.constant 1 : i32
    %shift_right_logical3A_221 = vector.broadcast %shift_right_logical3A_220 : i32 to vector<16xi32>
    %shift_right_logical3A_222 = arith.shrui %get3A_219, %shift_right_logical3A_221 : vector<16xi32>
    %swap3A_223 = arith.constant 16 : index
    %swap3A_224 = tpu.vector_load %arg10[%swap3A_223] {strides = array<i32>} : memref<128xi32, #tpu.memory_space<vmem>>, vector<16xi32>,
    tpu.vector_store %arg10[%swap3A_223], %shift_right_logical3A_222 {strides = array<i32>} : memref<128xi32, #tpu.memory_space<vmem>>, vector<16xi32>,
    %get3A_225 = arith.constant 2 : i32
    %get3A_226 = arith.index_cast %get3A_225 : i32 to index
    %get3A_227 = arith.constant 32 : index
    %get3A_228 = tpu.vector_load %arg6[%get3A_226, %get3A_227] {strides = array<i32>} : memref<200x128xi32, #tpu.memory_space<vmem>>, vector<16xi32>,
    %shift_right_logical3A_229 = arith.constant 1 : i32
    %shift_right_logical3A_230 = vector.broadcast %shift_right_logical3A_229 : i32 to vector<16xi32>
    %shift_right_logical3A_231 = arith.shrui %get3A_228, %shift_right_logical3A_230 : vector<16xi32>
    %swap3A_232 = arith.constant 32 : index
    %swap3A_233 = tpu.vector_load %arg10[%swap3A_232] {strides = array<i32>} : memref<128xi32, #tpu.memory_space<vmem>>, vector<16xi32>,
    tpu.vector_store %arg10[%swap3A_232], %shift_right_logical3A_231 {strides = array<i32>} : memref<128xi32, #tpu.memory_space<vmem>>, vector<16xi32>,
    %get3A_234 = arith.constant 2 : i32
    %get3A_235 = arith.index_cast %get3A_234 : i32 to index
    %get3A_236 = arith.constant 48 : index
    %get3A_237 = tpu.vector_load %arg6[%get3A_235, %get3A_236] {strides = array<i32>} : memref<200x128xi32, #tpu.memory_space<vmem>>, vector<16xi32>,
    %shift_right_logical3A_238 = arith.constant 1 : i32
    %shift_right_logical3A_239 = vector.broadcast %shift_right_logical3A_238 : i32 to vector<16xi32>
    %shift_right_logical3A_240 = arith.shrui %get3A_237, %shift_right_logical3A_239 : vector<16xi32>
    %swap3A_241 = arith.constant 48 : index
    %swap3A_242 = tpu.vector_load %arg10[%swap3A_241] {strides = array<i32>} : memref<128xi32, #tpu.memory_space<vmem>>, vector<16xi32>,
    tpu.vector_store %arg10[%swap3A_241], %shift_right_logical3A_240 {strides = array<i32>} : memref<128xi32, #tpu.memory_space<vmem>>, vector<16xi32>,
    %get3A_243 = arith.constant 2 : i32
    %get3A_244 = arith.index_cast %get3A_243 : i32 to index
    %get3A_245 = arith.constant 64 : index
    %get3A_246 = tpu.vector_load %arg6[%get3A_244, %get3A_245] {strides = array<i32>} : memref<200x128xi32, #tpu.memory_space<vmem>>, vector<16xi32>,
    %shift_right_logical3A_247 = arith.constant 1 : i32
    %shift_right_logical3A_248 = vector.broadcast %shift_right_logical3A_247 : i32 to vector<16xi32>
    %shift_right_logical3A_249 = arith.shrui %get3A_246, %shift_right_logical3A_248 : vector<16xi32>
    %swap3A_250 = arith.constant 64 : index
    %swap3A_251 = tpu.vector_load %arg10[%swap3A_250] {strides = array<i32>} : memref<128xi32, #tpu.memory_space<vmem>>, vector<16xi32>,
    tpu.vector_store %arg10[%swap3A_250], %shift_right_logical3A_249 {strides = array<i32>} : memref<128xi32, #tpu.memory_space<vmem>>, vector<16xi32>,
    %get3A_252 = arith.constant 2 : i32
    %get3A_253 = arith.index_cast %get3A_252 : i32 to index
    %get3A_254 = arith.constant 80 : index
    %get3A_255 = tpu.vector_load %arg6[%get3A_253, %get3A_254] {strides = array<i32>} : memref<200x128xi32, #tpu.memory_space<vmem>>, vector<16xi32>,
    %shift_right_logical3A_256 = arith.constant 1 : i32
    %shift_right_logical3A_257 = vector.broadcast %shift_right_logical3A_256 : i32 to vector<16xi32>
    %shift_right_logical3A_258 = arith.shrui %get3A_255, %shift_right_logical3A_257 : vector<16xi32>
    %swap3A_259 = arith.constant 80 : index
    %swap3A_260 = tpu.vector_load %arg10[%swap3A_259] {strides = array<i32>} : memref<128xi32, #tpu.memory_space<vmem>>, vector<16xi32>,
    tpu.vector_store %arg10[%swap3A_259], %shift_right_logical3A_258 {strides = array<i32>} : memref<128xi32, #tpu.memory_space<vmem>>, vector<16xi32>,
    %get3A_261 = arith.constant 2 : i32
    %get3A_262 = arith.index_cast %get3A_261 : i32 to index
    %get3A_263 = arith.constant 96 : index
    %get3A_264 = tpu.vector_load %arg6[%get3A_262, %get3A_263] {strides = array<i32>} : memref<200x128xi32, #tpu.memory_space<vmem>>, vector<16xi32>,
    %shift_right_logical3A_265 = arith.constant 1 : i32
    %shift_right_logical3A_266 = vector.broadcast %shift_right_logical3A_265 : i32 to vector<16xi32>
    %shift_right_logical3A_267 = arith.shrui %get3A_264, %shift_right_logical3A_266 : vector<16xi32>
    %swap3A_268 = arith.constant 96 : index
    %swap3A_269 = tpu.vector_load %arg10[%swap3A_268] {strides = array<i32>} : memref<128xi32, #tpu.memory_space<vmem>>, vector<16xi32>,
    tpu.vector_store %arg10[%swap3A_268], %shift_right_logical3A_267 {strides = array<i32>} : memref<128xi32, #tpu.memory_space<vmem>>, vector<16xi32>,
    %get3A_270 = arith.constant 2 : i32
    %get3A_271 = arith.index_cast %get3A_270 : i32 to index
    %get3A_272 = arith.constant 112 : index
    %get3A_273 = tpu.vector_load %arg6[%get3A_271, %get3A_272] {strides = array<i32>} : memref<200x128xi32, #tpu.memory_space<vmem>>, vector<16xi32>,
    %shift_right_logical3A_274 = arith.constant 1 : i32
    %shift_right_logical3A_275 = vector.broadcast %shift_right_logical3A_274 : i32 to vector<16xi32>
    %shift_right_logical3A_276 = arith.shrui %get3A_273, %shift_right_logical3A_275 : vector<16xi32>
    %swap3A_277 = arith.constant 112 : index
    %swap3A_278 = tpu.vector_load %arg10[%swap3A_277] {strides = array<i32>} : memref<128xi32, #tpu.memory_space<vmem>>, vector<16xi32>,
    tpu.vector_store %arg10[%swap3A_277], %shift_right_logical3A_276 {strides = array<i32>} : memref<128xi32, #tpu.memory_space<vmem>>, vector<16xi32>,
    %dma_start3A_279 = arith.constant 0 : i32
    %dma_start3A_280 = arith.constant 0 : i32
    %dma_start3A_281 = tpu.memref_slice %arg14[%dma_start3A_279, %dma_start3A_280] : memref<128x128xf32, #tpu.memory_space<vmem>> -> memref<32x128xf32, #tpu.memory_space<vmem>>
    %dma_start3A_282 = arith.constant 0 : i32
    %dma_start3A_283 = tpu.memref_slice %arg10[%dma_start3A_282] : memref<128xi32, #tpu.memory_space<vmem>> -> memref<32xi32, #tpu.memory_space<vmem>>
    %dma_start3A_284 = arith.constant 0 : i32
    %dma_start3A_285 = arith.constant 0 : i32
    %dma_start3A_286 = tpu.memref_slice %arg3[%dma_start3A_284, %dma_start3A_285] : memref<500000x128xf32, #tpu.memory_space<hbm>> -> memref<500000x128xf32, #tpu.memory_space<hbm>>
    tpu.enqueue_indirect_dma source(%dma_start3A_286 : memref<500000x128xf32, #tpu.memory_space<hbm>>) target(%dma_start3A_281 : memref<32x128xf32, #tpu.memory_space<vmem>>) offsets(%dma_start3A_283 : memref<32xi32, #tpu.memory_space<vmem>>) semaphore(%arg26 : memref<!tpu.dma_semaphore, #tpu.memory_space<semaphore_mem>>)
    %dma_start3A_287 = arith.constant 32 : i32
    %dma_start3A_288 = arith.constant 0 : i32
    %dma_start3A_289 = tpu.memref_slice %arg14[%dma_start3A_287, %dma_start3A_288] : memref<128x128xf32, #tpu.memory_space<vmem>> -> memref<32x128xf32, #tpu.memory_space<vmem>>
    %dma_start3A_290 = arith.constant 32 : i32
    %dma_start3A_291 = tpu.memref_slice %arg10[%dma_start3A_290] : memref<128xi32, #tpu.memory_space<vmem>> -> memref<32xi32, #tpu.memory_space<vmem>>
    %dma_start3A_292 = arith.constant 0 : i32
    %dma_start3A_293 = arith.constant 0 : i32
    %dma_start3A_294 = tpu.memref_slice %arg3[%dma_start3A_292, %dma_start3A_293] : memref<500000x128xf32, #tpu.memory_space<hbm>> -> memref<500000x128xf32, #tpu.memory_space<hbm>>
    tpu.enqueue_indirect_dma source(%dma_start3A_294 : memref<500000x128xf32, #tpu.memory_space<hbm>>) target(%dma_start3A_289 : memref<32x128xf32, #tpu.memory_space<vmem>>) offsets(%dma_start3A_291 : memref<32xi32, #tpu.memory_space<vmem>>) semaphore(%arg27 : memref<!tpu.dma_semaphore, #tpu.memory_space<semaphore_mem>>)
    %dma_start3A_295 = arith.constant 64 : i32
    %dma_start3A_296 = arith.constant 0 : i32
    %dma_start3A_297 = tpu.memref_slice %arg14[%dma_start3A_295, %dma_start3A_296] : memref<128x128xf32, #tpu.memory_space<vmem>> -> memref<32x128xf32, #tpu.memory_space<vmem>>
    %dma_start3A_298 = arith.constant 64 : i32
    %dma_start3A_299 = tpu.memref_slice %arg10[%dma_start3A_298] : memref<128xi32, #tpu.memory_space<vmem>> -> memref<32xi32, #tpu.memory_space<vmem>>
    %dma_start3A_300 = arith.constant 0 : i32
    %dma_start3A_301 = arith.constant 0 : i32
    %dma_start3A_302 = tpu.memref_slice %arg3[%dma_start3A_300, %dma_start3A_301] : memref<500000x128xf32, #tpu.memory_space<hbm>> -> memref<500000x128xf32, #tpu.memory_space<hbm>>
    tpu.enqueue_indirect_dma source(%dma_start3A_302 : memref<500000x128xf32, #tpu.memory_space<hbm>>) target(%dma_start3A_297 : memref<32x128xf32, #tpu.memory_space<vmem>>) offsets(%dma_start3A_299 : memref<32xi32, #tpu.memory_space<vmem>>) semaphore(%arg28 : memref<!tpu.dma_semaphore, #tpu.memory_space<semaphore_mem>>)
    %dma_start3A_303 = arith.constant 96 : i32
    %dma_start3A_304 = arith.constant 0 : i32
    %dma_start3A_305 = tpu.memref_slice %arg14[%dma_start3A_303, %dma_start3A_304] : memref<128x128xf32, #tpu.memory_space<vmem>> -> memref<32x128xf32, #tpu.memory_space<vmem>>
    %dma_start3A_306 = arith.constant 96 : i32
    %dma_start3A_307 = tpu.memref_slice %arg10[%dma_start3A_306] : memref<128xi32, #tpu.memory_space<vmem>> -> memref<32xi32, #tpu.memory_space<vmem>>
    %dma_start3A_308 = arith.constant 0 : i32
    %dma_start3A_309 = arith.constant 0 : i32
    %dma_start3A_310 = tpu.memref_slice %arg3[%dma_start3A_308, %dma_start3A_309] : memref<500000x128xf32, #tpu.memory_space<hbm>> -> memref<500000x128xf32, #tpu.memory_space<hbm>>
    tpu.enqueue_indirect_dma source(%dma_start3A_310 : memref<500000x128xf32, #tpu.memory_space<hbm>>) target(%dma_start3A_305 : memref<32x128xf32, #tpu.memory_space<vmem>>) offsets(%dma_start3A_307 : memref<32xi32, #tpu.memory_space<vmem>>) semaphore(%arg29 : memref<!tpu.dma_semaphore, #tpu.memory_space<semaphore_mem>>)
    %iota3A = tpu.iota {dimensions = array<i32: 0>} : vector<16xi32>
    %add3A_311 = arith.constant 0 : i32
    %add3A_312 = vector.broadcast %add3A_311 : i32 to vector<16xi32>
    %add3A_313 = arith.addi %add3A_312, %iota3A : vector<16xi32>
    %add3A_314 = arith.constant 16 : i32
    %add3A_315 = vector.broadcast %add3A_314 : i32 to vector<16xi32>
    %add3A_316 = arith.addi %add3A_315, %iota3A : vector<16xi32>
    %add3A_317 = arith.constant 32 : i32
    %add3A_318 = vector.broadcast %add3A_317 : i32 to vector<16xi32>
    %add3A_319 = arith.addi %add3A_318, %iota3A : vector<16xi32>
    %add3A_320 = arith.constant 48 : i32
    %add3A_321 = vector.broadcast %add3A_320 : i32 to vector<16xi32>
    %add3A_322 = arith.addi %add3A_321, %iota3A : vector<16xi32>
    %add3A_323 = arith.constant 64 : i32
    %add3A_324 = vector.broadcast %add3A_323 : i32 to vector<16xi32>
    %add3A_325 = arith.addi %add3A_324, %iota3A : vector<16xi32>
    %add3A_326 = arith.constant 80 : i32
    %add3A_327 = vector.broadcast %add3A_326 : i32 to vector<16xi32>
    %add3A_328 = arith.addi %add3A_327, %iota3A : vector<16xi32>
    %add3A_329 = arith.constant 96 : i32
    %add3A_330 = vector.broadcast %add3A_329 : i32 to vector<16xi32>
    %add3A_331 = arith.addi %add3A_330, %iota3A : vector<16xi32>
    %add3A_332 = arith.constant 112 : i32
    %add3A_333 = vector.broadcast %add3A_332 : i32 to vector<16xi32>
    %add3A_334 = arith.addi %add3A_333, %iota3A : vector<16xi32>
    %scan3A = arith.constant 0 : i32
    %scan3A_335 = arith.constant 0 : i32
    %scan3A_336 = arith.constant 50 : i32
    %scan3A_337 = arith.addi %scan3A_335, %scan3A_336 : i32
    %scan3A_338 = arith.constant 1 : i32
    scf.for %scan3A_353 = %scan3A_335 to %scan3A_337 step %scan3A_338  : i32 {
      %mul3A_354 = arith.constant 4 : i32
      %mul3A_355 = arith.muli %mul3A_354, %scan3A_353 : i32
      %add3A_356 = arith.constant 0 : i32
      %add3A_357 = arith.addi %mul3A_355, %add3A_356 : i32
      %add3A_358 = arith.constant 3 : i32
      %add3A_359 = arith.addi %add3A_357, %add3A_358 : i32
      %get3A_360 = arith.index_cast %add3A_359 : i32 to index
      %get3A_361 = arith.constant 0 : index
      %get3A_362 = tpu.vector_load %arg6[%get3A_360, %get3A_361] {strides = array<i32>} : memref<200x128xi32, #tpu.memory_space<vmem>>, vector<16xi32>,
      %shift_right_logical3A_363 = arith.constant 1 : i32
      %shift_right_logical3A_364 = vector.broadcast %shift_right_logical3A_363 : i32 to vector<16xi32>
      %shift_right_logical3A_365 = arith.shrui %get3A_362, %shift_right_logical3A_364 : vector<16xi32>
      %swap3A_366 = arith.constant 0 : index
      %swap3A_367 = tpu.vector_load %arg11[%swap3A_366] {strides = array<i32>} : memref<128xi32, #tpu.memory_space<vmem>>, vector<16xi32>,
      tpu.vector_store %arg11[%swap3A_366], %shift_right_logical3A_365 {strides = array<i32>} : memref<128xi32, #tpu.memory_space<vmem>>, vector<16xi32>,
      %get3A_368 = arith.index_cast %add3A_359 : i32 to index
      %get3A_369 = arith.constant 16 : index
      %get3A_370 = tpu.vector_load %arg6[%get3A_368, %get3A_369] {strides = array<i32>} : memref<200x128xi32, #tpu.memory_space<vmem>>, vector<16xi32>,
      %shift_right_logical3A_371 = arith.constant 1 : i32
      %shift_right_logical3A_372 = vector.broadcast %shift_right_logical3A_371 : i32 to vector<16xi32>
      %shift_right_logical3A_373 = arith.shrui %get3A_370, %shift_right_logical3A_372 : vector<16xi32>
      %swap3A_374 = arith.constant 16 : index
      %swap3A_375 = tpu.vector_load %arg11[%swap3A_374] {strides = array<i32>} : memref<128xi32, #tpu.memory_space<vmem>>, vector<16xi32>,
      tpu.vector_store %arg11[%swap3A_374], %shift_right_logical3A_373 {strides = array<i32>} : memref<128xi32, #tpu.memory_space<vmem>>, vector<16xi32>,
      %get3A_376 = arith.index_cast %add3A_359 : i32 to index
      %get3A_377 = arith.constant 32 : index
      %get3A_378 = tpu.vector_load %arg6[%get3A_376, %get3A_377] {strides = array<i32>} : memref<200x128xi32, #tpu.memory_space<vmem>>, vector<16xi32>,
      %shift_right_logical3A_379 = arith.constant 1 : i32
      %shift_right_logical3A_380 = vector.broadcast %shift_right_logical3A_379 : i32 to vector<16xi32>
      %shift_right_logical3A_381 = arith.shrui %get3A_378, %shift_right_logical3A_380 : vector<16xi32>
      %swap3A_382 = arith.constant 32 : index
      %swap3A_383 = tpu.vector_load %arg11[%swap3A_382] {strides = array<i32>} : memref<128xi32, #tpu.memory_space<vmem>>, vector<16xi32>,
      tpu.vector_store %arg11[%swap3A_382], %shift_right_logical3A_381 {strides = array<i32>} : memref<128xi32, #tpu.memory_space<vmem>>, vector<16xi32>,
      %get3A_384 = arith.index_cast %add3A_359 : i32 to index
      %get3A_385 = arith.constant 48 : index
      %get3A_386 = tpu.vector_load %arg6[%get3A_384, %get3A_385] {strides = array<i32>} : memref<200x128xi32, #tpu.memory_space<vmem>>, vector<16xi32>,
      %shift_right_logical3A_387 = arith.constant 1 : i32
      %shift_right_logical3A_388 = vector.broadcast %shift_right_logical3A_387 : i32 to vector<16xi32>
      %shift_right_logical3A_389 = arith.shrui %get3A_386, %shift_right_logical3A_388 : vector<16xi32>
      %swap3A_390 = arith.constant 48 : index
      %swap3A_391 = tpu.vector_load %arg11[%swap3A_390] {strides = array<i32>} : memref<128xi32, #tpu.memory_space<vmem>>, vector<16xi32>,
      tpu.vector_store %arg11[%swap3A_390], %shift_right_logical3A_389 {strides = array<i32>} : memref<128xi32, #tpu.memory_space<vmem>>, vector<16xi32>,
      %get3A_392 = arith.index_cast %add3A_359 : i32 to index
      %get3A_393 = arith.constant 64 : index
      %get3A_394 = tpu.vector_load %arg6[%get3A_392, %get3A_393] {strides = array<i32>} : memref<200x128xi32, #tpu.memory_space<vmem>>, vector<16xi32>,
      %shift_right_logical3A_395 = arith.constant 1 : i32
      %shift_right_logical3A_396 = vector.broadcast %shift_right_logical3A_395 : i32 to vector<16xi32>
      %shift_right_logical3A_397 = arith.shrui %get3A_394, %shift_right_logical3A_396 : vector<16xi32>
      %swap3A_398 = arith.constant 64 : index
      %swap3A_399 = tpu.vector_load %arg11[%swap3A_398] {strides = array<i32>} : memref<128xi32, #tpu.memory_space<vmem>>, vector<16xi32>,
      tpu.vector_store %arg11[%swap3A_398], %shift_right_logical3A_397 {strides = array<i32>} : memref<128xi32, #tpu.memory_space<vmem>>, vector<16xi32>,
      %get3A_400 = arith.index_cast %add3A_359 : i32 to index
      %get3A_401 = arith.constant 80 : index
      %get3A_402 = tpu.vector_load %arg6[%get3A_400, %get3A_401] {strides = array<i32>} : memref<200x128xi32, #tpu.memory_space<vmem>>, vector<16xi32>,
      %shift_right_logical3A_403 = arith.constant 1 : i32
      %shift_right_logical3A_404 = vector.broadcast %shift_right_logical3A_403 : i32 to vector<16xi32>
      %shift_right_logical3A_405 = arith.shrui %get3A_402, %shift_right_logical3A_404 : vector<16xi32>
      %swap3A_406 = arith.constant 80 : index
      %swap3A_407 = tpu.vector_load %arg11[%swap3A_406] {strides = array<i32>} : memref<128xi32, #tpu.memory_space<vmem>>, vector<16xi32>,
      tpu.vector_store %arg11[%swap3A_406], %shift_right_logical3A_405 {strides = array<i32>} : memref<128xi32, #tpu.memory_space<vmem>>, vector<16xi32>,
      %get3A_408 = arith.index_cast %add3A_359 : i32 to index
      %get3A_409 = arith.constant 96 : index
      %get3A_410 = tpu.vector_load %arg6[%get3A_408, %get3A_409] {strides = array<i32>} : memref<200x128xi32, #tpu.memory_space<vmem>>, vector<16xi32>,
      %shift_right_logical3A_411 = arith.constant 1 : i32
      %shift_right_logical3A_412 = vector.broadcast %shift_right_logical3A_411 : i32 to vector<16xi32>
      %shift_right_logical3A_413 = arith.shrui %get3A_410, %shift_right_logical3A_412 : vector<16xi32>
      %swap3A_414 = arith.constant 96 : index
      %swap3A_415 = tpu.vector_load %arg11[%swap3A_414] {strides = array<i32>} : memref<128xi32, #tpu.memory_space<vmem>>, vector<16xi32>,
      tpu.vector_store %arg11[%swap3A_414], %shift_right_logical3A_413 {strides = array<i32>} : memref<128xi32, #tpu.memory_space<vmem>>, vector<16xi32>,
      %get3A_416 = arith.index_cast %add3A_359 : i32 to index
      %get3A_417 = arith.constant 112 : index
      %get3A_418 = tpu.vector_load %arg6[%get3A_416, %get3A_417] {strides = array<i32>} : memref<200x128xi32, #tpu.memory_space<vmem>>, vector<16xi32>,
      %shift_right_logical3A_419 = arith.constant 1 : i32
      %shift_right_logical3A_420 = vector.broadcast %shift_right_logical3A_419 : i32 to vector<16xi32>
      %shift_right_logical3A_421 = arith.shrui %get3A_418, %shift_right_logical3A_420 : vector<16xi32>
      %swap3A_422 = arith.constant 112 : index
      %swap3A_423 = tpu.vector_load %arg11[%swap3A_422] {strides = array<i32>} : memref<128xi32, #tpu.memory_space<vmem>>, vector<16xi32>,
      tpu.vector_store %arg11[%swap3A_422], %shift_right_logical3A_421 {strides = array<i32>} : memref<128xi32, #tpu.memory_space<vmem>>, vector<16xi32>,
      %dma_start3A_424 = arith.constant 0 : i32
      %dma_start3A_425 = arith.constant 0 : i32
      %dma_start3A_426 = tpu.memref_slice %arg15[%dma_start3A_424, %dma_start3A_425] : memref<128x128xf32, #tpu.memory_space<vmem>> -> memref<32x128xf32, #tpu.memory_space<vmem>>
      %dma_start3A_427 = arith.constant 0 : i32
      %dma_start3A_428 = tpu.memref_slice %arg11[%dma_start3A_427] : memref<128xi32, #tpu.memory_space<vmem>> -> memref<32xi32, #tpu.memory_space<vmem>>
      %dma_start3A_429 = arith.constant 0 : i32
      %dma_start3A_430 = arith.constant 0 : i32
      %dma_start3A_431 = tpu.memref_slice %arg3[%dma_start3A_429, %dma_start3A_430] : memref<500000x128xf32, #tpu.memory_space<hbm>> -> memref<500000x128xf32, #tpu.memory_space<hbm>>
      tpu.enqueue_indirect_dma source(%dma_start3A_431 : memref<500000x128xf32, #tpu.memory_space<hbm>>) target(%dma_start3A_426 : memref<32x128xf32, #tpu.memory_space<vmem>>) offsets(%dma_start3A_428 : memref<32xi32, #tpu.memory_space<vmem>>) semaphore(%arg30 : memref<!tpu.dma_semaphore, #tpu.memory_space<semaphore_mem>>)
      %dma_start3A_432 = arith.constant 32 : i32
      %dma_start3A_433 = arith.constant 0 : i32
      %dma_start3A_434 = tpu.memref_slice %arg15[%dma_start3A_432, %dma_start3A_433] : memref<128x128xf32, #tpu.memory_space<vmem>> -> memref<32x128xf32, #tpu.memory_space<vmem>>
      %dma_start3A_435 = arith.constant 32 : i32
      %dma_start3A_436 = tpu.memref_slice %arg11[%dma_start3A_435] : memref<128xi32, #tpu.memory_space<vmem>> -> memref<32xi32, #tpu.memory_space<vmem>>
      %dma_start3A_437 = arith.constant 0 : i32
      %dma_start3A_438 = arith.constant 0 : i32
      %dma_start3A_439 = tpu.memref_slice %arg3[%dma_start3A_437, %dma_start3A_438] : memref<500000x128xf32, #tpu.memory_space<hbm>> -> memref<500000x128xf32, #tpu.memory_space<hbm>>
      tpu.enqueue_indirect_dma source(%dma_start3A_439 : memref<500000x128xf32, #tpu.memory_space<hbm>>) target(%dma_start3A_434 : memref<32x128xf32, #tpu.memory_space<vmem>>) offsets(%dma_start3A_436 : memref<32xi32, #tpu.memory_space<vmem>>) semaphore(%arg31 : memref<!tpu.dma_semaphore, #tpu.memory_space<semaphore_mem>>)
      %dma_start3A_440 = arith.constant 64 : i32
      %dma_start3A_441 = arith.constant 0 : i32
      %dma_start3A_442 = tpu.memref_slice %arg15[%dma_start3A_440, %dma_start3A_441] : memref<128x128xf32, #tpu.memory_space<vmem>> -> memref<32x128xf32, #tpu.memory_space<vmem>>
      %dma_start3A_443 = arith.constant 64 : i32
      %dma_start3A_444 = tpu.memref_slice %arg11[%dma_start3A_443] : memref<128xi32, #tpu.memory_space<vmem>> -> memref<32xi32, #tpu.memory_space<vmem>>
      %dma_start3A_445 = arith.constant 0 : i32
      %dma_start3A_446 = arith.constant 0 : i32
      %dma_start3A_447 = tpu.memref_slice %arg3[%dma_start3A_445, %dma_start3A_446] : memref<500000x128xf32, #tpu.memory_space<hbm>> -> memref<500000x128xf32, #tpu.memory_space<hbm>>
      tpu.enqueue_indirect_dma source(%dma_start3A_447 : memref<500000x128xf32, #tpu.memory_space<hbm>>) target(%dma_start3A_442 : memref<32x128xf32, #tpu.memory_space<vmem>>) offsets(%dma_start3A_444 : memref<32xi32, #tpu.memory_space<vmem>>) semaphore(%arg32 : memref<!tpu.dma_semaphore, #tpu.memory_space<semaphore_mem>>)
      %dma_start3A_448 = arith.constant 96 : i32
      %dma_start3A_449 = arith.constant 0 : i32
      %dma_start3A_450 = tpu.memref_slice %arg15[%dma_start3A_448, %dma_start3A_449] : memref<128x128xf32, #tpu.memory_space<vmem>> -> memref<32x128xf32, #tpu.memory_space<vmem>>
      %dma_start3A_451 = arith.constant 96 : i32
      %dma_start3A_452 = tpu.memref_slice %arg11[%dma_start3A_451] : memref<128xi32, #tpu.memory_space<vmem>> -> memref<32xi32, #tpu.memory_space<vmem>>
      %dma_start3A_453 = arith.constant 0 : i32
      %dma_start3A_454 = arith.constant 0 : i32
      %dma_start3A_455 = tpu.memref_slice %arg3[%dma_start3A_453, %dma_start3A_454] : memref<500000x128xf32, #tpu.memory_space<hbm>> -> memref<500000x128xf32, #tpu.memory_space<hbm>>
      tpu.enqueue_indirect_dma source(%dma_start3A_455 : memref<500000x128xf32, #tpu.memory_space<hbm>>) target(%dma_start3A_450 : memref<32x128xf32, #tpu.memory_space<vmem>>) offsets(%dma_start3A_452 : memref<32xi32, #tpu.memory_space<vmem>>) semaphore(%arg33 : memref<!tpu.dma_semaphore, #tpu.memory_space<semaphore_mem>>)
      %dma_wait3A_456 = arith.constant 0 : i32
      %dma_wait3A_457 = arith.constant 0 : i32
      %dma_wait3A_458 = tpu.memref_slice %arg12[%dma_wait3A_456, %dma_wait3A_457] : memref<128x128xf32, #tpu.memory_space<vmem>> -> memref<32x128xf32, #tpu.memory_space<vmem>>
      %dma_wait3A_459 = arith.constant 0 : i32
      %dma_wait3A_460 = tpu.memref_slice %arg8[%dma_wait3A_459] : memref<128xi32, #tpu.memory_space<vmem>> -> memref<32xi32, #tpu.memory_space<vmem>>
      %dma_wait3A_461 = arith.constant 0 : i32
      %dma_wait3A_462 = arith.constant 0 : i32
      %dma_wait3A_463 = tpu.memref_slice %arg3[%dma_wait3A_461, %dma_wait3A_462] : memref<500000x128xf32, #tpu.memory_space<hbm>> -> memref<500000x128xf32, #tpu.memory_space<hbm>>
      tpu.wait_indirect_dma semaphore(%arg18 : memref<!tpu.dma_semaphore, #tpu.memory_space<semaphore_mem>>) src(%dma_wait3A_463 : memref<500000x128xf32, #tpu.memory_space<hbm>>) dst(%dma_wait3A_458 : memref<32x128xf32, #tpu.memory_space<vmem>>)
      %dma_wait3A_464 = arith.constant 32 : i32
      %dma_wait3A_465 = arith.constant 0 : i32
      %dma_wait3A_466 = tpu.memref_slice %arg12[%dma_wait3A_464, %dma_wait3A_465] : memref<128x128xf32, #tpu.memory_space<vmem>> -> memref<32x128xf32, #tpu.memory_space<vmem>>
      %dma_wait3A_467 = arith.constant 32 : i32
      %dma_wait3A_468 = tpu.memref_slice %arg8[%dma_wait3A_467] : memref<128xi32, #tpu.memory_space<vmem>> -> memref<32xi32, #tpu.memory_space<vmem>>
      %dma_wait3A_469 = arith.constant 0 : i32
      %dma_wait3A_470 = arith.constant 0 : i32
      %dma_wait3A_471 = tpu.memref_slice %arg3[%dma_wait3A_469, %dma_wait3A_470] : memref<500000x128xf32, #tpu.memory_space<hbm>> -> memref<500000x128xf32, #tpu.memory_space<hbm>>
      tpu.wait_indirect_dma semaphore(%arg19 : memref<!tpu.dma_semaphore, #tpu.memory_space<semaphore_mem>>) src(%dma_wait3A_471 : memref<500000x128xf32, #tpu.memory_space<hbm>>) dst(%dma_wait3A_466 : memref<32x128xf32, #tpu.memory_space<vmem>>)
      %dma_wait3A_472 = arith.constant 64 : i32
      %dma_wait3A_473 = arith.constant 0 : i32
      %dma_wait3A_474 = tpu.memref_slice %arg12[%dma_wait3A_472, %dma_wait3A_473] : memref<128x128xf32, #tpu.memory_space<vmem>> -> memref<32x128xf32, #tpu.memory_space<vmem>>
      %dma_wait3A_475 = arith.constant 64 : i32
      %dma_wait3A_476 = tpu.memref_slice %arg8[%dma_wait3A_475] : memref<128xi32, #tpu.memory_space<vmem>> -> memref<32xi32, #tpu.memory_space<vmem>>
      %dma_wait3A_477 = arith.constant 0 : i32
      %dma_wait3A_478 = arith.constant 0 : i32
      %dma_wait3A_479 = tpu.memref_slice %arg3[%dma_wait3A_477, %dma_wait3A_478] : memref<500000x128xf32, #tpu.memory_space<hbm>> -> memref<500000x128xf32, #tpu.memory_space<hbm>>
      tpu.wait_indirect_dma semaphore(%arg20 : memref<!tpu.dma_semaphore, #tpu.memory_space<semaphore_mem>>) src(%dma_wait3A_479 : memref<500000x128xf32, #tpu.memory_space<hbm>>) dst(%dma_wait3A_474 : memref<32x128xf32, #tpu.memory_space<vmem>>)
      %dma_wait3A_480 = arith.constant 96 : i32
      %dma_wait3A_481 = arith.constant 0 : i32
      %dma_wait3A_482 = tpu.memref_slice %arg12[%dma_wait3A_480, %dma_wait3A_481] : memref<128x128xf32, #tpu.memory_space<vmem>> -> memref<32x128xf32, #tpu.memory_space<vmem>>
      %dma_wait3A_483 = arith.constant 96 : i32
      %dma_wait3A_484 = tpu.memref_slice %arg8[%dma_wait3A_483] : memref<128xi32, #tpu.memory_space<vmem>> -> memref<32xi32, #tpu.memory_space<vmem>>
      %dma_wait3A_485 = arith.constant 0 : i32
      %dma_wait3A_486 = arith.constant 0 : i32
      %dma_wait3A_487 = tpu.memref_slice %arg3[%dma_wait3A_485, %dma_wait3A_486] : memref<500000x128xf32, #tpu.memory_space<hbm>> -> memref<500000x128xf32, #tpu.memory_space<hbm>>
      tpu.wait_indirect_dma semaphore(%arg21 : memref<!tpu.dma_semaphore, #tpu.memory_space<semaphore_mem>>) src(%dma_wait3A_487 : memref<500000x128xf32, #tpu.memory_space<hbm>>) dst(%dma_wait3A_482 : memref<32x128xf32, #tpu.memory_space<vmem>>)
      %ge3A = arith.constant 1 : i32
      %ge3A_488 = arith.cmpi sge, %scan3A_353, %ge3A : i32
      %convert_element_type3A = arith.extui %ge3A_488 : i1 to i32
      %cond3A = arith.constant 0 : i32
      %cond3A_489 = arith.cmpi ne, %convert_element_type3A, %cond3A : i32
      scf.if %cond3A_489 {
        %sub3A_975 = arith.constant 2 : i32
        %sub3A_976 = arith.subi %add3A_357, %sub3A_975 : i32
        %dma_wait3A_977 = arith.constant 0 : i32
        %dma_wait3A_978 = tpu.memref_slice %arg5[%sub3A_976, %dma_wait3A_977, %mul3A_2] : memref<200x64x4096xf32, #tpu.memory_space<hbm>> -> memref<1x64x128xf32, #tpu.memory_space<hbm>>
        %dma_wait3A_979 = tpu.memref_squeeze %dma_wait3A_978 : memref<1x64x128xf32, #tpu.memory_space<hbm>> -> memref<64x128xf32, #tpu.memory_space<hbm>>
        %dma_wait3A_980 = arith.constant 0 : i32
        %dma_wait3A_981 = tpu.memref_slice %arg5[%sub3A_976, %dma_wait3A_980, %mul3A_2] : memref<200x64x4096xf32, #tpu.memory_space<hbm>> -> memref<1x64x128xf32, #tpu.memory_space<hbm>>
        %dma_wait3A_982 = tpu.memref_squeeze %dma_wait3A_981 : memref<1x64x128xf32, #tpu.memory_space<hbm>> -> memref<64x128xf32, #tpu.memory_space<hbm>>
        tpu.wait_dma2 semaphore(%arg34 : memref<!tpu.dma_semaphore, #tpu.memory_space<semaphore_mem>>) src(%arg16 : memref<64x128xf32, #tpu.memory_space<vmem>>) dst(%dma_wait3A_982 : memref<64x128xf32, #tpu.memory_space<hbm>>)
      } else {
      }
      %get3A_490 = arith.index_cast %add3A_357 : i32 to index
      %get3A_491 = arith.constant 0 : index
      %get3A_492 = tpu.vector_load %arg6[%get3A_490, %get3A_491] {strides = array<i32>} : memref<200x128xi32, #tpu.memory_space<vmem>>, vector<16xi32>,
      %and3A = arith.constant 1 : i32
      %and3A_493 = vector.broadcast %and3A : i32 to vector<16xi32>
      %and3A_494 = arith.andi %get3A_492, %and3A_493 : vector<16xi32>
      %mul3A_495 = arith.constant 64 : i32
      %mul3A_496 = vector.broadcast %mul3A_495 : i32 to vector<16xi32>
      %mul3A_497 = arith.muli %and3A_494, %mul3A_496 : vector<16xi32>
      %get3A_498 = arith.index_cast %add3A_357 : i32 to index
      %get3A_499 = arith.constant 16 : index
      %get3A_500 = tpu.vector_load %arg6[%get3A_498, %get3A_499] {strides = array<i32>} : memref<200x128xi32, #tpu.memory_space<vmem>>, vector<16xi32>,
      %and3A_501 = arith.constant 1 : i32
      %and3A_502 = vector.broadcast %and3A_501 : i32 to vector<16xi32>
      %and3A_503 = arith.andi %get3A_500, %and3A_502 : vector<16xi32>
      %mul3A_504 = arith.constant 64 : i32
      %mul3A_505 = vector.broadcast %mul3A_504 : i32 to vector<16xi32>
      %mul3A_506 = arith.muli %and3A_503, %mul3A_505 : vector<16xi32>
      %get3A_507 = arith.index_cast %add3A_357 : i32 to index
      %get3A_508 = arith.constant 32 : index
      %get3A_509 = tpu.vector_load %arg6[%get3A_507, %get3A_508] {strides = array<i32>} : memref<200x128xi32, #tpu.memory_space<vmem>>, vector<16xi32>,
      %and3A_510 = arith.constant 1 : i32
      %and3A_511 = vector.broadcast %and3A_510 : i32 to vector<16xi32>
      %and3A_512 = arith.andi %get3A_509, %and3A_511 : vector<16xi32>
      %mul3A_513 = arith.constant 64 : i32
      %mul3A_514 = vector.broadcast %mul3A_513 : i32 to vector<16xi32>
      %mul3A_515 = arith.muli %and3A_512, %mul3A_514 : vector<16xi32>
      %get3A_516 = arith.index_cast %add3A_357 : i32 to index
      %get3A_517 = arith.constant 48 : index
      %get3A_518 = tpu.vector_load %arg6[%get3A_516, %get3A_517] {strides = array<i32>} : memref<200x128xi32, #tpu.memory_space<vmem>>, vector<16xi32>,
      %and3A_519 = arith.constant 1 : i32
      %and3A_520 = vector.broadcast %and3A_519 : i32 to vector<16xi32>
      %and3A_521 = arith.andi %get3A_518, %and3A_520 : vector<16xi32>
      %mul3A_522 = arith.constant 64 : i32
      %mul3A_523 = vector.broadcast %mul3A_522 : i32 to vector<16xi32>
      %mul3A_524 = arith.muli %and3A_521, %mul3A_523 : vector<16xi32>
      %get3A_525 = arith.index_cast %add3A_357 : i32 to index
      %get3A_526 = arith.constant 64 : index
      %get3A_527 = tpu.vector_load %arg6[%get3A_525, %get3A_526] {strides = array<i32>} : memref<200x128xi32, #tpu.memory_space<vmem>>, vector<16xi32>,
      %and3A_528 = arith.constant 1 : i32
      %and3A_529 = vector.broadcast %and3A_528 : i32 to vector<16xi32>
      %and3A_530 = arith.andi %get3A_527, %and3A_529 : vector<16xi32>
      %mul3A_531 = arith.constant 64 : i32
      %mul3A_532 = vector.broadcast %mul3A_531 : i32 to vector<16xi32>
      %mul3A_533 = arith.muli %and3A_530, %mul3A_532 : vector<16xi32>
      %get3A_534 = arith.index_cast %add3A_357 : i32 to index
      %get3A_535 = arith.constant 80 : index
      %get3A_536 = tpu.vector_load %arg6[%get3A_534, %get3A_535] {strides = array<i32>} : memref<200x128xi32, #tpu.memory_space<vmem>>, vector<16xi32>,
      %and3A_537 = arith.constant 1 : i32
      %and3A_538 = vector.broadcast %and3A_537 : i32 to vector<16xi32>
      %and3A_539 = arith.andi %get3A_536, %and3A_538 : vector<16xi32>
      %mul3A_540 = arith.constant 64 : i32
      %mul3A_541 = vector.broadcast %mul3A_540 : i32 to vector<16xi32>
      %mul3A_542 = arith.muli %and3A_539, %mul3A_541 : vector<16xi32>
      %get3A_543 = arith.index_cast %add3A_357 : i32 to index
      %get3A_544 = arith.constant 96 : index
      %get3A_545 = tpu.vector_load %arg6[%get3A_543, %get3A_544] {strides = array<i32>} : memref<200x128xi32, #tpu.memory_space<vmem>>, vector<16xi32>,
      %and3A_546 = arith.constant 1 : i32
      %and3A_547 = vector.broadcast %and3A_546 : i32 to vector<16xi32>
      %and3A_548 = arith.andi %get3A_545, %and3A_547 : vector<16xi32>
      %mul3A_549 = arith.constant 64 : i32
      %mul3A_550 = vector.broadcast %mul3A_549 : i32 to vector<16xi32>
      %mul3A_551 = arith.muli %and3A_548, %mul3A_550 : vector<16xi32>
      %get3A_552 = arith.index_cast %add3A_357 : i32 to index
      %get3A_553 = arith.constant 112 : index
      %get3A_554 = tpu.vector_load %arg6[%get3A_552, %get3A_553] {strides = array<i32>} : memref<200x128xi32, #tpu.memory_space<vmem>>, vector<16xi32>,
      %and3A_555 = arith.constant 1 : i32
      %and3A_556 = vector.broadcast %and3A_555 : i32 to vector<16xi32>
      %and3A_557 = arith.andi %get3A_554, %and3A_556 : vector<16xi32>
      %mul3A_558 = arith.constant 64 : i32
      %mul3A_559 = vector.broadcast %mul3A_558 : i32 to vector<16xi32>
      %mul3A_560 = arith.muli %and3A_557, %mul3A_559 : vector<16xi32>
      %mul3A_561 = arith.constant 64 : i32
      %mul3A_562 = arith.muli %add3A_357, %mul3A_561 : i32
      %scan3A_563 = arith.constant 0 : i32
      %scan3A_564 = arith.constant 0 : i32
      %scan3A_565 = arith.constant 64 : i32
      %scan3A_566 = arith.addi %scan3A_564, %scan3A_565 : i32
      %scan3A_567 = arith.constant 2 : i32
      scf.for %scan3A_975 = %scan3A_564 to %scan3A_566 step %scan3A_567  : i32 {
        %and3A_976 = arith.constant 15 : i32
        %and3A_977 = arith.andi %scan3A_975, %and3A_976 : i32
        %shift_right_arithmetic3A = arith.constant 4 : i32
        %shift_right_arithmetic3A_978 = arith.shrsi %scan3A_975, %shift_right_arithmetic3A : i32
        %shift_left3A = arith.constant 4 : i32
        %shift_left3A_979 = arith.shli %shift_right_arithmetic3A_978, %shift_left3A : i32
        %add3A_980 = vector.broadcast %and3A_977 : i32 to vector<16xi32>
        %add3A_981 = arith.addi %add3A_980, %iota3A : vector<16xi32>
        %and3A_982 = arith.constant 15 : i32
        %and3A_983 = vector.broadcast %and3A_982 : i32 to vector<16xi32>
        %and3A_984 = arith.andi %add3A_981, %and3A_983 : vector<16xi32>
        %add3A_985 = vector.broadcast %shift_left3A_979 : i32 to vector<16xi32>
        %add3A_986 = arith.addi %and3A_984, %add3A_985 : vector<16xi32>
        %add3A_987 = vector.broadcast %mul3A_562 : i32 to vector<16xi32>
        %add3A_988 = arith.addi %add3A_987, %add3A_986 : vector<16xi32>
        %gather3A = tpu.vector_load_idx %arg7[%add3A_988] : memref<12816xf32, #tpu.memory_space<vmem>>[vector<16xi32>], vector<16xf32>,
        %add3A_989 = arith.addi %mul3A_497, %add3A_986 : vector<16xi32>
        %gather3A_990 = tpu.vector_load_idx %arg12[%add3A_313, %add3A_989] : memref<128x128xf32, #tpu.memory_space<vmem>>[vector<16xi32>, vector<16xi32>], vector<16xf32>,
        %add3A_991 = arith.addf %gather3A_990, %gather3A : vector<16xf32>
        tpu.vector_store_idx %arg16[%add3A_986, %add3A_313], %add3A_991 : memref<64x128xf32, #tpu.memory_space<vmem>>[vector<16xi32>, vector<16xi32>], vector<16xf32>,
        %add3A_992 = arith.addi %mul3A_506, %add3A_986 : vector<16xi32>
        %gather3A_993 = tpu.vector_load_idx %arg12[%add3A_316, %add3A_992] : memref<128x128xf32, #tpu.memory_space<vmem>>[vector<16xi32>, vector<16xi32>], vector<16xf32>,
        %add3A_994 = arith.addf %gather3A_993, %gather3A : vector<16xf32>
        tpu.vector_store_idx %arg16[%add3A_986, %add3A_316], %add3A_994 : memref<64x128xf32, #tpu.memory_space<vmem>>[vector<16xi32>, vector<16xi32>], vector<16xf32>,
        %add3A_995 = arith.addi %mul3A_515, %add3A_986 : vector<16xi32>
        %gather3A_996 = tpu.vector_load_idx %arg12[%add3A_319, %add3A_995] : memref<128x128xf32, #tpu.memory_space<vmem>>[vector<16xi32>, vector<16xi32>], vector<16xf32>,
        %add3A_997 = arith.addf %gather3A_996, %gather3A : vector<16xf32>
        tpu.vector_store_idx %arg16[%add3A_986, %add3A_319], %add3A_997 : memref<64x128xf32, #tpu.memory_space<vmem>>[vector<16xi32>, vector<16xi32>], vector<16xf32>,
        %add3A_998 = arith.addi %mul3A_524, %add3A_986 : vector<16xi32>
        %gather3A_999 = tpu.vector_load_idx %arg12[%add3A_322, %add3A_998] : memref<128x128xf32, #tpu.memory_space<vmem>>[vector<16xi32>, vector<16xi32>], vector<16xf32>,
        %add3A_1000 = arith.addf %gather3A_999, %gather3A : vector<16xf32>
        tpu.vector_store_idx %arg16[%add3A_986, %add3A_322], %add3A_1000 : memref<64x128xf32, #tpu.memory_space<vmem>>[vector<16xi32>, vector<16xi32>], vector<16xf32>,
        %add3A_1001 = arith.addi %mul3A_533, %add3A_986 : vector<16xi32>
        %gather3A_1002 = tpu.vector_load_idx %arg12[%add3A_325, %add3A_1001] : memref<128x128xf32, #tpu.memory_space<vmem>>[vector<16xi32>, vector<16xi32>], vector<16xf32>,
        %add3A_1003 = arith.addf %gather3A_1002, %gather3A : vector<16xf32>
        tpu.vector_store_idx %arg16[%add3A_986, %add3A_325], %add3A_1003 : memref<64x128xf32, #tpu.memory_space<vmem>>[vector<16xi32>, vector<16xi32>], vector<16xf32>,
        %add3A_1004 = arith.addi %mul3A_542, %add3A_986 : vector<16xi32>
        %gather3A_1005 = tpu.vector_load_idx %arg12[%add3A_328, %add3A_1004] : memref<128x128xf32, #tpu.memory_space<vmem>>[vector<16xi32>, vector<16xi32>], vector<16xf32>,
        %add3A_1006 = arith.addf %gather3A_1005, %gather3A : vector<16xf32>
        tpu.vector_store_idx %arg16[%add3A_986, %add3A_328], %add3A_1006 : memref<64x128xf32, #tpu.memory_space<vmem>>[vector<16xi32>, vector<16xi32>], vector<16xf32>,
        %add3A_1007 = arith.addi %mul3A_551, %add3A_986 : vector<16xi32>
        %gather3A_1008 = tpu.vector_load_idx %arg12[%add3A_331, %add3A_1007] : memref<128x128xf32, #tpu.memory_space<vmem>>[vector<16xi32>, vector<16xi32>], vector<16xf32>,
        %add3A_1009 = arith.addf %gather3A_1008, %gather3A : vector<16xf32>
        tpu.vector_store_idx %arg16[%add3A_986, %add3A_331], %add3A_1009 : memref<64x128xf32, #tpu.memory_space<vmem>>[vector<16xi32>, vector<16xi32>], vector<16xf32>,
        %add3A_1010 = arith.addi %mul3A_560, %add3A_986 : vector<16xi32>
        %gather3A_1011 = tpu.vector_load_idx %arg12[%add3A_334, %add3A_1010] : memref<128x128xf32, #tpu.memory_space<vmem>>[vector<16xi32>, vector<16xi32>], vector<16xf32>,
        %add3A_1012 = arith.addf %gather3A_1011, %gather3A : vector<16xf32>
        tpu.vector_store_idx %arg16[%add3A_986, %add3A_334], %add3A_1012 : memref<64x128xf32, #tpu.memory_space<vmem>>[vector<16xi32>, vector<16xi32>], vector<16xf32>,
        %scan3A_1013 = arith.constant 1 : i32
        %scan3A_1014 = arith.addi %scan3A_975, %scan3A_1013 : i32
        %and3A_1015 = arith.constant 15 : i32
        %and3A_1016 = arith.andi %scan3A_1014, %and3A_1015 : i32
        %shift_right_arithmetic3A_1017 = arith.constant 4 : i32
        %shift_right_arithmetic3A_1018 = arith.shrsi %scan3A_1014, %shift_right_arithmetic3A_1017 : i32
        %shift_left3A_1019 = arith.constant 4 : i32
        %shift_left3A_1020 = arith.shli %shift_right_arithmetic3A_1018, %shift_left3A_1019 : i32
        %add3A_1021 = vector.broadcast %and3A_1016 : i32 to vector<16xi32>
        %add3A_1022 = arith.addi %add3A_1021, %iota3A : vector<16xi32>
        %and3A_1023 = arith.constant 15 : i32
        %and3A_1024 = vector.broadcast %and3A_1023 : i32 to vector<16xi32>
        %and3A_1025 = arith.andi %add3A_1022, %and3A_1024 : vector<16xi32>
        %add3A_1026 = vector.broadcast %shift_left3A_1020 : i32 to vector<16xi32>
        %add3A_1027 = arith.addi %and3A_1025, %add3A_1026 : vector<16xi32>
        %add3A_1028 = vector.broadcast %mul3A_562 : i32 to vector<16xi32>
        %add3A_1029 = arith.addi %add3A_1028, %add3A_1027 : vector<16xi32>
        %gather3A_1030 = tpu.vector_load_idx %arg7[%add3A_1029] : memref<12816xf32, #tpu.memory_space<vmem>>[vector<16xi32>], vector<16xf32>,
        %add3A_1031 = arith.addi %mul3A_497, %add3A_1027 : vector<16xi32>
        %gather3A_1032 = tpu.vector_load_idx %arg12[%add3A_313, %add3A_1031] : memref<128x128xf32, #tpu.memory_space<vmem>>[vector<16xi32>, vector<16xi32>], vector<16xf32>,
        %add3A_1033 = arith.addf %gather3A_1032, %gather3A_1030 : vector<16xf32>
        tpu.vector_store_idx %arg16[%add3A_1027, %add3A_313], %add3A_1033 : memref<64x128xf32, #tpu.memory_space<vmem>>[vector<16xi32>, vector<16xi32>], vector<16xf32>,
        %add3A_1034 = arith.addi %mul3A_506, %add3A_1027 : vector<16xi32>
        %gather3A_1035 = tpu.vector_load_idx %arg12[%add3A_316, %add3A_1034] : memref<128x128xf32, #tpu.memory_space<vmem>>[vector<16xi32>, vector<16xi32>], vector<16xf32>,
        %add3A_1036 = arith.addf %gather3A_1035, %gather3A_1030 : vector<16xf32>
        tpu.vector_store_idx %arg16[%add3A_1027, %add3A_316], %add3A_1036 : memref<64x128xf32, #tpu.memory_space<vmem>>[vector<16xi32>, vector<16xi32>], vector<16xf32>,
        %add3A_1037 = arith.addi %mul3A_515, %add3A_1027 : vector<16xi32>
        %gather3A_1038 = tpu.vector_load_idx %arg12[%add3A_319, %add3A_1037] : memref<128x128xf32, #tpu.memory_space<vmem>>[vector<16xi32>, vector<16xi32>], vector<16xf32>,
        %add3A_1039 = arith.addf %gather3A_1038, %gather3A_1030 : vector<16xf32>
        tpu.vector_store_idx %arg16[%add3A_1027, %add3A_319], %add3A_1039 : memref<64x128xf32, #tpu.memory_space<vmem>>[vector<16xi32>, vector<16xi32>], vector<16xf32>,
        %add3A_1040 = arith.addi %mul3A_524, %add3A_1027 : vector<16xi32>
        %gather3A_1041 = tpu.vector_load_idx %arg12[%add3A_322, %add3A_1040] : memref<128x128xf32, #tpu.memory_space<vmem>>[vector<16xi32>, vector<16xi32>], vector<16xf32>,
        %add3A_1042 = arith.addf %gather3A_1041, %gather3A_1030 : vector<16xf32>
        tpu.vector_store_idx %arg16[%add3A_1027, %add3A_322], %add3A_1042 : memref<64x128xf32, #tpu.memory_space<vmem>>[vector<16xi32>, vector<16xi32>], vector<16xf32>,
        %add3A_1043 = arith.addi %mul3A_533, %add3A_1027 : vector<16xi32>
        %gather3A_1044 = tpu.vector_load_idx %arg12[%add3A_325, %add3A_1043] : memref<128x128xf32, #tpu.memory_space<vmem>>[vector<16xi32>, vector<16xi32>], vector<16xf32>,
        %add3A_1045 = arith.addf %gather3A_1044, %gather3A_1030 : vector<16xf32>
        tpu.vector_store_idx %arg16[%add3A_1027, %add3A_325], %add3A_1045 : memref<64x128xf32, #tpu.memory_space<vmem>>[vector<16xi32>, vector<16xi32>], vector<16xf32>,
        %add3A_1046 = arith.addi %mul3A_542, %add3A_1027 : vector<16xi32>
        %gather3A_1047 = tpu.vector_load_idx %arg12[%add3A_328, %add3A_1046] : memref<128x128xf32, #tpu.memory_space<vmem>>[vector<16xi32>, vector<16xi32>], vector<16xf32>,
        %add3A_1048 = arith.addf %gather3A_1047, %gather3A_1030 : vector<16xf32>
        tpu.vector_store_idx %arg16[%add3A_1027, %add3A_328], %add3A_1048 : memref<64x128xf32, #tpu.memory_space<vmem>>[vector<16xi32>, vector<16xi32>], vector<16xf32>,
        %add3A_1049 = arith.addi %mul3A_551, %add3A_1027 : vector<16xi32>
        %gather3A_1050 = tpu.vector_load_idx %arg12[%add3A_331, %add3A_1049] : memref<128x128xf32, #tpu.memory_space<vmem>>[vector<16xi32>, vector<16xi32>], vector<16xf32>,
        %add3A_1051 = arith.addf %gather3A_1050, %gather3A_1030 : vector<16xf32>
        tpu.vector_store_idx %arg16[%add3A_1027, %add3A_331], %add3A_1051 : memref<64x128xf32, #tpu.memory_space<vmem>>[vector<16xi32>, vector<16xi32>], vector<16xf32>,
        %add3A_1052 = arith.addi %mul3A_560, %add3A_1027 : vector<16xi32>
        %gather3A_1053 = tpu.vector_load_idx %arg12[%add3A_334, %add3A_1052] : memref<128x128xf32, #tpu.memory_space<vmem>>[vector<16xi32>, vector<16xi32>], vector<16xf32>,
        %add3A_1054 = arith.addf %gather3A_1053, %gather3A_1030 : vector<16xf32>
        tpu.vector_store_idx %arg16[%add3A_1027, %add3A_334], %add3A_1054 : memref<64x128xf32, #tpu.memory_space<vmem>>[vector<16xi32>, vector<16xi32>], vector<16xf32>,
      }
      %scan3A_568 = arith.constant 64 : i32
      %dma_start3A_569 = arith.constant 0 : i32
      %dma_start3A_570 = tpu.memref_slice %arg5[%add3A_357, %dma_start3A_569, %mul3A_2] : memref<200x64x4096xf32, #tpu.memory_space<hbm>> -> memref<1x64x128xf32, #tpu.memory_space<hbm>>
      %dma_start3A_571 = tpu.memref_squeeze %dma_start3A_570 : memref<1x64x128xf32, #tpu.memory_space<hbm>> -> memref<64x128xf32, #tpu.memory_space<hbm>>
      %dma_start3A_572 = arith.constant 0 : i32
      %dma_start3A_573 = tpu.memref_slice %arg5[%add3A_357, %dma_start3A_572, %mul3A_2] : memref<200x64x4096xf32, #tpu.memory_space<hbm>> -> memref<1x64x128xf32, #tpu.memory_space<hbm>>
      %dma_start3A_574 = tpu.memref_squeeze %dma_start3A_573 : memref<1x64x128xf32, #tpu.memory_space<hbm>> -> memref<64x128xf32, #tpu.memory_space<hbm>>
      tpu.enqueue_dma source(%arg16 : memref<64x128xf32, #tpu.memory_space<vmem>>) target(%dma_start3A_574 : memref<64x128xf32, #tpu.memory_space<hbm>>) target_semaphore(%arg34 : memref<!tpu.dma_semaphore, #tpu.memory_space<semaphore_mem>>)
      %mul3A_575 = arith.constant 4 : i32
      %mul3A_576 = arith.muli %mul3A_575, %scan3A_353 : i32
      %add3A_577 = arith.constant 1 : i32
      %add3A_578 = arith.addi %mul3A_576, %add3A_577 : i32
      %le3A = arith.constant 48 : i32
      %le3A_579 = arith.cmpi sle, %scan3A_353, %le3A : i32
      %convert_element_type3A_580 = arith.extui %le3A_579 : i1 to i32
      %cond3A_581 = arith.constant 0 : i32
      %cond3A_582 = arith.cmpi ne, %convert_element_type3A_580, %cond3A_581 : i32
      scf.if %cond3A_582 {
        %add3A_975 = arith.constant 3 : i32
        %add3A_976 = arith.addi %add3A_578, %add3A_975 : i32
        %get3A_977 = arith.index_cast %add3A_976 : i32 to index
        %get3A_978 = arith.constant 0 : index
        %get3A_979 = tpu.vector_load %arg6[%get3A_977, %get3A_978] {strides = array<i32>} : memref<200x128xi32, #tpu.memory_space<vmem>>, vector<16xi32>,
        %shift_right_logical3A_980 = arith.constant 1 : i32
        %shift_right_logical3A_981 = vector.broadcast %shift_right_logical3A_980 : i32 to vector<16xi32>
        %shift_right_logical3A_982 = arith.shrui %get3A_979, %shift_right_logical3A_981 : vector<16xi32>
        %swap3A_983 = arith.constant 0 : index
        %swap3A_984 = tpu.vector_load %arg8[%swap3A_983] {strides = array<i32>} : memref<128xi32, #tpu.memory_space<vmem>>, vector<16xi32>,
        tpu.vector_store %arg8[%swap3A_983], %shift_right_logical3A_982 {strides = array<i32>} : memref<128xi32, #tpu.memory_space<vmem>>, vector<16xi32>,
        %get3A_985 = arith.index_cast %add3A_976 : i32 to index
        %get3A_986 = arith.constant 16 : index
        %get3A_987 = tpu.vector_load %arg6[%get3A_985, %get3A_986] {strides = array<i32>} : memref<200x128xi32, #tpu.memory_space<vmem>>, vector<16xi32>,
        %shift_right_logical3A_988 = arith.constant 1 : i32
        %shift_right_logical3A_989 = vector.broadcast %shift_right_logical3A_988 : i32 to vector<16xi32>
        %shift_right_logical3A_990 = arith.shrui %get3A_987, %shift_right_logical3A_989 : vector<16xi32>
        %swap3A_991 = arith.constant 16 : index
        %swap3A_992 = tpu.vector_load %arg8[%swap3A_991] {strides = array<i32>} : memref<128xi32, #tpu.memory_space<vmem>>, vector<16xi32>,
        tpu.vector_store %arg8[%swap3A_991], %shift_right_logical3A_990 {strides = array<i32>} : memref<128xi32, #tpu.memory_space<vmem>>, vector<16xi32>,
        %get3A_993 = arith.index_cast %add3A_976 : i32 to index
        %get3A_994 = arith.constant 32 : index
        %get3A_995 = tpu.vector_load %arg6[%get3A_993, %get3A_994] {strides = array<i32>} : memref<200x128xi32, #tpu.memory_space<vmem>>, vector<16xi32>,
        %shift_right_logical3A_996 = arith.constant 1 : i32
        %shift_right_logical3A_997 = vector.broadcast %shift_right_logical3A_996 : i32 to vector<16xi32>
        %shift_right_logical3A_998 = arith.shrui %get3A_995, %shift_right_logical3A_997 : vector<16xi32>
        %swap3A_999 = arith.constant 32 : index
        %swap3A_1000 = tpu.vector_load %arg8[%swap3A_999] {strides = array<i32>} : memref<128xi32, #tpu.memory_space<vmem>>, vector<16xi32>,
        tpu.vector_store %arg8[%swap3A_999], %shift_right_logical3A_998 {strides = array<i32>} : memref<128xi32, #tpu.memory_space<vmem>>, vector<16xi32>,
        %get3A_1001 = arith.index_cast %add3A_976 : i32 to index
        %get3A_1002 = arith.constant 48 : index
        %get3A_1003 = tpu.vector_load %arg6[%get3A_1001, %get3A_1002] {strides = array<i32>} : memref<200x128xi32, #tpu.memory_space<vmem>>, vector<16xi32>,
        %shift_right_logical3A_1004 = arith.constant 1 : i32
        %shift_right_logical3A_1005 = vector.broadcast %shift_right_logical3A_1004 : i32 to vector<16xi32>
        %shift_right_logical3A_1006 = arith.shrui %get3A_1003, %shift_right_logical3A_1005 : vector<16xi32>
        %swap3A_1007 = arith.constant 48 : index
        %swap3A_1008 = tpu.vector_load %arg8[%swap3A_1007] {strides = array<i32>} : memref<128xi32, #tpu.memory_space<vmem>>, vector<16xi32>,
        tpu.vector_store %arg8[%swap3A_1007], %shift_right_logical3A_1006 {strides = array<i32>} : memref<128xi32, #tpu.memory_space<vmem>>, vector<16xi32>,
        %get3A_1009 = arith.index_cast %add3A_976 : i32 to index
        %get3A_1010 = arith.constant 64 : index
        %get3A_1011 = tpu.vector_load %arg6[%get3A_1009, %get3A_1010] {strides = array<i32>} : memref<200x128xi32, #tpu.memory_space<vmem>>, vector<16xi32>,
        %shift_right_logical3A_1012 = arith.constant 1 : i32
        %shift_right_logical3A_1013 = vector.broadcast %shift_right_logical3A_1012 : i32 to vector<16xi32>
        %shift_right_logical3A_1014 = arith.shrui %get3A_1011, %shift_right_logical3A_1013 : vector<16xi32>
        %swap3A_1015 = arith.constant 64 : index
        %swap3A_1016 = tpu.vector_load %arg8[%swap3A_1015] {strides = array<i32>} : memref<128xi32, #tpu.memory_space<vmem>>, vector<16xi32>,
        tpu.vector_store %arg8[%swap3A_1015], %shift_right_logical3A_1014 {strides = array<i32>} : memref<128xi32, #tpu.memory_space<vmem>>, vector<16xi32>,
        %get3A_1017 = arith.index_cast %add3A_976 : i32 to index
        %get3A_1018 = arith.constant 80 : index
        %get3A_1019 = tpu.vector_load %arg6[%get3A_1017, %get3A_1018] {strides = array<i32>} : memref<200x128xi32, #tpu.memory_space<vmem>>, vector<16xi32>,
        %shift_right_logical3A_1020 = arith.constant 1 : i32
        %shift_right_logical3A_1021 = vector.broadcast %shift_right_logical3A_1020 : i32 to vector<16xi32>
        %shift_right_logical3A_1022 = arith.shrui %get3A_1019, %shift_right_logical3A_1021 : vector<16xi32>
        %swap3A_1023 = arith.constant 80 : index
        %swap3A_1024 = tpu.vector_load %arg8[%swap3A_1023] {strides = array<i32>} : memref<128xi32, #tpu.memory_space<vmem>>, vector<16xi32>,
        tpu.vector_store %arg8[%swap3A_1023], %shift_right_logical3A_1022 {strides = array<i32>} : memref<128xi32, #tpu.memory_space<vmem>>, vector<16xi32>,
        %get3A_1025 = arith.index_cast %add3A_976 : i32 to index
        %get3A_1026 = arith.constant 96 : index
        %get3A_1027 = tpu.vector_load %arg6[%get3A_1025, %get3A_1026] {strides = array<i32>} : memref<200x128xi32, #tpu.memory_space<vmem>>, vector<16xi32>,
        %shift_right_logical3A_1028 = arith.constant 1 : i32
        %shift_right_logical3A_1029 = vector.broadcast %shift_right_logical3A_1028 : i32 to vector<16xi32>
        %shift_right_logical3A_1030 = arith.shrui %get3A_1027, %shift_right_logical3A_1029 : vector<16xi32>
        %swap3A_1031 = arith.constant 96 : index
        %swap3A_1032 = tpu.vector_load %arg8[%swap3A_1031] {strides = array<i32>} : memref<128xi32, #tpu.memory_space<vmem>>, vector<16xi32>,
        tpu.vector_store %arg8[%swap3A_1031], %shift_right_logical3A_1030 {strides = array<i32>} : memref<128xi32, #tpu.memory_space<vmem>>, vector<16xi32>,
        %get3A_1033 = arith.index_cast %add3A_976 : i32 to index
        %get3A_1034 = arith.constant 112 : index
        %get3A_1035 = tpu.vector_load %arg6[%get3A_1033, %get3A_1034] {strides = array<i32>} : memref<200x128xi32, #tpu.memory_space<vmem>>, vector<16xi32>,
        %shift_right_logical3A_1036 = arith.constant 1 : i32
        %shift_right_logical3A_1037 = vector.broadcast %shift_right_logical3A_1036 : i32 to vector<16xi32>
        %shift_right_logical3A_1038 = arith.shrui %get3A_1035, %shift_right_logical3A_1037 : vector<16xi32>
        %swap3A_1039 = arith.constant 112 : index
        %swap3A_1040 = tpu.vector_load %arg8[%swap3A_1039] {strides = array<i32>} : memref<128xi32, #tpu.memory_space<vmem>>, vector<16xi32>,
        tpu.vector_store %arg8[%swap3A_1039], %shift_right_logical3A_1038 {strides = array<i32>} : memref<128xi32, #tpu.memory_space<vmem>>, vector<16xi32>,
        %dma_start3A_1041 = arith.constant 0 : i32
        %dma_start3A_1042 = arith.constant 0 : i32
        %dma_start3A_1043 = tpu.memref_slice %arg12[%dma_start3A_1041, %dma_start3A_1042] : memref<128x128xf32, #tpu.memory_space<vmem>> -> memref<32x128xf32, #tpu.memory_space<vmem>>
        %dma_start3A_1044 = arith.constant 0 : i32
        %dma_start3A_1045 = tpu.memref_slice %arg8[%dma_start3A_1044] : memref<128xi32, #tpu.memory_space<vmem>> -> memref<32xi32, #tpu.memory_space<vmem>>
        %dma_start3A_1046 = arith.constant 0 : i32
        %dma_start3A_1047 = arith.constant 0 : i32
        %dma_start3A_1048 = tpu.memref_slice %arg3[%dma_start3A_1046, %dma_start3A_1047] : memref<500000x128xf32, #tpu.memory_space<hbm>> -> memref<500000x128xf32, #tpu.memory_space<hbm>>
        tpu.enqueue_indirect_dma source(%dma_start3A_1048 : memref<500000x128xf32, #tpu.memory_space<hbm>>) target(%dma_start3A_1043 : memref<32x128xf32, #tpu.memory_space<vmem>>) offsets(%dma_start3A_1045 : memref<32xi32, #tpu.memory_space<vmem>>) semaphore(%arg18 : memref<!tpu.dma_semaphore, #tpu.memory_space<semaphore_mem>>)
        %dma_start3A_1049 = arith.constant 32 : i32
        %dma_start3A_1050 = arith.constant 0 : i32
        %dma_start3A_1051 = tpu.memref_slice %arg12[%dma_start3A_1049, %dma_start3A_1050] : memref<128x128xf32, #tpu.memory_space<vmem>> -> memref<32x128xf32, #tpu.memory_space<vmem>>
        %dma_start3A_1052 = arith.constant 32 : i32
        %dma_start3A_1053 = tpu.memref_slice %arg8[%dma_start3A_1052] : memref<128xi32, #tpu.memory_space<vmem>> -> memref<32xi32, #tpu.memory_space<vmem>>
        %dma_start3A_1054 = arith.constant 0 : i32
        %dma_start3A_1055 = arith.constant 0 : i32
        %dma_start3A_1056 = tpu.memref_slice %arg3[%dma_start3A_1054, %dma_start3A_1055] : memref<500000x128xf32, #tpu.memory_space<hbm>> -> memref<500000x128xf32, #tpu.memory_space<hbm>>
        tpu.enqueue_indirect_dma source(%dma_start3A_1056 : memref<500000x128xf32, #tpu.memory_space<hbm>>) target(%dma_start3A_1051 : memref<32x128xf32, #tpu.memory_space<vmem>>) offsets(%dma_start3A_1053 : memref<32xi32, #tpu.memory_space<vmem>>) semaphore(%arg19 : memref<!tpu.dma_semaphore, #tpu.memory_space<semaphore_mem>>)
        %dma_start3A_1057 = arith.constant 64 : i32
        %dma_start3A_1058 = arith.constant 0 : i32
        %dma_start3A_1059 = tpu.memref_slice %arg12[%dma_start3A_1057, %dma_start3A_1058] : memref<128x128xf32, #tpu.memory_space<vmem>> -> memref<32x128xf32, #tpu.memory_space<vmem>>
        %dma_start3A_1060 = arith.constant 64 : i32
        %dma_start3A_1061 = tpu.memref_slice %arg8[%dma_start3A_1060] : memref<128xi32, #tpu.memory_space<vmem>> -> memref<32xi32, #tpu.memory_space<vmem>>
        %dma_start3A_1062 = arith.constant 0 : i32
        %dma_start3A_1063 = arith.constant 0 : i32
        %dma_start3A_1064 = tpu.memref_slice %arg3[%dma_start3A_1062, %dma_start3A_1063] : memref<500000x128xf32, #tpu.memory_space<hbm>> -> memref<500000x128xf32, #tpu.memory_space<hbm>>
        tpu.enqueue_indirect_dma source(%dma_start3A_1064 : memref<500000x128xf32, #tpu.memory_space<hbm>>) target(%dma_start3A_1059 : memref<32x128xf32, #tpu.memory_space<vmem>>) offsets(%dma_start3A_1061 : memref<32xi32, #tpu.memory_space<vmem>>) semaphore(%arg20 : memref<!tpu.dma_semaphore, #tpu.memory_space<semaphore_mem>>)
        %dma_start3A_1065 = arith.constant 96 : i32
        %dma_start3A_1066 = arith.constant 0 : i32
        %dma_start3A_1067 = tpu.memref_slice %arg12[%dma_start3A_1065, %dma_start3A_1066] : memref<128x128xf32, #tpu.memory_space<vmem>> -> memref<32x128xf32, #tpu.memory_space<vmem>>
        %dma_start3A_1068 = arith.constant 96 : i32
        %dma_start3A_1069 = tpu.memref_slice %arg8[%dma_start3A_1068] : memref<128xi32, #tpu.memory_space<vmem>> -> memref<32xi32, #tpu.memory_space<vmem>>
        %dma_start3A_1070 = arith.constant 0 : i32
        %dma_start3A_1071 = arith.constant 0 : i32
        %dma_start3A_1072 = tpu.memref_slice %arg3[%dma_start3A_1070, %dma_start3A_1071] : memref<500000x128xf32, #tpu.memory_space<hbm>> -> memref<500000x128xf32, #tpu.memory_space<hbm>>
        tpu.enqueue_indirect_dma source(%dma_start3A_1072 : memref<500000x128xf32, #tpu.memory_space<hbm>>) target(%dma_start3A_1067 : memref<32x128xf32, #tpu.memory_space<vmem>>) offsets(%dma_start3A_1069 : memref<32xi32, #tpu.memory_space<vmem>>) semaphore(%arg21 : memref<!tpu.dma_semaphore, #tpu.memory_space<semaphore_mem>>)
      } else {
      }
      %dma_wait3A_583 = arith.constant 0 : i32
      %dma_wait3A_584 = arith.constant 0 : i32
      %dma_wait3A_585 = tpu.memref_slice %arg13[%dma_wait3A_583, %dma_wait3A_584] : memref<128x128xf32, #tpu.memory_space<vmem>> -> memref<32x128xf32, #tpu.memory_space<vmem>>
      %dma_wait3A_586 = arith.constant 0 : i32
      %dma_wait3A_587 = tpu.memref_slice %arg9[%dma_wait3A_586] : memref<128xi32, #tpu.memory_space<vmem>> -> memref<32xi32, #tpu.memory_space<vmem>>
      %dma_wait3A_588 = arith.constant 0 : i32
      %dma_wait3A_589 = arith.constant 0 : i32
      %dma_wait3A_590 = tpu.memref_slice %arg3[%dma_wait3A_588, %dma_wait3A_589] : memref<500000x128xf32, #tpu.memory_space<hbm>> -> memref<500000x128xf32, #tpu.memory_space<hbm>>
      tpu.wait_indirect_dma semaphore(%arg22 : memref<!tpu.dma_semaphore, #tpu.memory_space<semaphore_mem>>) src(%dma_wait3A_590 : memref<500000x128xf32, #tpu.memory_space<hbm>>) dst(%dma_wait3A_585 : memref<32x128xf32, #tpu.memory_space<vmem>>)
      %dma_wait3A_591 = arith.constant 32 : i32
      %dma_wait3A_592 = arith.constant 0 : i32
      %dma_wait3A_593 = tpu.memref_slice %arg13[%dma_wait3A_591, %dma_wait3A_592] : memref<128x128xf32, #tpu.memory_space<vmem>> -> memref<32x128xf32, #tpu.memory_space<vmem>>
      %dma_wait3A_594 = arith.constant 32 : i32
      %dma_wait3A_595 = tpu.memref_slice %arg9[%dma_wait3A_594] : memref<128xi32, #tpu.memory_space<vmem>> -> memref<32xi32, #tpu.memory_space<vmem>>
      %dma_wait3A_596 = arith.constant 0 : i32
      %dma_wait3A_597 = arith.constant 0 : i32
      %dma_wait3A_598 = tpu.memref_slice %arg3[%dma_wait3A_596, %dma_wait3A_597] : memref<500000x128xf32, #tpu.memory_space<hbm>> -> memref<500000x128xf32, #tpu.memory_space<hbm>>
      tpu.wait_indirect_dma semaphore(%arg23 : memref<!tpu.dma_semaphore, #tpu.memory_space<semaphore_mem>>) src(%dma_wait3A_598 : memref<500000x128xf32, #tpu.memory_space<hbm>>) dst(%dma_wait3A_593 : memref<32x128xf32, #tpu.memory_space<vmem>>)
      %dma_wait3A_599 = arith.constant 64 : i32
      %dma_wait3A_600 = arith.constant 0 : i32
      %dma_wait3A_601 = tpu.memref_slice %arg13[%dma_wait3A_599, %dma_wait3A_600] : memref<128x128xf32, #tpu.memory_space<vmem>> -> memref<32x128xf32, #tpu.memory_space<vmem>>
      %dma_wait3A_602 = arith.constant 64 : i32
      %dma_wait3A_603 = tpu.memref_slice %arg9[%dma_wait3A_602] : memref<128xi32, #tpu.memory_space<vmem>> -> memref<32xi32, #tpu.memory_space<vmem>>
      %dma_wait3A_604 = arith.constant 0 : i32
      %dma_wait3A_605 = arith.constant 0 : i32
      %dma_wait3A_606 = tpu.memref_slice %arg3[%dma_wait3A_604, %dma_wait3A_605] : memref<500000x128xf32, #tpu.memory_space<hbm>> -> memref<500000x128xf32, #tpu.memory_space<hbm>>
      tpu.wait_indirect_dma semaphore(%arg24 : memref<!tpu.dma_semaphore, #tpu.memory_space<semaphore_mem>>) src(%dma_wait3A_606 : memref<500000x128xf32, #tpu.memory_space<hbm>>) dst(%dma_wait3A_601 : memref<32x128xf32, #tpu.memory_space<vmem>>)
      %dma_wait3A_607 = arith.constant 96 : i32
      %dma_wait3A_608 = arith.constant 0 : i32
      %dma_wait3A_609 = tpu.memref_slice %arg13[%dma_wait3A_607, %dma_wait3A_608] : memref<128x128xf32, #tpu.memory_space<vmem>> -> memref<32x128xf32, #tpu.memory_space<vmem>>
      %dma_wait3A_610 = arith.constant 96 : i32
      %dma_wait3A_611 = tpu.memref_slice %arg9[%dma_wait3A_610] : memref<128xi32, #tpu.memory_space<vmem>> -> memref<32xi32, #tpu.memory_space<vmem>>
      %dma_wait3A_612 = arith.constant 0 : i32
      %dma_wait3A_613 = arith.constant 0 : i32
      %dma_wait3A_614 = tpu.memref_slice %arg3[%dma_wait3A_612, %dma_wait3A_613] : memref<500000x128xf32, #tpu.memory_space<hbm>> -> memref<500000x128xf32, #tpu.memory_space<hbm>>
      tpu.wait_indirect_dma semaphore(%arg25 : memref<!tpu.dma_semaphore, #tpu.memory_space<semaphore_mem>>) src(%dma_wait3A_614 : memref<500000x128xf32, #tpu.memory_space<hbm>>) dst(%dma_wait3A_609 : memref<32x128xf32, #tpu.memory_space<vmem>>)
      %ge3A_615 = arith.constant 1 : i32
      %ge3A_616 = arith.cmpi sge, %scan3A_353, %ge3A_615 : i32
      %convert_element_type3A_617 = arith.extui %ge3A_616 : i1 to i32
      %cond3A_618 = arith.constant 0 : i32
      %cond3A_619 = arith.cmpi ne, %convert_element_type3A_617, %cond3A_618 : i32
      scf.if %cond3A_619 {
        %sub3A_975 = arith.constant 2 : i32
        %sub3A_976 = arith.subi %add3A_578, %sub3A_975 : i32
        %dma_wait3A_977 = arith.constant 0 : i32
        %dma_wait3A_978 = tpu.memref_slice %arg5[%sub3A_976, %dma_wait3A_977, %mul3A_2] : memref<200x64x4096xf32, #tpu.memory_space<hbm>> -> memref<1x64x128xf32, #tpu.memory_space<hbm>>
        %dma_wait3A_979 = tpu.memref_squeeze %dma_wait3A_978 : memref<1x64x128xf32, #tpu.memory_space<hbm>> -> memref<64x128xf32, #tpu.memory_space<hbm>>
        %dma_wait3A_980 = arith.constant 0 : i32
        %dma_wait3A_981 = tpu.memref_slice %arg5[%sub3A_976, %dma_wait3A_980, %mul3A_2] : memref<200x64x4096xf32, #tpu.memory_space<hbm>> -> memref<1x64x128xf32, #tpu.memory_space<hbm>>
        %dma_wait3A_982 = tpu.memref_squeeze %dma_wait3A_981 : memref<1x64x128xf32, #tpu.memory_space<hbm>> -> memref<64x128xf32, #tpu.memory_space<hbm>>
        tpu.wait_dma2 semaphore(%arg35 : memref<!tpu.dma_semaphore, #tpu.memory_space<semaphore_mem>>) src(%arg17 : memref<64x128xf32, #tpu.memory_space<vmem>>) dst(%dma_wait3A_982 : memref<64x128xf32, #tpu.memory_space<hbm>>)
      } else {
      }
      %get3A_620 = arith.index_cast %add3A_578 : i32 to index
      %get3A_621 = arith.constant 0 : index
      %get3A_622 = tpu.vector_load %arg6[%get3A_620, %get3A_621] {strides = array<i32>} : memref<200x128xi32, #tpu.memory_space<vmem>>, vector<16xi32>,
      %and3A_623 = arith.constant 1 : i32
      %and3A_624 = vector.broadcast %and3A_623 : i32 to vector<16xi32>
      %and3A_625 = arith.andi %get3A_622, %and3A_624 : vector<16xi32>
      %mul3A_626 = arith.constant 64 : i32
      %mul3A_627 = vector.broadcast %mul3A_626 : i32 to vector<16xi32>
      %mul3A_628 = arith.muli %and3A_625, %mul3A_627 : vector<16xi32>
      %get3A_629 = arith.index_cast %add3A_578 : i32 to index
      %get3A_630 = arith.constant 16 : index
      %get3A_631 = tpu.vector_load %arg6[%get3A_629, %get3A_630] {strides = array<i32>} : memref<200x128xi32, #tpu.memory_space<vmem>>, vector<16xi32>,
      %and3A_632 = arith.constant 1 : i32
      %and3A_633 = vector.broadcast %and3A_632 : i32 to vector<16xi32>
      %and3A_634 = arith.andi %get3A_631, %and3A_633 : vector<16xi32>
      %mul3A_635 = arith.constant 64 : i32
      %mul3A_636 = vector.broadcast %mul3A_635 : i32 to vector<16xi32>
      %mul3A_637 = arith.muli %and3A_634, %mul3A_636 : vector<16xi32>
      %get3A_638 = arith.index_cast %add3A_578 : i32 to index
      %get3A_639 = arith.constant 32 : index
      %get3A_640 = tpu.vector_load %arg6[%get3A_638, %get3A_639] {strides = array<i32>} : memref<200x128xi32, #tpu.memory_space<vmem>>, vector<16xi32>,
      %and3A_641 = arith.constant 1 : i32
      %and3A_642 = vector.broadcast %and3A_641 : i32 to vector<16xi32>
      %and3A_643 = arith.andi %get3A_640, %and3A_642 : vector<16xi32>
      %mul3A_644 = arith.constant 64 : i32
      %mul3A_645 = vector.broadcast %mul3A_644 : i32 to vector<16xi32>
      %mul3A_646 = arith.muli %and3A_643, %mul3A_645 : vector<16xi32>
      %get3A_647 = arith.index_cast %add3A_578 : i32 to index
      %get3A_648 = arith.constant 48 : index
      %get3A_649 = tpu.vector_load %arg6[%get3A_647, %get3A_648] {strides = array<i32>} : memref<200x128xi32, #tpu.memory_space<vmem>>, vector<16xi32>,
      %and3A_650 = arith.constant 1 : i32
      %and3A_651 = vector.broadcast %and3A_650 : i32 to vector<16xi32>
      %and3A_652 = arith.andi %get3A_649, %and3A_651 : vector<16xi32>
      %mul3A_653 = arith.constant 64 : i32
      %mul3A_654 = vector.broadcast %mul3A_653 : i32 to vector<16xi32>
      %mul3A_655 = arith.muli %and3A_652, %mul3A_654 : vector<16xi32>
      %get3A_656 = arith.index_cast %add3A_578 : i32 to index
      %get3A_657 = arith.constant 64 : index
      %get3A_658 = tpu.vector_load %arg6[%get3A_656, %get3A_657] {strides = array<i32>} : memref<200x128xi32, #tpu.memory_space<vmem>>, vector<16xi32>,
      %and3A_659 = arith.constant 1 : i32
      %and3A_660 = vector.broadcast %and3A_659 : i32 to vector<16xi32>
      %and3A_661 = arith.andi %get3A_658, %and3A_660 : vector<16xi32>
      %mul3A_662 = arith.constant 64 : i32
      %mul3A_663 = vector.broadcast %mul3A_662 : i32 to vector<16xi32>
      %mul3A_664 = arith.muli %and3A_661, %mul3A_663 : vector<16xi32>
      %get3A_665 = arith.index_cast %add3A_578 : i32 to index
      %get3A_666 = arith.constant 80 : index
      %get3A_667 = tpu.vector_load %arg6[%get3A_665, %get3A_666] {strides = array<i32>} : memref<200x128xi32, #tpu.memory_space<vmem>>, vector<16xi32>,
      %and3A_668 = arith.constant 1 : i32
      %and3A_669 = vector.broadcast %and3A_668 : i32 to vector<16xi32>
      %and3A_670 = arith.andi %get3A_667, %and3A_669 : vector<16xi32>
      %mul3A_671 = arith.constant 64 : i32
      %mul3A_672 = vector.broadcast %mul3A_671 : i32 to vector<16xi32>
      %mul3A_673 = arith.muli %and3A_670, %mul3A_672 : vector<16xi32>
      %get3A_674 = arith.index_cast %add3A_578 : i32 to index
      %get3A_675 = arith.constant 96 : index
      %get3A_676 = tpu.vector_load %arg6[%get3A_674, %get3A_675] {strides = array<i32>} : memref<200x128xi32, #tpu.memory_space<vmem>>, vector<16xi32>,
      %and3A_677 = arith.constant 1 : i32
      %and3A_678 = vector.broadcast %and3A_677 : i32 to vector<16xi32>
      %and3A_679 = arith.andi %get3A_676, %and3A_678 : vector<16xi32>
      %mul3A_680 = arith.constant 64 : i32
      %mul3A_681 = vector.broadcast %mul3A_680 : i32 to vector<16xi32>
      %mul3A_682 = arith.muli %and3A_679, %mul3A_681 : vector<16xi32>
      %get3A_683 = arith.index_cast %add3A_578 : i32 to index
      %get3A_684 = arith.constant 112 : index
      %get3A_685 = tpu.vector_load %arg6[%get3A_683, %get3A_684] {strides = array<i32>} : memref<200x128xi32, #tpu.memory_space<vmem>>, vector<16xi32>,
      %and3A_686 = arith.constant 1 : i32
      %and3A_687 = vector.broadcast %and3A_686 : i32 to vector<16xi32>
      %and3A_688 = arith.andi %get3A_685, %and3A_687 : vector<16xi32>
      %mul3A_689 = arith.constant 64 : i32
      %mul3A_690 = vector.broadcast %mul3A_689 : i32 to vector<16xi32>
      %mul3A_691 = arith.muli %and3A_688, %mul3A_690 : vector<16xi32>
      %mul3A_692 = arith.constant 64 : i32
      %mul3A_693 = arith.muli %add3A_578, %mul3A_692 : i32
      %scan3A_694 = arith.constant 0 : i32
      %scan3A_695 = arith.constant 0 : i32
      %scan3A_696 = arith.constant 64 : i32
      %scan3A_697 = arith.addi %scan3A_695, %scan3A_696 : i32
      %scan3A_698 = arith.constant 2 : i32
      scf.for %scan3A_975 = %scan3A_695 to %scan3A_697 step %scan3A_698  : i32 {
        %and3A_976 = arith.constant 15 : i32
        %and3A_977 = arith.andi %scan3A_975, %and3A_976 : i32
        %shift_right_arithmetic3A = arith.constant 4 : i32
        %shift_right_arithmetic3A_978 = arith.shrsi %scan3A_975, %shift_right_arithmetic3A : i32
        %shift_left3A = arith.constant 4 : i32
        %shift_left3A_979 = arith.shli %shift_right_arithmetic3A_978, %shift_left3A : i32
        %add3A_980 = vector.broadcast %and3A_977 : i32 to vector<16xi32>
        %add3A_981 = arith.addi %add3A_980, %iota3A : vector<16xi32>
        %and3A_982 = arith.constant 15 : i32
        %and3A_983 = vector.broadcast %and3A_982 : i32 to vector<16xi32>
        %and3A_984 = arith.andi %add3A_981, %and3A_983 : vector<16xi32>
        %add3A_985 = vector.broadcast %shift_left3A_979 : i32 to vector<16xi32>
        %add3A_986 = arith.addi %and3A_984, %add3A_985 : vector<16xi32>
        %add3A_987 = vector.broadcast %mul3A_693 : i32 to vector<16xi32>
        %add3A_988 = arith.addi %add3A_987, %add3A_986 : vector<16xi32>
        %gather3A = tpu.vector_load_idx %arg7[%add3A_988] : memref<12816xf32, #tpu.memory_space<vmem>>[vector<16xi32>], vector<16xf32>,
        %add3A_989 = arith.addi %mul3A_628, %add3A_986 : vector<16xi32>
        %gather3A_990 = tpu.vector_load_idx %arg13[%add3A_313, %add3A_989] : memref<128x128xf32, #tpu.memory_space<vmem>>[vector<16xi32>, vector<16xi32>], vector<16xf32>,
        %add3A_991 = arith.addf %gather3A_990, %gather3A : vector<16xf32>
        tpu.vector_store_idx %arg17[%add3A_986, %add3A_313], %add3A_991 : memref<64x128xf32, #tpu.memory_space<vmem>>[vector<16xi32>, vector<16xi32>], vector<16xf32>,
        %add3A_992 = arith.addi %mul3A_637, %add3A_986 : vector<16xi32>
        %gather3A_993 = tpu.vector_load_idx %arg13[%add3A_316, %add3A_992] : memref<128x128xf32, #tpu.memory_space<vmem>>[vector<16xi32>, vector<16xi32>], vector<16xf32>,
        %add3A_994 = arith.addf %gather3A_993, %gather3A : vector<16xf32>
        tpu.vector_store_idx %arg17[%add3A_986, %add3A_316], %add3A_994 : memref<64x128xf32, #tpu.memory_space<vmem>>[vector<16xi32>, vector<16xi32>], vector<16xf32>,
        %add3A_995 = arith.addi %mul3A_646, %add3A_986 : vector<16xi32>
        %gather3A_996 = tpu.vector_load_idx %arg13[%add3A_319, %add3A_995] : memref<128x128xf32, #tpu.memory_space<vmem>>[vector<16xi32>, vector<16xi32>], vector<16xf32>,
        %add3A_997 = arith.addf %gather3A_996, %gather3A : vector<16xf32>
        tpu.vector_store_idx %arg17[%add3A_986, %add3A_319], %add3A_997 : memref<64x128xf32, #tpu.memory_space<vmem>>[vector<16xi32>, vector<16xi32>], vector<16xf32>,
        %add3A_998 = arith.addi %mul3A_655, %add3A_986 : vector<16xi32>
        %gather3A_999 = tpu.vector_load_idx %arg13[%add3A_322, %add3A_998] : memref<128x128xf32, #tpu.memory_space<vmem>>[vector<16xi32>, vector<16xi32>], vector<16xf32>,
        %add3A_1000 = arith.addf %gather3A_999, %gather3A : vector<16xf32>
        tpu.vector_store_idx %arg17[%add3A_986, %add3A_322], %add3A_1000 : memref<64x128xf32, #tpu.memory_space<vmem>>[vector<16xi32>, vector<16xi32>], vector<16xf32>,
        %add3A_1001 = arith.addi %mul3A_664, %add3A_986 : vector<16xi32>
        %gather3A_1002 = tpu.vector_load_idx %arg13[%add3A_325, %add3A_1001] : memref<128x128xf32, #tpu.memory_space<vmem>>[vector<16xi32>, vector<16xi32>], vector<16xf32>,
        %add3A_1003 = arith.addf %gather3A_1002, %gather3A : vector<16xf32>
        tpu.vector_store_idx %arg17[%add3A_986, %add3A_325], %add3A_1003 : memref<64x128xf32, #tpu.memory_space<vmem>>[vector<16xi32>, vector<16xi32>], vector<16xf32>,
        %add3A_1004 = arith.addi %mul3A_673, %add3A_986 : vector<16xi32>
        %gather3A_1005 = tpu.vector_load_idx %arg13[%add3A_328, %add3A_1004] : memref<128x128xf32, #tpu.memory_space<vmem>>[vector<16xi32>, vector<16xi32>], vector<16xf32>,
        %add3A_1006 = arith.addf %gather3A_1005, %gather3A : vector<16xf32>
        tpu.vector_store_idx %arg17[%add3A_986, %add3A_328], %add3A_1006 : memref<64x128xf32, #tpu.memory_space<vmem>>[vector<16xi32>, vector<16xi32>], vector<16xf32>,
        %add3A_1007 = arith.addi %mul3A_682, %add3A_986 : vector<16xi32>
        %gather3A_1008 = tpu.vector_load_idx %arg13[%add3A_331, %add3A_1007] : memref<128x128xf32, #tpu.memory_space<vmem>>[vector<16xi32>, vector<16xi32>], vector<16xf32>,
        %add3A_1009 = arith.addf %gather3A_1008, %gather3A : vector<16xf32>
        tpu.vector_store_idx %arg17[%add3A_986, %add3A_331], %add3A_1009 : memref<64x128xf32, #tpu.memory_space<vmem>>[vector<16xi32>, vector<16xi32>], vector<16xf32>,
        %add3A_1010 = arith.addi %mul3A_691, %add3A_986 : vector<16xi32>
        %gather3A_1011 = tpu.vector_load_idx %arg13[%add3A_334, %add3A_1010] : memref<128x128xf32, #tpu.memory_space<vmem>>[vector<16xi32>, vector<16xi32>], vector<16xf32>,
        %add3A_1012 = arith.addf %gather3A_1011, %gather3A : vector<16xf32>
        tpu.vector_store_idx %arg17[%add3A_986, %add3A_334], %add3A_1012 : memref<64x128xf32, #tpu.memory_space<vmem>>[vector<16xi32>, vector<16xi32>], vector<16xf32>,
        %scan3A_1013 = arith.constant 1 : i32
        %scan3A_1014 = arith.addi %scan3A_975, %scan3A_1013 : i32
        %and3A_1015 = arith.constant 15 : i32
        %and3A_1016 = arith.andi %scan3A_1014, %and3A_1015 : i32
        %shift_right_arithmetic3A_1017 = arith.constant 4 : i32
        %shift_right_arithmetic3A_1018 = arith.shrsi %scan3A_1014, %shift_right_arithmetic3A_1017 : i32
        %shift_left3A_1019 = arith.constant 4 : i32
        %shift_left3A_1020 = arith.shli %shift_right_arithmetic3A_1018, %shift_left3A_1019 : i32
        %add3A_1021 = vector.broadcast %and3A_1016 : i32 to vector<16xi32>
        %add3A_1022 = arith.addi %add3A_1021, %iota3A : vector<16xi32>
        %and3A_1023 = arith.constant 15 : i32
        %and3A_1024 = vector.broadcast %and3A_1023 : i32 to vector<16xi32>
        %and3A_1025 = arith.andi %add3A_1022, %and3A_1024 : vector<16xi32>
        %add3A_1026 = vector.broadcast %shift_left3A_1020 : i32 to vector<16xi32>
        %add3A_1027 = arith.addi %and3A_1025, %add3A_1026 : vector<16xi32>
        %add3A_1028 = vector.broadcast %mul3A_693 : i32 to vector<16xi32>
        %add3A_1029 = arith.addi %add3A_1028, %add3A_1027 : vector<16xi32>
        %gather3A_1030 = tpu.vector_load_idx %arg7[%add3A_1029] : memref<12816xf32, #tpu.memory_space<vmem>>[vector<16xi32>], vector<16xf32>,
        %add3A_1031 = arith.addi %mul3A_628, %add3A_1027 : vector<16xi32>
        %gather3A_1032 = tpu.vector_load_idx %arg13[%add3A_313, %add3A_1031] : memref<128x128xf32, #tpu.memory_space<vmem>>[vector<16xi32>, vector<16xi32>], vector<16xf32>,
        %add3A_1033 = arith.addf %gather3A_1032, %gather3A_1030 : vector<16xf32>
        tpu.vector_store_idx %arg17[%add3A_1027, %add3A_313], %add3A_1033 : memref<64x128xf32, #tpu.memory_space<vmem>>[vector<16xi32>, vector<16xi32>], vector<16xf32>,
        %add3A_1034 = arith.addi %mul3A_637, %add3A_1027 : vector<16xi32>
        %gather3A_1035 = tpu.vector_load_idx %arg13[%add3A_316, %add3A_1034] : memref<128x128xf32, #tpu.memory_space<vmem>>[vector<16xi32>, vector<16xi32>], vector<16xf32>,
        %add3A_1036 = arith.addf %gather3A_1035, %gather3A_1030 : vector<16xf32>
        tpu.vector_store_idx %arg17[%add3A_1027, %add3A_316], %add3A_1036 : memref<64x128xf32, #tpu.memory_space<vmem>>[vector<16xi32>, vector<16xi32>], vector<16xf32>,
        %add3A_1037 = arith.addi %mul3A_646, %add3A_1027 : vector<16xi32>
        %gather3A_1038 = tpu.vector_load_idx %arg13[%add3A_319, %add3A_1037] : memref<128x128xf32, #tpu.memory_space<vmem>>[vector<16xi32>, vector<16xi32>], vector<16xf32>,
        %add3A_1039 = arith.addf %gather3A_1038, %gather3A_1030 : vector<16xf32>
        tpu.vector_store_idx %arg17[%add3A_1027, %add3A_319], %add3A_1039 : memref<64x128xf32, #tpu.memory_space<vmem>>[vector<16xi32>, vector<16xi32>], vector<16xf32>,
        %add3A_1040 = arith.addi %mul3A_655, %add3A_1027 : vector<16xi32>
        %gather3A_1041 = tpu.vector_load_idx %arg13[%add3A_322, %add3A_1040] : memref<128x128xf32, #tpu.memory_space<vmem>>[vector<16xi32>, vector<16xi32>], vector<16xf32>,
        %add3A_1042 = arith.addf %gather3A_1041, %gather3A_1030 : vector<16xf32>
        tpu.vector_store_idx %arg17[%add3A_1027, %add3A_322], %add3A_1042 : memref<64x128xf32, #tpu.memory_space<vmem>>[vector<16xi32>, vector<16xi32>], vector<16xf32>,
        %add3A_1043 = arith.addi %mul3A_664, %add3A_1027 : vector<16xi32>
        %gather3A_1044 = tpu.vector_load_idx %arg13[%add3A_325, %add3A_1043] : memref<128x128xf32, #tpu.memory_space<vmem>>[vector<16xi32>, vector<16xi32>], vector<16xf32>,
        %add3A_1045 = arith.addf %gather3A_1044, %gather3A_1030 : vector<16xf32>
        tpu.vector_store_idx %arg17[%add3A_1027, %add3A_325], %add3A_1045 : memref<64x128xf32, #tpu.memory_space<vmem>>[vector<16xi32>, vector<16xi32>], vector<16xf32>,
        %add3A_1046 = arith.addi %mul3A_673, %add3A_1027 : vector<16xi32>
        %gather3A_1047 = tpu.vector_load_idx %arg13[%add3A_328, %add3A_1046] : memref<128x128xf32, #tpu.memory_space<vmem>>[vector<16xi32>, vector<16xi32>], vector<16xf32>,
        %add3A_1048 = arith.addf %gather3A_1047, %gather3A_1030 : vector<16xf32>
        tpu.vector_store_idx %arg17[%add3A_1027, %add3A_328], %add3A_1048 : memref<64x128xf32, #tpu.memory_space<vmem>>[vector<16xi32>, vector<16xi32>], vector<16xf32>,
        %add3A_1049 = arith.addi %mul3A_682, %add3A_1027 : vector<16xi32>
        %gather3A_1050 = tpu.vector_load_idx %arg13[%add3A_331, %add3A_1049] : memref<128x128xf32, #tpu.memory_space<vmem>>[vector<16xi32>, vector<16xi32>], vector<16xf32>,
        %add3A_1051 = arith.addf %gather3A_1050, %gather3A_1030 : vector<16xf32>
        tpu.vector_store_idx %arg17[%add3A_1027, %add3A_331], %add3A_1051 : memref<64x128xf32, #tpu.memory_space<vmem>>[vector<16xi32>, vector<16xi32>], vector<16xf32>,
        %add3A_1052 = arith.addi %mul3A_691, %add3A_1027 : vector<16xi32>
        %gather3A_1053 = tpu.vector_load_idx %arg13[%add3A_334, %add3A_1052] : memref<128x128xf32, #tpu.memory_space<vmem>>[vector<16xi32>, vector<16xi32>], vector<16xf32>,
        %add3A_1054 = arith.addf %gather3A_1053, %gather3A_1030 : vector<16xf32>
        tpu.vector_store_idx %arg17[%add3A_1027, %add3A_334], %add3A_1054 : memref<64x128xf32, #tpu.memory_space<vmem>>[vector<16xi32>, vector<16xi32>], vector<16xf32>,
      }
      %scan3A_699 = arith.constant 64 : i32
      %dma_start3A_700 = arith.constant 0 : i32
      %dma_start3A_701 = tpu.memref_slice %arg5[%add3A_578, %dma_start3A_700, %mul3A_2] : memref<200x64x4096xf32, #tpu.memory_space<hbm>> -> memref<1x64x128xf32, #tpu.memory_space<hbm>>
      %dma_start3A_702 = tpu.memref_squeeze %dma_start3A_701 : memref<1x64x128xf32, #tpu.memory_space<hbm>> -> memref<64x128xf32, #tpu.memory_space<hbm>>
      %dma_start3A_703 = arith.constant 0 : i32
      %dma_start3A_704 = tpu.memref_slice %arg5[%add3A_578, %dma_start3A_703, %mul3A_2] : memref<200x64x4096xf32, #tpu.memory_space<hbm>> -> memref<1x64x128xf32, #tpu.memory_space<hbm>>
      %dma_start3A_705 = tpu.memref_squeeze %dma_start3A_704 : memref<1x64x128xf32, #tpu.memory_space<hbm>> -> memref<64x128xf32, #tpu.memory_space<hbm>>
      tpu.enqueue_dma source(%arg17 : memref<64x128xf32, #tpu.memory_space<vmem>>) target(%dma_start3A_705 : memref<64x128xf32, #tpu.memory_space<hbm>>) target_semaphore(%arg35 : memref<!tpu.dma_semaphore, #tpu.memory_space<semaphore_mem>>)
      %mul3A_706 = arith.constant 4 : i32
      %mul3A_707 = arith.muli %mul3A_706, %scan3A_353 : i32
      %add3A_708 = arith.constant 2 : i32
      %add3A_709 = arith.addi %mul3A_707, %add3A_708 : i32
      %le3A_710 = arith.constant 48 : i32
      %le3A_711 = arith.cmpi sle, %scan3A_353, %le3A_710 : i32
      %convert_element_type3A_712 = arith.extui %le3A_711 : i1 to i32
      %cond3A_713 = arith.constant 0 : i32
      %cond3A_714 = arith.cmpi ne, %convert_element_type3A_712, %cond3A_713 : i32
      scf.if %cond3A_714 {
        %add3A_975 = arith.constant 3 : i32
        %add3A_976 = arith.addi %add3A_709, %add3A_975 : i32
        %get3A_977 = arith.index_cast %add3A_976 : i32 to index
        %get3A_978 = arith.constant 0 : index
        %get3A_979 = tpu.vector_load %arg6[%get3A_977, %get3A_978] {strides = array<i32>} : memref<200x128xi32, #tpu.memory_space<vmem>>, vector<16xi32>,
        %shift_right_logical3A_980 = arith.constant 1 : i32
        %shift_right_logical3A_981 = vector.broadcast %shift_right_logical3A_980 : i32 to vector<16xi32>
        %shift_right_logical3A_982 = arith.shrui %get3A_979, %shift_right_logical3A_981 : vector<16xi32>
        %swap3A_983 = arith.constant 0 : index
        %swap3A_984 = tpu.vector_load %arg9[%swap3A_983] {strides = array<i32>} : memref<128xi32, #tpu.memory_space<vmem>>, vector<16xi32>,
        tpu.vector_store %arg9[%swap3A_983], %shift_right_logical3A_982 {strides = array<i32>} : memref<128xi32, #tpu.memory_space<vmem>>, vector<16xi32>,
        %get3A_985 = arith.index_cast %add3A_976 : i32 to index
        %get3A_986 = arith.constant 16 : index
        %get3A_987 = tpu.vector_load %arg6[%get3A_985, %get3A_986] {strides = array<i32>} : memref<200x128xi32, #tpu.memory_space<vmem>>, vector<16xi32>,
        %shift_right_logical3A_988 = arith.constant 1 : i32
        %shift_right_logical3A_989 = vector.broadcast %shift_right_logical3A_988 : i32 to vector<16xi32>
        %shift_right_logical3A_990 = arith.shrui %get3A_987, %shift_right_logical3A_989 : vector<16xi32>
        %swap3A_991 = arith.constant 16 : index
        %swap3A_992 = tpu.vector_load %arg9[%swap3A_991] {strides = array<i32>} : memref<128xi32, #tpu.memory_space<vmem>>, vector<16xi32>,
        tpu.vector_store %arg9[%swap3A_991], %shift_right_logical3A_990 {strides = array<i32>} : memref<128xi32, #tpu.memory_space<vmem>>, vector<16xi32>,
        %get3A_993 = arith.index_cast %add3A_976 : i32 to index
        %get3A_994 = arith.constant 32 : index
        %get3A_995 = tpu.vector_load %arg6[%get3A_993, %get3A_994] {strides = array<i32>} : memref<200x128xi32, #tpu.memory_space<vmem>>, vector<16xi32>,
        %shift_right_logical3A_996 = arith.constant 1 : i32
        %shift_right_logical3A_997 = vector.broadcast %shift_right_logical3A_996 : i32 to vector<16xi32>
        %shift_right_logical3A_998 = arith.shrui %get3A_995, %shift_right_logical3A_997 : vector<16xi32>
        %swap3A_999 = arith.constant 32 : index
        %swap3A_1000 = tpu.vector_load %arg9[%swap3A_999] {strides = array<i32>} : memref<128xi32, #tpu.memory_space<vmem>>, vector<16xi32>,
        tpu.vector_store %arg9[%swap3A_999], %shift_right_logical3A_998 {strides = array<i32>} : memref<128xi32, #tpu.memory_space<vmem>>, vector<16xi32>,
        %get3A_1001 = arith.index_cast %add3A_976 : i32 to index
        %get3A_1002 = arith.constant 48 : index
        %get3A_1003 = tpu.vector_load %arg6[%get3A_1001, %get3A_1002] {strides = array<i32>} : memref<200x128xi32, #tpu.memory_space<vmem>>, vector<16xi32>,
        %shift_right_logical3A_1004 = arith.constant 1 : i32
        %shift_right_logical3A_1005 = vector.broadcast %shift_right_logical3A_1004 : i32 to vector<16xi32>
        %shift_right_logical3A_1006 = arith.shrui %get3A_1003, %shift_right_logical3A_1005 : vector<16xi32>
        %swap3A_1007 = arith.constant 48 : index
        %swap3A_1008 = tpu.vector_load %arg9[%swap3A_1007] {strides = array<i32>} : memref<128xi32, #tpu.memory_space<vmem>>, vector<16xi32>,
        tpu.vector_store %arg9[%swap3A_1007], %shift_right_logical3A_1006 {strides = array<i32>} : memref<128xi32, #tpu.memory_space<vmem>>, vector<16xi32>,
        %get3A_1009 = arith.index_cast %add3A_976 : i32 to index
        %get3A_1010 = arith.constant 64 : index
        %get3A_1011 = tpu.vector_load %arg6[%get3A_1009, %get3A_1010] {strides = array<i32>} : memref<200x128xi32, #tpu.memory_space<vmem>>, vector<16xi32>,
        %shift_right_logical3A_1012 = arith.constant 1 : i32
        %shift_right_logical3A_1013 = vector.broadcast %shift_right_logical3A_1012 : i32 to vector<16xi32>
        %shift_right_logical3A_1014 = arith.shrui %get3A_1011, %shift_right_logical3A_1013 : vector<16xi32>
        %swap3A_1015 = arith.constant 64 : index
        %swap3A_1016 = tpu.vector_load %arg9[%swap3A_1015] {strides = array<i32>} : memref<128xi32, #tpu.memory_space<vmem>>, vector<16xi32>,
        tpu.vector_store %arg9[%swap3A_1015], %shift_right_logical3A_1014 {strides = array<i32>} : memref<128xi32, #tpu.memory_space<vmem>>, vector<16xi32>,
        %get3A_1017 = arith.index_cast %add3A_976 : i32 to index
        %get3A_1018 = arith.constant 80 : index
        %get3A_1019 = tpu.vector_load %arg6[%get3A_1017, %get3A_1018] {strides = array<i32>} : memref<200x128xi32, #tpu.memory_space<vmem>>, vector<16xi32>,
        %shift_right_logical3A_1020 = arith.constant 1 : i32
        %shift_right_logical3A_1021 = vector.broadcast %shift_right_logical3A_1020 : i32 to vector<16xi32>
        %shift_right_logical3A_1022 = arith.shrui %get3A_1019, %shift_right_logical3A_1021 : vector<16xi32>
        %swap3A_1023 = arith.constant 80 : index
        %swap3A_1024 = tpu.vector_load %arg9[%swap3A_1023] {strides = array<i32>} : memref<128xi32, #tpu.memory_space<vmem>>, vector<16xi32>,
        tpu.vector_store %arg9[%swap3A_1023], %shift_right_logical3A_1022 {strides = array<i32>} : memref<128xi32, #tpu.memory_space<vmem>>, vector<16xi32>,
        %get3A_1025 = arith.index_cast %add3A_976 : i32 to index
        %get3A_1026 = arith.constant 96 : index
        %get3A_1027 = tpu.vector_load %arg6[%get3A_1025, %get3A_1026] {strides = array<i32>} : memref<200x128xi32, #tpu.memory_space<vmem>>, vector<16xi32>,
        %shift_right_logical3A_1028 = arith.constant 1 : i32
        %shift_right_logical3A_1029 = vector.broadcast %shift_right_logical3A_1028 : i32 to vector<16xi32>
        %shift_right_logical3A_1030 = arith.shrui %get3A_1027, %shift_right_logical3A_1029 : vector<16xi32>
        %swap3A_1031 = arith.constant 96 : index
        %swap3A_1032 = tpu.vector_load %arg9[%swap3A_1031] {strides = array<i32>} : memref<128xi32, #tpu.memory_space<vmem>>, vector<16xi32>,
        tpu.vector_store %arg9[%swap3A_1031], %shift_right_logical3A_1030 {strides = array<i32>} : memref<128xi32, #tpu.memory_space<vmem>>, vector<16xi32>,
        %get3A_1033 = arith.index_cast %add3A_976 : i32 to index
        %get3A_1034 = arith.constant 112 : index
        %get3A_1035 = tpu.vector_load %arg6[%get3A_1033, %get3A_1034] {strides = array<i32>} : memref<200x128xi32, #tpu.memory_space<vmem>>, vector<16xi32>,
        %shift_right_logical3A_1036 = arith.constant 1 : i32
        %shift_right_logical3A_1037 = vector.broadcast %shift_right_logical3A_1036 : i32 to vector<16xi32>
        %shift_right_logical3A_1038 = arith.shrui %get3A_1035, %shift_right_logical3A_1037 : vector<16xi32>
        %swap3A_1039 = arith.constant 112 : index
        %swap3A_1040 = tpu.vector_load %arg9[%swap3A_1039] {strides = array<i32>} : memref<128xi32, #tpu.memory_space<vmem>>, vector<16xi32>,
        tpu.vector_store %arg9[%swap3A_1039], %shift_right_logical3A_1038 {strides = array<i32>} : memref<128xi32, #tpu.memory_space<vmem>>, vector<16xi32>,
        %dma_start3A_1041 = arith.constant 0 : i32
        %dma_start3A_1042 = arith.constant 0 : i32
        %dma_start3A_1043 = tpu.memref_slice %arg13[%dma_start3A_1041, %dma_start3A_1042] : memref<128x128xf32, #tpu.memory_space<vmem>> -> memref<32x128xf32, #tpu.memory_space<vmem>>
        %dma_start3A_1044 = arith.constant 0 : i32
        %dma_start3A_1045 = tpu.memref_slice %arg9[%dma_start3A_1044] : memref<128xi32, #tpu.memory_space<vmem>> -> memref<32xi32, #tpu.memory_space<vmem>>
        %dma_start3A_1046 = arith.constant 0 : i32
        %dma_start3A_1047 = arith.constant 0 : i32
        %dma_start3A_1048 = tpu.memref_slice %arg3[%dma_start3A_1046, %dma_start3A_1047] : memref<500000x128xf32, #tpu.memory_space<hbm>> -> memref<500000x128xf32, #tpu.memory_space<hbm>>
        tpu.enqueue_indirect_dma source(%dma_start3A_1048 : memref<500000x128xf32, #tpu.memory_space<hbm>>) target(%dma_start3A_1043 : memref<32x128xf32, #tpu.memory_space<vmem>>) offsets(%dma_start3A_1045 : memref<32xi32, #tpu.memory_space<vmem>>) semaphore(%arg22 : memref<!tpu.dma_semaphore, #tpu.memory_space<semaphore_mem>>)
        %dma_start3A_1049 = arith.constant 32 : i32
        %dma_start3A_1050 = arith.constant 0 : i32
        %dma_start3A_1051 = tpu.memref_slice %arg13[%dma_start3A_1049, %dma_start3A_1050] : memref<128x128xf32, #tpu.memory_space<vmem>> -> memref<32x128xf32, #tpu.memory_space<vmem>>
        %dma_start3A_1052 = arith.constant 32 : i32
        %dma_start3A_1053 = tpu.memref_slice %arg9[%dma_start3A_1052] : memref<128xi32, #tpu.memory_space<vmem>> -> memref<32xi32, #tpu.memory_space<vmem>>
        %dma_start3A_1054 = arith.constant 0 : i32
        %dma_start3A_1055 = arith.constant 0 : i32
        %dma_start3A_1056 = tpu.memref_slice %arg3[%dma_start3A_1054, %dma_start3A_1055] : memref<500000x128xf32, #tpu.memory_space<hbm>> -> memref<500000x128xf32, #tpu.memory_space<hbm>>
        tpu.enqueue_indirect_dma source(%dma_start3A_1056 : memref<500000x128xf32, #tpu.memory_space<hbm>>) target(%dma_start3A_1051 : memref<32x128xf32, #tpu.memory_space<vmem>>) offsets(%dma_start3A_1053 : memref<32xi32, #tpu.memory_space<vmem>>) semaphore(%arg23 : memref<!tpu.dma_semaphore, #tpu.memory_space<semaphore_mem>>)
        %dma_start3A_1057 = arith.constant 64 : i32
        %dma_start3A_1058 = arith.constant 0 : i32
        %dma_start3A_1059 = tpu.memref_slice %arg13[%dma_start3A_1057, %dma_start3A_1058] : memref<128x128xf32, #tpu.memory_space<vmem>> -> memref<32x128xf32, #tpu.memory_space<vmem>>
        %dma_start3A_1060 = arith.constant 64 : i32
        %dma_start3A_1061 = tpu.memref_slice %arg9[%dma_start3A_1060] : memref<128xi32, #tpu.memory_space<vmem>> -> memref<32xi32, #tpu.memory_space<vmem>>
        %dma_start3A_1062 = arith.constant 0 : i32
        %dma_start3A_1063 = arith.constant 0 : i32
        %dma_start3A_1064 = tpu.memref_slice %arg3[%dma_start3A_1062, %dma_start3A_1063] : memref<500000x128xf32, #tpu.memory_space<hbm>> -> memref<500000x128xf32, #tpu.memory_space<hbm>>
        tpu.enqueue_indirect_dma source(%dma_start3A_1064 : memref<500000x128xf32, #tpu.memory_space<hbm>>) target(%dma_start3A_1059 : memref<32x128xf32, #tpu.memory_space<vmem>>) offsets(%dma_start3A_1061 : memref<32xi32, #tpu.memory_space<vmem>>) semaphore(%arg24 : memref<!tpu.dma_semaphore, #tpu.memory_space<semaphore_mem>>)
        %dma_start3A_1065 = arith.constant 96 : i32
        %dma_start3A_1066 = arith.constant 0 : i32
        %dma_start3A_1067 = tpu.memref_slice %arg13[%dma_start3A_1065, %dma_start3A_1066] : memref<128x128xf32, #tpu.memory_space<vmem>> -> memref<32x128xf32, #tpu.memory_space<vmem>>
        %dma_start3A_1068 = arith.constant 96 : i32
        %dma_start3A_1069 = tpu.memref_slice %arg9[%dma_start3A_1068] : memref<128xi32, #tpu.memory_space<vmem>> -> memref<32xi32, #tpu.memory_space<vmem>>
        %dma_start3A_1070 = arith.constant 0 : i32
        %dma_start3A_1071 = arith.constant 0 : i32
        %dma_start3A_1072 = tpu.memref_slice %arg3[%dma_start3A_1070, %dma_start3A_1071] : memref<500000x128xf32, #tpu.memory_space<hbm>> -> memref<500000x128xf32, #tpu.memory_space<hbm>>
        tpu.enqueue_indirect_dma source(%dma_start3A_1072 : memref<500000x128xf32, #tpu.memory_space<hbm>>) target(%dma_start3A_1067 : memref<32x128xf32, #tpu.memory_space<vmem>>) offsets(%dma_start3A_1069 : memref<32xi32, #tpu.memory_space<vmem>>) semaphore(%arg25 : memref<!tpu.dma_semaphore, #tpu.memory_space<semaphore_mem>>)
      } else {
      }
      %dma_wait3A_715 = arith.constant 0 : i32
      %dma_wait3A_716 = arith.constant 0 : i32
      %dma_wait3A_717 = tpu.memref_slice %arg14[%dma_wait3A_715, %dma_wait3A_716] : memref<128x128xf32, #tpu.memory_space<vmem>> -> memref<32x128xf32, #tpu.memory_space<vmem>>
      %dma_wait3A_718 = arith.constant 0 : i32
      %dma_wait3A_719 = tpu.memref_slice %arg10[%dma_wait3A_718] : memref<128xi32, #tpu.memory_space<vmem>> -> memref<32xi32, #tpu.memory_space<vmem>>
      %dma_wait3A_720 = arith.constant 0 : i32
      %dma_wait3A_721 = arith.constant 0 : i32
      %dma_wait3A_722 = tpu.memref_slice %arg3[%dma_wait3A_720, %dma_wait3A_721] : memref<500000x128xf32, #tpu.memory_space<hbm>> -> memref<500000x128xf32, #tpu.memory_space<hbm>>
      tpu.wait_indirect_dma semaphore(%arg26 : memref<!tpu.dma_semaphore, #tpu.memory_space<semaphore_mem>>) src(%dma_wait3A_722 : memref<500000x128xf32, #tpu.memory_space<hbm>>) dst(%dma_wait3A_717 : memref<32x128xf32, #tpu.memory_space<vmem>>)
      %dma_wait3A_723 = arith.constant 32 : i32
      %dma_wait3A_724 = arith.constant 0 : i32
      %dma_wait3A_725 = tpu.memref_slice %arg14[%dma_wait3A_723, %dma_wait3A_724] : memref<128x128xf32, #tpu.memory_space<vmem>> -> memref<32x128xf32, #tpu.memory_space<vmem>>
      %dma_wait3A_726 = arith.constant 32 : i32
      %dma_wait3A_727 = tpu.memref_slice %arg10[%dma_wait3A_726] : memref<128xi32, #tpu.memory_space<vmem>> -> memref<32xi32, #tpu.memory_space<vmem>>
      %dma_wait3A_728 = arith.constant 0 : i32
      %dma_wait3A_729 = arith.constant 0 : i32
      %dma_wait3A_730 = tpu.memref_slice %arg3[%dma_wait3A_728, %dma_wait3A_729] : memref<500000x128xf32, #tpu.memory_space<hbm>> -> memref<500000x128xf32, #tpu.memory_space<hbm>>
      tpu.wait_indirect_dma semaphore(%arg27 : memref<!tpu.dma_semaphore, #tpu.memory_space<semaphore_mem>>) src(%dma_wait3A_730 : memref<500000x128xf32, #tpu.memory_space<hbm>>) dst(%dma_wait3A_725 : memref<32x128xf32, #tpu.memory_space<vmem>>)
      %dma_wait3A_731 = arith.constant 64 : i32
      %dma_wait3A_732 = arith.constant 0 : i32
      %dma_wait3A_733 = tpu.memref_slice %arg14[%dma_wait3A_731, %dma_wait3A_732] : memref<128x128xf32, #tpu.memory_space<vmem>> -> memref<32x128xf32, #tpu.memory_space<vmem>>
      %dma_wait3A_734 = arith.constant 64 : i32
      %dma_wait3A_735 = tpu.memref_slice %arg10[%dma_wait3A_734] : memref<128xi32, #tpu.memory_space<vmem>> -> memref<32xi32, #tpu.memory_space<vmem>>
      %dma_wait3A_736 = arith.constant 0 : i32
      %dma_wait3A_737 = arith.constant 0 : i32
      %dma_wait3A_738 = tpu.memref_slice %arg3[%dma_wait3A_736, %dma_wait3A_737] : memref<500000x128xf32, #tpu.memory_space<hbm>> -> memref<500000x128xf32, #tpu.memory_space<hbm>>
      tpu.wait_indirect_dma semaphore(%arg28 : memref<!tpu.dma_semaphore, #tpu.memory_space<semaphore_mem>>) src(%dma_wait3A_738 : memref<500000x128xf32, #tpu.memory_space<hbm>>) dst(%dma_wait3A_733 : memref<32x128xf32, #tpu.memory_space<vmem>>)
      %dma_wait3A_739 = arith.constant 96 : i32
      %dma_wait3A_740 = arith.constant 0 : i32
      %dma_wait3A_741 = tpu.memref_slice %arg14[%dma_wait3A_739, %dma_wait3A_740] : memref<128x128xf32, #tpu.memory_space<vmem>> -> memref<32x128xf32, #tpu.memory_space<vmem>>
      %dma_wait3A_742 = arith.constant 96 : i32
      %dma_wait3A_743 = tpu.memref_slice %arg10[%dma_wait3A_742] : memref<128xi32, #tpu.memory_space<vmem>> -> memref<32xi32, #tpu.memory_space<vmem>>
      %dma_wait3A_744 = arith.constant 0 : i32
      %dma_wait3A_745 = arith.constant 0 : i32
      %dma_wait3A_746 = tpu.memref_slice %arg3[%dma_wait3A_744, %dma_wait3A_745] : memref<500000x128xf32, #tpu.memory_space<hbm>> -> memref<500000x128xf32, #tpu.memory_space<hbm>>
      tpu.wait_indirect_dma semaphore(%arg29 : memref<!tpu.dma_semaphore, #tpu.memory_space<semaphore_mem>>) src(%dma_wait3A_746 : memref<500000x128xf32, #tpu.memory_space<hbm>>) dst(%dma_wait3A_741 : memref<32x128xf32, #tpu.memory_space<vmem>>)
      %sub3A = arith.constant 2 : i32
      %sub3A_747 = arith.subi %add3A_709, %sub3A : i32
      %dma_wait3A_748 = arith.constant 0 : i32
      %dma_wait3A_749 = tpu.memref_slice %arg5[%sub3A_747, %dma_wait3A_748, %mul3A_2] : memref<200x64x4096xf32, #tpu.memory_space<hbm>> -> memref<1x64x128xf32, #tpu.memory_space<hbm>>
      %dma_wait3A_750 = tpu.memref_squeeze %dma_wait3A_749 : memref<1x64x128xf32, #tpu.memory_space<hbm>> -> memref<64x128xf32, #tpu.memory_space<hbm>>
      %dma_wait3A_751 = arith.constant 0 : i32
      %dma_wait3A_752 = tpu.memref_slice %arg5[%sub3A_747, %dma_wait3A_751, %mul3A_2] : memref<200x64x4096xf32, #tpu.memory_space<hbm>> -> memref<1x64x128xf32, #tpu.memory_space<hbm>>
      %dma_wait3A_753 = tpu.memref_squeeze %dma_wait3A_752 : memref<1x64x128xf32, #tpu.memory_space<hbm>> -> memref<64x128xf32, #tpu.memory_space<hbm>>
      tpu.wait_dma2 semaphore(%arg34 : memref<!tpu.dma_semaphore, #tpu.memory_space<semaphore_mem>>) src(%arg16 : memref<64x128xf32, #tpu.memory_space<vmem>>) dst(%dma_wait3A_753 : memref<64x128xf32, #tpu.memory_space<hbm>>)
      %get3A_754 = arith.index_cast %add3A_709 : i32 to index
      %get3A_755 = arith.constant 0 : index
      %get3A_756 = tpu.vector_load %arg6[%get3A_754, %get3A_755] {strides = array<i32>} : memref<200x128xi32, #tpu.memory_space<vmem>>, vector<16xi32>,
      %and3A_757 = arith.constant 1 : i32
      %and3A_758 = vector.broadcast %and3A_757 : i32 to vector<16xi32>
      %and3A_759 = arith.andi %get3A_756, %and3A_758 : vector<16xi32>
      %mul3A_760 = arith.constant 64 : i32
      %mul3A_761 = vector.broadcast %mul3A_760 : i32 to vector<16xi32>
      %mul3A_762 = arith.muli %and3A_759, %mul3A_761 : vector<16xi32>
      %get3A_763 = arith.index_cast %add3A_709 : i32 to index
      %get3A_764 = arith.constant 16 : index
      %get3A_765 = tpu.vector_load %arg6[%get3A_763, %get3A_764] {strides = array<i32>} : memref<200x128xi32, #tpu.memory_space<vmem>>, vector<16xi32>,
      %and3A_766 = arith.constant 1 : i32
      %and3A_767 = vector.broadcast %and3A_766 : i32 to vector<16xi32>
      %and3A_768 = arith.andi %get3A_765, %and3A_767 : vector<16xi32>
      %mul3A_769 = arith.constant 64 : i32
      %mul3A_770 = vector.broadcast %mul3A_769 : i32 to vector<16xi32>
      %mul3A_771 = arith.muli %and3A_768, %mul3A_770 : vector<16xi32>
      %get3A_772 = arith.index_cast %add3A_709 : i32 to index
      %get3A_773 = arith.constant 32 : index
      %get3A_774 = tpu.vector_load %arg6[%get3A_772, %get3A_773] {strides = array<i32>} : memref<200x128xi32, #tpu.memory_space<vmem>>, vector<16xi32>,
      %and3A_775 = arith.constant 1 : i32
      %and3A_776 = vector.broadcast %and3A_775 : i32 to vector<16xi32>
      %and3A_777 = arith.andi %get3A_774, %and3A_776 : vector<16xi32>
      %mul3A_778 = arith.constant 64 : i32
      %mul3A_779 = vector.broadcast %mul3A_778 : i32 to vector<16xi32>
      %mul3A_780 = arith.muli %and3A_777, %mul3A_779 : vector<16xi32>
      %get3A_781 = arith.index_cast %add3A_709 : i32 to index
      %get3A_782 = arith.constant 48 : index
      %get3A_783 = tpu.vector_load %arg6[%get3A_781, %get3A_782] {strides = array<i32>} : memref<200x128xi32, #tpu.memory_space<vmem>>, vector<16xi32>,
      %and3A_784 = arith.constant 1 : i32
      %and3A_785 = vector.broadcast %and3A_784 : i32 to vector<16xi32>
      %and3A_786 = arith.andi %get3A_783, %and3A_785 : vector<16xi32>
      %mul3A_787 = arith.constant 64 : i32
      %mul3A_788 = vector.broadcast %mul3A_787 : i32 to vector<16xi32>
      %mul3A_789 = arith.muli %and3A_786, %mul3A_788 : vector<16xi32>
      %get3A_790 = arith.index_cast %add3A_709 : i32 to index
      %get3A_791 = arith.constant 64 : index
      %get3A_792 = tpu.vector_load %arg6[%get3A_790, %get3A_791] {strides = array<i32>} : memref<200x128xi32, #tpu.memory_space<vmem>>, vector<16xi32>,
      %and3A_793 = arith.constant 1 : i32
      %and3A_794 = vector.broadcast %and3A_793 : i32 to vector<16xi32>
      %and3A_795 = arith.andi %get3A_792, %and3A_794 : vector<16xi32>
      %mul3A_796 = arith.constant 64 : i32
      %mul3A_797 = vector.broadcast %mul3A_796 : i32 to vector<16xi32>
      %mul3A_798 = arith.muli %and3A_795, %mul3A_797 : vector<16xi32>
      %get3A_799 = arith.index_cast %add3A_709 : i32 to index
      %get3A_800 = arith.constant 80 : index
      %get3A_801 = tpu.vector_load %arg6[%get3A_799, %get3A_800] {strides = array<i32>} : memref<200x128xi32, #tpu.memory_space<vmem>>, vector<16xi32>,
      %and3A_802 = arith.constant 1 : i32
      %and3A_803 = vector.broadcast %and3A_802 : i32 to vector<16xi32>
      %and3A_804 = arith.andi %get3A_801, %and3A_803 : vector<16xi32>
      %mul3A_805 = arith.constant 64 : i32
      %mul3A_806 = vector.broadcast %mul3A_805 : i32 to vector<16xi32>
      %mul3A_807 = arith.muli %and3A_804, %mul3A_806 : vector<16xi32>
      %get3A_808 = arith.index_cast %add3A_709 : i32 to index
      %get3A_809 = arith.constant 96 : index
      %get3A_810 = tpu.vector_load %arg6[%get3A_808, %get3A_809] {strides = array<i32>} : memref<200x128xi32, #tpu.memory_space<vmem>>, vector<16xi32>,
      %and3A_811 = arith.constant 1 : i32
      %and3A_812 = vector.broadcast %and3A_811 : i32 to vector<16xi32>
      %and3A_813 = arith.andi %get3A_810, %and3A_812 : vector<16xi32>
      %mul3A_814 = arith.constant 64 : i32
      %mul3A_815 = vector.broadcast %mul3A_814 : i32 to vector<16xi32>
      %mul3A_816 = arith.muli %and3A_813, %mul3A_815 : vector<16xi32>
      %get3A_817 = arith.index_cast %add3A_709 : i32 to index
      %get3A_818 = arith.constant 112 : index
      %get3A_819 = tpu.vector_load %arg6[%get3A_817, %get3A_818] {strides = array<i32>} : memref<200x128xi32, #tpu.memory_space<vmem>>, vector<16xi32>,
      %and3A_820 = arith.constant 1 : i32
      %and3A_821 = vector.broadcast %and3A_820 : i32 to vector<16xi32>
      %and3A_822 = arith.andi %get3A_819, %and3A_821 : vector<16xi32>
      %mul3A_823 = arith.constant 64 : i32
      %mul3A_824 = vector.broadcast %mul3A_823 : i32 to vector<16xi32>
      %mul3A_825 = arith.muli %and3A_822, %mul3A_824 : vector<16xi32>
      %mul3A_826 = arith.constant 64 : i32
      %mul3A_827 = arith.muli %add3A_709, %mul3A_826 : i32
      %scan3A_828 = arith.constant 0 : i32
      %scan3A_829 = arith.constant 0 : i32
      %scan3A_830 = arith.constant 64 : i32
      %scan3A_831 = arith.addi %scan3A_829, %scan3A_830 : i32
      %scan3A_832 = arith.constant 2 : i32
      scf.for %scan3A_975 = %scan3A_829 to %scan3A_831 step %scan3A_832  : i32 {
        %and3A_976 = arith.constant 15 : i32
        %and3A_977 = arith.andi %scan3A_975, %and3A_976 : i32
        %shift_right_arithmetic3A = arith.constant 4 : i32
        %shift_right_arithmetic3A_978 = arith.shrsi %scan3A_975, %shift_right_arithmetic3A : i32
        %shift_left3A = arith.constant 4 : i32
        %shift_left3A_979 = arith.shli %shift_right_arithmetic3A_978, %shift_left3A : i32
        %add3A_980 = vector.broadcast %and3A_977 : i32 to vector<16xi32>
        %add3A_981 = arith.addi %add3A_980, %iota3A : vector<16xi32>
        %and3A_982 = arith.constant 15 : i32
        %and3A_983 = vector.broadcast %and3A_982 : i32 to vector<16xi32>
        %and3A_984 = arith.andi %add3A_981, %and3A_983 : vector<16xi32>
        %add3A_985 = vector.broadcast %shift_left3A_979 : i32 to vector<16xi32>
        %add3A_986 = arith.addi %and3A_984, %add3A_985 : vector<16xi32>
        %add3A_987 = vector.broadcast %mul3A_827 : i32 to vector<16xi32>
        %add3A_988 = arith.addi %add3A_987, %add3A_986 : vector<16xi32>
        %gather3A = tpu.vector_load_idx %arg7[%add3A_988] : memref<12816xf32, #tpu.memory_space<vmem>>[vector<16xi32>], vector<16xf32>,
        %add3A_989 = arith.addi %mul3A_762, %add3A_986 : vector<16xi32>
        %gather3A_990 = tpu.vector_load_idx %arg14[%add3A_313, %add3A_989] : memref<128x128xf32, #tpu.memory_space<vmem>>[vector<16xi32>, vector<16xi32>], vector<16xf32>,
        %add3A_991 = arith.addf %gather3A_990, %gather3A : vector<16xf32>
        tpu.vector_store_idx %arg16[%add3A_986, %add3A_313], %add3A_991 : memref<64x128xf32, #tpu.memory_space<vmem>>[vector<16xi32>, vector<16xi32>], vector<16xf32>,
        %add3A_992 = arith.addi %mul3A_771, %add3A_986 : vector<16xi32>
        %gather3A_993 = tpu.vector_load_idx %arg14[%add3A_316, %add3A_992] : memref<128x128xf32, #tpu.memory_space<vmem>>[vector<16xi32>, vector<16xi32>], vector<16xf32>,
        %add3A_994 = arith.addf %gather3A_993, %gather3A : vector<16xf32>
        tpu.vector_store_idx %arg16[%add3A_986, %add3A_316], %add3A_994 : memref<64x128xf32, #tpu.memory_space<vmem>>[vector<16xi32>, vector<16xi32>], vector<16xf32>,
        %add3A_995 = arith.addi %mul3A_780, %add3A_986 : vector<16xi32>
        %gather3A_996 = tpu.vector_load_idx %arg14[%add3A_319, %add3A_995] : memref<128x128xf32, #tpu.memory_space<vmem>>[vector<16xi32>, vector<16xi32>], vector<16xf32>,
        %add3A_997 = arith.addf %gather3A_996, %gather3A : vector<16xf32>
        tpu.vector_store_idx %arg16[%add3A_986, %add3A_319], %add3A_997 : memref<64x128xf32, #tpu.memory_space<vmem>>[vector<16xi32>, vector<16xi32>], vector<16xf32>,
        %add3A_998 = arith.addi %mul3A_789, %add3A_986 : vector<16xi32>
        %gather3A_999 = tpu.vector_load_idx %arg14[%add3A_322, %add3A_998] : memref<128x128xf32, #tpu.memory_space<vmem>>[vector<16xi32>, vector<16xi32>], vector<16xf32>,
        %add3A_1000 = arith.addf %gather3A_999, %gather3A : vector<16xf32>
        tpu.vector_store_idx %arg16[%add3A_986, %add3A_322], %add3A_1000 : memref<64x128xf32, #tpu.memory_space<vmem>>[vector<16xi32>, vector<16xi32>], vector<16xf32>,
        %add3A_1001 = arith.addi %mul3A_798, %add3A_986 : vector<16xi32>
        %gather3A_1002 = tpu.vector_load_idx %arg14[%add3A_325, %add3A_1001] : memref<128x128xf32, #tpu.memory_space<vmem>>[vector<16xi32>, vector<16xi32>], vector<16xf32>,
        %add3A_1003 = arith.addf %gather3A_1002, %gather3A : vector<16xf32>
        tpu.vector_store_idx %arg16[%add3A_986, %add3A_325], %add3A_1003 : memref<64x128xf32, #tpu.memory_space<vmem>>[vector<16xi32>, vector<16xi32>], vector<16xf32>,
        %add3A_1004 = arith.addi %mul3A_807, %add3A_986 : vector<16xi32>
        %gather3A_1005 = tpu.vector_load_idx %arg14[%add3A_328, %add3A_1004] : memref<128x128xf32, #tpu.memory_space<vmem>>[vector<16xi32>, vector<16xi32>], vector<16xf32>,
        %add3A_1006 = arith.addf %gather3A_1005, %gather3A : vector<16xf32>
        tpu.vector_store_idx %arg16[%add3A_986, %add3A_328], %add3A_1006 : memref<64x128xf32, #tpu.memory_space<vmem>>[vector<16xi32>, vector<16xi32>], vector<16xf32>,
        %add3A_1007 = arith.addi %mul3A_816, %add3A_986 : vector<16xi32>
        %gather3A_1008 = tpu.vector_load_idx %arg14[%add3A_331, %add3A_1007] : memref<128x128xf32, #tpu.memory_space<vmem>>[vector<16xi32>, vector<16xi32>], vector<16xf32>,
        %add3A_1009 = arith.addf %gather3A_1008, %gather3A : vector<16xf32>
        tpu.vector_store_idx %arg16[%add3A_986, %add3A_331], %add3A_1009 : memref<64x128xf32, #tpu.memory_space<vmem>>[vector<16xi32>, vector<16xi32>], vector<16xf32>,
        %add3A_1010 = arith.addi %mul3A_825, %add3A_986 : vector<16xi32>
        %gather3A_1011 = tpu.vector_load_idx %arg14[%add3A_334, %add3A_1010] : memref<128x128xf32, #tpu.memory_space<vmem>>[vector<16xi32>, vector<16xi32>], vector<16xf32>,
        %add3A_1012 = arith.addf %gather3A_1011, %gather3A : vector<16xf32>
        tpu.vector_store_idx %arg16[%add3A_986, %add3A_334], %add3A_1012 : memref<64x128xf32, #tpu.memory_space<vmem>>[vector<16xi32>, vector<16xi32>], vector<16xf32>,
        %scan3A_1013 = arith.constant 1 : i32
        %scan3A_1014 = arith.addi %scan3A_975, %scan3A_1013 : i32
        %and3A_1015 = arith.constant 15 : i32
        %and3A_1016 = arith.andi %scan3A_1014, %and3A_1015 : i32
        %shift_right_arithmetic3A_1017 = arith.constant 4 : i32
        %shift_right_arithmetic3A_1018 = arith.shrsi %scan3A_1014, %shift_right_arithmetic3A_1017 : i32
        %shift_left3A_1019 = arith.constant 4 : i32
        %shift_left3A_1020 = arith.shli %shift_right_arithmetic3A_1018, %shift_left3A_1019 : i32
        %add3A_1021 = vector.broadcast %and3A_1016 : i32 to vector<16xi32>
        %add3A_1022 = arith.addi %add3A_1021, %iota3A : vector<16xi32>
        %and3A_1023 = arith.constant 15 : i32
        %and3A_1024 = vector.broadcast %and3A_1023 : i32 to vector<16xi32>
        %and3A_1025 = arith.andi %add3A_1022, %and3A_1024 : vector<16xi32>
        %add3A_1026 = vector.broadcast %shift_left3A_1020 : i32 to vector<16xi32>
        %add3A_1027 = arith.addi %and3A_1025, %add3A_1026 : vector<16xi32>
        %add3A_1028 = vector.broadcast %mul3A_827 : i32 to vector<16xi32>
        %add3A_1029 = arith.addi %add3A_1028, %add3A_1027 : vector<16xi32>
        %gather3A_1030 = tpu.vector_load_idx %arg7[%add3A_1029] : memref<12816xf32, #tpu.memory_space<vmem>>[vector<16xi32>], vector<16xf32>,
        %add3A_1031 = arith.addi %mul3A_762, %add3A_1027 : vector<16xi32>
        %gather3A_1032 = tpu.vector_load_idx %arg14[%add3A_313, %add3A_1031] : memref<128x128xf32, #tpu.memory_space<vmem>>[vector<16xi32>, vector<16xi32>], vector<16xf32>,
        %add3A_1033 = arith.addf %gather3A_1032, %gather3A_1030 : vector<16xf32>
        tpu.vector_store_idx %arg16[%add3A_1027, %add3A_313], %add3A_1033 : memref<64x128xf32, #tpu.memory_space<vmem>>[vector<16xi32>, vector<16xi32>], vector<16xf32>,
        %add3A_1034 = arith.addi %mul3A_771, %add3A_1027 : vector<16xi32>
        %gather3A_1035 = tpu.vector_load_idx %arg14[%add3A_316, %add3A_1034] : memref<128x128xf32, #tpu.memory_space<vmem>>[vector<16xi32>, vector<16xi32>], vector<16xf32>,
        %add3A_1036 = arith.addf %gather3A_1035, %gather3A_1030 : vector<16xf32>
        tpu.vector_store_idx %arg16[%add3A_1027, %add3A_316], %add3A_1036 : memref<64x128xf32, #tpu.memory_space<vmem>>[vector<16xi32>, vector<16xi32>], vector<16xf32>,
        %add3A_1037 = arith.addi %mul3A_780, %add3A_1027 : vector<16xi32>
        %gather3A_1038 = tpu.vector_load_idx %arg14[%add3A_319, %add3A_1037] : memref<128x128xf32, #tpu.memory_space<vmem>>[vector<16xi32>, vector<16xi32>], vector<16xf32>,
        %add3A_1039 = arith.addf %gather3A_1038, %gather3A_1030 : vector<16xf32>
        tpu.vector_store_idx %arg16[%add3A_1027, %add3A_319], %add3A_1039 : memref<64x128xf32, #tpu.memory_space<vmem>>[vector<16xi32>, vector<16xi32>], vector<16xf32>,
        %add3A_1040 = arith.addi %mul3A_789, %add3A_1027 : vector<16xi32>
        %gather3A_1041 = tpu.vector_load_idx %arg14[%add3A_322, %add3A_1040] : memref<128x128xf32, #tpu.memory_space<vmem>>[vector<16xi32>, vector<16xi32>], vector<16xf32>,
        %add3A_1042 = arith.addf %gather3A_1041, %gather3A_1030 : vector<16xf32>
        tpu.vector_store_idx %arg16[%add3A_1027, %add3A_322], %add3A_1042 : memref<64x128xf32, #tpu.memory_space<vmem>>[vector<16xi32>, vector<16xi32>], vector<16xf32>,
        %add3A_1043 = arith.addi %mul3A_798, %add3A_1027 : vector<16xi32>
        %gather3A_1044 = tpu.vector_load_idx %arg14[%add3A_325, %add3A_1043] : memref<128x128xf32, #tpu.memory_space<vmem>>[vector<16xi32>, vector<16xi32>], vector<16xf32>,
        %add3A_1045 = arith.addf %gather3A_1044, %gather3A_1030 : vector<16xf32>
        tpu.vector_store_idx %arg16[%add3A_1027, %add3A_325], %add3A_1045 : memref<64x128xf32, #tpu.memory_space<vmem>>[vector<16xi32>, vector<16xi32>], vector<16xf32>,
        %add3A_1046 = arith.addi %mul3A_807, %add3A_1027 : vector<16xi32>
        %gather3A_1047 = tpu.vector_load_idx %arg14[%add3A_328, %add3A_1046] : memref<128x128xf32, #tpu.memory_space<vmem>>[vector<16xi32>, vector<16xi32>], vector<16xf32>,
        %add3A_1048 = arith.addf %gather3A_1047, %gather3A_1030 : vector<16xf32>
        tpu.vector_store_idx %arg16[%add3A_1027, %add3A_328], %add3A_1048 : memref<64x128xf32, #tpu.memory_space<vmem>>[vector<16xi32>, vector<16xi32>], vector<16xf32>,
        %add3A_1049 = arith.addi %mul3A_816, %add3A_1027 : vector<16xi32>
        %gather3A_1050 = tpu.vector_load_idx %arg14[%add3A_331, %add3A_1049] : memref<128x128xf32, #tpu.memory_space<vmem>>[vector<16xi32>, vector<16xi32>], vector<16xf32>,
        %add3A_1051 = arith.addf %gather3A_1050, %gather3A_1030 : vector<16xf32>
        tpu.vector_store_idx %arg16[%add3A_1027, %add3A_331], %add3A_1051 : memref<64x128xf32, #tpu.memory_space<vmem>>[vector<16xi32>, vector<16xi32>], vector<16xf32>,
        %add3A_1052 = arith.addi %mul3A_825, %add3A_1027 : vector<16xi32>
        %gather3A_1053 = tpu.vector_load_idx %arg14[%add3A_334, %add3A_1052] : memref<128x128xf32, #tpu.memory_space<vmem>>[vector<16xi32>, vector<16xi32>], vector<16xf32>,
        %add3A_1054 = arith.addf %gather3A_1053, %gather3A_1030 : vector<16xf32>
        tpu.vector_store_idx %arg16[%add3A_1027, %add3A_334], %add3A_1054 : memref<64x128xf32, #tpu.memory_space<vmem>>[vector<16xi32>, vector<16xi32>], vector<16xf32>,
      }
      %scan3A_833 = arith.constant 64 : i32
      %dma_start3A_834 = arith.constant 0 : i32
      %dma_start3A_835 = tpu.memref_slice %arg5[%add3A_709, %dma_start3A_834, %mul3A_2] : memref<200x64x4096xf32, #tpu.memory_space<hbm>> -> memref<1x64x128xf32, #tpu.memory_space<hbm>>
      %dma_start3A_836 = tpu.memref_squeeze %dma_start3A_835 : memref<1x64x128xf32, #tpu.memory_space<hbm>> -> memref<64x128xf32, #tpu.memory_space<hbm>>
      %dma_start3A_837 = arith.constant 0 : i32
      %dma_start3A_838 = tpu.memref_slice %arg5[%add3A_709, %dma_start3A_837, %mul3A_2] : memref<200x64x4096xf32, #tpu.memory_space<hbm>> -> memref<1x64x128xf32, #tpu.memory_space<hbm>>
      %dma_start3A_839 = tpu.memref_squeeze %dma_start3A_838 : memref<1x64x128xf32, #tpu.memory_space<hbm>> -> memref<64x128xf32, #tpu.memory_space<hbm>>
      tpu.enqueue_dma source(%arg16 : memref<64x128xf32, #tpu.memory_space<vmem>>) target(%dma_start3A_839 : memref<64x128xf32, #tpu.memory_space<hbm>>) target_semaphore(%arg34 : memref<!tpu.dma_semaphore, #tpu.memory_space<semaphore_mem>>)
      %mul3A_840 = arith.constant 4 : i32
      %mul3A_841 = arith.muli %mul3A_840, %scan3A_353 : i32
      %add3A_842 = arith.constant 3 : i32
      %add3A_843 = arith.addi %mul3A_841, %add3A_842 : i32
      %le3A_844 = arith.constant 48 : i32
      %le3A_845 = arith.cmpi sle, %scan3A_353, %le3A_844 : i32
      %convert_element_type3A_846 = arith.extui %le3A_845 : i1 to i32
      %cond3A_847 = arith.constant 0 : i32
      %cond3A_848 = arith.cmpi ne, %convert_element_type3A_846, %cond3A_847 : i32
      scf.if %cond3A_848 {
        %add3A_975 = arith.constant 3 : i32
        %add3A_976 = arith.addi %add3A_843, %add3A_975 : i32
        %get3A_977 = arith.index_cast %add3A_976 : i32 to index
        %get3A_978 = arith.constant 0 : index
        %get3A_979 = tpu.vector_load %arg6[%get3A_977, %get3A_978] {strides = array<i32>} : memref<200x128xi32, #tpu.memory_space<vmem>>, vector<16xi32>,
        %shift_right_logical3A_980 = arith.constant 1 : i32
        %shift_right_logical3A_981 = vector.broadcast %shift_right_logical3A_980 : i32 to vector<16xi32>
        %shift_right_logical3A_982 = arith.shrui %get3A_979, %shift_right_logical3A_981 : vector<16xi32>
        %swap3A_983 = arith.constant 0 : index
        %swap3A_984 = tpu.vector_load %arg10[%swap3A_983] {strides = array<i32>} : memref<128xi32, #tpu.memory_space<vmem>>, vector<16xi32>,
        tpu.vector_store %arg10[%swap3A_983], %shift_right_logical3A_982 {strides = array<i32>} : memref<128xi32, #tpu.memory_space<vmem>>, vector<16xi32>,
        %get3A_985 = arith.index_cast %add3A_976 : i32 to index
        %get3A_986 = arith.constant 16 : index
        %get3A_987 = tpu.vector_load %arg6[%get3A_985, %get3A_986] {strides = array<i32>} : memref<200x128xi32, #tpu.memory_space<vmem>>, vector<16xi32>,
        %shift_right_logical3A_988 = arith.constant 1 : i32
        %shift_right_logical3A_989 = vector.broadcast %shift_right_logical3A_988 : i32 to vector<16xi32>
        %shift_right_logical3A_990 = arith.shrui %get3A_987, %shift_right_logical3A_989 : vector<16xi32>
        %swap3A_991 = arith.constant 16 : index
        %swap3A_992 = tpu.vector_load %arg10[%swap3A_991] {strides = array<i32>} : memref<128xi32, #tpu.memory_space<vmem>>, vector<16xi32>,
        tpu.vector_store %arg10[%swap3A_991], %shift_right_logical3A_990 {strides = array<i32>} : memref<128xi32, #tpu.memory_space<vmem>>, vector<16xi32>,
        %get3A_993 = arith.index_cast %add3A_976 : i32 to index
        %get3A_994 = arith.constant 32 : index
        %get3A_995 = tpu.vector_load %arg6[%get3A_993, %get3A_994] {strides = array<i32>} : memref<200x128xi32, #tpu.memory_space<vmem>>, vector<16xi32>,
        %shift_right_logical3A_996 = arith.constant 1 : i32
        %shift_right_logical3A_997 = vector.broadcast %shift_right_logical3A_996 : i32 to vector<16xi32>
        %shift_right_logical3A_998 = arith.shrui %get3A_995, %shift_right_logical3A_997 : vector<16xi32>
        %swap3A_999 = arith.constant 32 : index
        %swap3A_1000 = tpu.vector_load %arg10[%swap3A_999] {strides = array<i32>} : memref<128xi32, #tpu.memory_space<vmem>>, vector<16xi32>,
        tpu.vector_store %arg10[%swap3A_999], %shift_right_logical3A_998 {strides = array<i32>} : memref<128xi32, #tpu.memory_space<vmem>>, vector<16xi32>,
        %get3A_1001 = arith.index_cast %add3A_976 : i32 to index
        %get3A_1002 = arith.constant 48 : index
        %get3A_1003 = tpu.vector_load %arg6[%get3A_1001, %get3A_1002] {strides = array<i32>} : memref<200x128xi32, #tpu.memory_space<vmem>>, vector<16xi32>,
        %shift_right_logical3A_1004 = arith.constant 1 : i32
        %shift_right_logical3A_1005 = vector.broadcast %shift_right_logical3A_1004 : i32 to vector<16xi32>
        %shift_right_logical3A_1006 = arith.shrui %get3A_1003, %shift_right_logical3A_1005 : vector<16xi32>
        %swap3A_1007 = arith.constant 48 : index
        %swap3A_1008 = tpu.vector_load %arg10[%swap3A_1007] {strides = array<i32>} : memref<128xi32, #tpu.memory_space<vmem>>, vector<16xi32>,
        tpu.vector_store %arg10[%swap3A_1007], %shift_right_logical3A_1006 {strides = array<i32>} : memref<128xi32, #tpu.memory_space<vmem>>, vector<16xi32>,
        %get3A_1009 = arith.index_cast %add3A_976 : i32 to index
        %get3A_1010 = arith.constant 64 : index
        %get3A_1011 = tpu.vector_load %arg6[%get3A_1009, %get3A_1010] {strides = array<i32>} : memref<200x128xi32, #tpu.memory_space<vmem>>, vector<16xi32>,
        %shift_right_logical3A_1012 = arith.constant 1 : i32
        %shift_right_logical3A_1013 = vector.broadcast %shift_right_logical3A_1012 : i32 to vector<16xi32>
        %shift_right_logical3A_1014 = arith.shrui %get3A_1011, %shift_right_logical3A_1013 : vector<16xi32>
        %swap3A_1015 = arith.constant 64 : index
        %swap3A_1016 = tpu.vector_load %arg10[%swap3A_1015] {strides = array<i32>} : memref<128xi32, #tpu.memory_space<vmem>>, vector<16xi32>,
        tpu.vector_store %arg10[%swap3A_1015], %shift_right_logical3A_1014 {strides = array<i32>} : memref<128xi32, #tpu.memory_space<vmem>>, vector<16xi32>,
        %get3A_1017 = arith.index_cast %add3A_976 : i32 to index
        %get3A_1018 = arith.constant 80 : index
        %get3A_1019 = tpu.vector_load %arg6[%get3A_1017, %get3A_1018] {strides = array<i32>} : memref<200x128xi32, #tpu.memory_space<vmem>>, vector<16xi32>,
        %shift_right_logical3A_1020 = arith.constant 1 : i32
        %shift_right_logical3A_1021 = vector.broadcast %shift_right_logical3A_1020 : i32 to vector<16xi32>
        %shift_right_logical3A_1022 = arith.shrui %get3A_1019, %shift_right_logical3A_1021 : vector<16xi32>
        %swap3A_1023 = arith.constant 80 : index
        %swap3A_1024 = tpu.vector_load %arg10[%swap3A_1023] {strides = array<i32>} : memref<128xi32, #tpu.memory_space<vmem>>, vector<16xi32>,
        tpu.vector_store %arg10[%swap3A_1023], %shift_right_logical3A_1022 {strides = array<i32>} : memref<128xi32, #tpu.memory_space<vmem>>, vector<16xi32>,
        %get3A_1025 = arith.index_cast %add3A_976 : i32 to index
        %get3A_1026 = arith.constant 96 : index
        %get3A_1027 = tpu.vector_load %arg6[%get3A_1025, %get3A_1026] {strides = array<i32>} : memref<200x128xi32, #tpu.memory_space<vmem>>, vector<16xi32>,
        %shift_right_logical3A_1028 = arith.constant 1 : i32
        %shift_right_logical3A_1029 = vector.broadcast %shift_right_logical3A_1028 : i32 to vector<16xi32>
        %shift_right_logical3A_1030 = arith.shrui %get3A_1027, %shift_right_logical3A_1029 : vector<16xi32>
        %swap3A_1031 = arith.constant 96 : index
        %swap3A_1032 = tpu.vector_load %arg10[%swap3A_1031] {strides = array<i32>} : memref<128xi32, #tpu.memory_space<vmem>>, vector<16xi32>,
        tpu.vector_store %arg10[%swap3A_1031], %shift_right_logical3A_1030 {strides = array<i32>} : memref<128xi32, #tpu.memory_space<vmem>>, vector<16xi32>,
        %get3A_1033 = arith.index_cast %add3A_976 : i32 to index
        %get3A_1034 = arith.constant 112 : index
        %get3A_1035 = tpu.vector_load %arg6[%get3A_1033, %get3A_1034] {strides = array<i32>} : memref<200x128xi32, #tpu.memory_space<vmem>>, vector<16xi32>,
        %shift_right_logical3A_1036 = arith.constant 1 : i32
        %shift_right_logical3A_1037 = vector.broadcast %shift_right_logical3A_1036 : i32 to vector<16xi32>
        %shift_right_logical3A_1038 = arith.shrui %get3A_1035, %shift_right_logical3A_1037 : vector<16xi32>
        %swap3A_1039 = arith.constant 112 : index
        %swap3A_1040 = tpu.vector_load %arg10[%swap3A_1039] {strides = array<i32>} : memref<128xi32, #tpu.memory_space<vmem>>, vector<16xi32>,
        tpu.vector_store %arg10[%swap3A_1039], %shift_right_logical3A_1038 {strides = array<i32>} : memref<128xi32, #tpu.memory_space<vmem>>, vector<16xi32>,
        %dma_start3A_1041 = arith.constant 0 : i32
        %dma_start3A_1042 = arith.constant 0 : i32
        %dma_start3A_1043 = tpu.memref_slice %arg14[%dma_start3A_1041, %dma_start3A_1042] : memref<128x128xf32, #tpu.memory_space<vmem>> -> memref<32x128xf32, #tpu.memory_space<vmem>>
        %dma_start3A_1044 = arith.constant 0 : i32
        %dma_start3A_1045 = tpu.memref_slice %arg10[%dma_start3A_1044] : memref<128xi32, #tpu.memory_space<vmem>> -> memref<32xi32, #tpu.memory_space<vmem>>
        %dma_start3A_1046 = arith.constant 0 : i32
        %dma_start3A_1047 = arith.constant 0 : i32
        %dma_start3A_1048 = tpu.memref_slice %arg3[%dma_start3A_1046, %dma_start3A_1047] : memref<500000x128xf32, #tpu.memory_space<hbm>> -> memref<500000x128xf32, #tpu.memory_space<hbm>>
        tpu.enqueue_indirect_dma source(%dma_start3A_1048 : memref<500000x128xf32, #tpu.memory_space<hbm>>) target(%dma_start3A_1043 : memref<32x128xf32, #tpu.memory_space<vmem>>) offsets(%dma_start3A_1045 : memref<32xi32, #tpu.memory_space<vmem>>) semaphore(%arg26 : memref<!tpu.dma_semaphore, #tpu.memory_space<semaphore_mem>>)
        %dma_start3A_1049 = arith.constant 32 : i32
        %dma_start3A_1050 = arith.constant 0 : i32
        %dma_start3A_1051 = tpu.memref_slice %arg14[%dma_start3A_1049, %dma_start3A_1050] : memref<128x128xf32, #tpu.memory_space<vmem>> -> memref<32x128xf32, #tpu.memory_space<vmem>>
        %dma_start3A_1052 = arith.constant 32 : i32
        %dma_start3A_1053 = tpu.memref_slice %arg10[%dma_start3A_1052] : memref<128xi32, #tpu.memory_space<vmem>> -> memref<32xi32, #tpu.memory_space<vmem>>
        %dma_start3A_1054 = arith.constant 0 : i32
        %dma_start3A_1055 = arith.constant 0 : i32
        %dma_start3A_1056 = tpu.memref_slice %arg3[%dma_start3A_1054, %dma_start3A_1055] : memref<500000x128xf32, #tpu.memory_space<hbm>> -> memref<500000x128xf32, #tpu.memory_space<hbm>>
        tpu.enqueue_indirect_dma source(%dma_start3A_1056 : memref<500000x128xf32, #tpu.memory_space<hbm>>) target(%dma_start3A_1051 : memref<32x128xf32, #tpu.memory_space<vmem>>) offsets(%dma_start3A_1053 : memref<32xi32, #tpu.memory_space<vmem>>) semaphore(%arg27 : memref<!tpu.dma_semaphore, #tpu.memory_space<semaphore_mem>>)
        %dma_start3A_1057 = arith.constant 64 : i32
        %dma_start3A_1058 = arith.constant 0 : i32
        %dma_start3A_1059 = tpu.memref_slice %arg14[%dma_start3A_1057, %dma_start3A_1058] : memref<128x128xf32, #tpu.memory_space<vmem>> -> memref<32x128xf32, #tpu.memory_space<vmem>>
        %dma_start3A_1060 = arith.constant 64 : i32
        %dma_start3A_1061 = tpu.memref_slice %arg10[%dma_start3A_1060] : memref<128xi32, #tpu.memory_space<vmem>> -> memref<32xi32, #tpu.memory_space<vmem>>
        %dma_start3A_1062 = arith.constant 0 : i32
        %dma_start3A_1063 = arith.constant 0 : i32
        %dma_start3A_1064 = tpu.memref_slice %arg3[%dma_start3A_1062, %dma_start3A_1063] : memref<500000x128xf32, #tpu.memory_space<hbm>> -> memref<500000x128xf32, #tpu.memory_space<hbm>>
        tpu.enqueue_indirect_dma source(%dma_start3A_1064 : memref<500000x128xf32, #tpu.memory_space<hbm>>) target(%dma_start3A_1059 : memref<32x128xf32, #tpu.memory_space<vmem>>) offsets(%dma_start3A_1061 : memref<32xi32, #tpu.memory_space<vmem>>) semaphore(%arg28 : memref<!tpu.dma_semaphore, #tpu.memory_space<semaphore_mem>>)
        %dma_start3A_1065 = arith.constant 96 : i32
        %dma_start3A_1066 = arith.constant 0 : i32
        %dma_start3A_1067 = tpu.memref_slice %arg14[%dma_start3A_1065, %dma_start3A_1066] : memref<128x128xf32, #tpu.memory_space<vmem>> -> memref<32x128xf32, #tpu.memory_space<vmem>>
        %dma_start3A_1068 = arith.constant 96 : i32
        %dma_start3A_1069 = tpu.memref_slice %arg10[%dma_start3A_1068] : memref<128xi32, #tpu.memory_space<vmem>> -> memref<32xi32, #tpu.memory_space<vmem>>
        %dma_start3A_1070 = arith.constant 0 : i32
        %dma_start3A_1071 = arith.constant 0 : i32
        %dma_start3A_1072 = tpu.memref_slice %arg3[%dma_start3A_1070, %dma_start3A_1071] : memref<500000x128xf32, #tpu.memory_space<hbm>> -> memref<500000x128xf32, #tpu.memory_space<hbm>>
        tpu.enqueue_indirect_dma source(%dma_start3A_1072 : memref<500000x128xf32, #tpu.memory_space<hbm>>) target(%dma_start3A_1067 : memref<32x128xf32, #tpu.memory_space<vmem>>) offsets(%dma_start3A_1069 : memref<32xi32, #tpu.memory_space<vmem>>) semaphore(%arg29 : memref<!tpu.dma_semaphore, #tpu.memory_space<semaphore_mem>>)
      } else {
      }
      %dma_wait3A_849 = arith.constant 0 : i32
      %dma_wait3A_850 = arith.constant 0 : i32
      %dma_wait3A_851 = tpu.memref_slice %arg15[%dma_wait3A_849, %dma_wait3A_850] : memref<128x128xf32, #tpu.memory_space<vmem>> -> memref<32x128xf32, #tpu.memory_space<vmem>>
      %dma_wait3A_852 = arith.constant 0 : i32
      %dma_wait3A_853 = tpu.memref_slice %arg11[%dma_wait3A_852] : memref<128xi32, #tpu.memory_space<vmem>> -> memref<32xi32, #tpu.memory_space<vmem>>
      %dma_wait3A_854 = arith.constant 0 : i32
      %dma_wait3A_855 = arith.constant 0 : i32
      %dma_wait3A_856 = tpu.memref_slice %arg3[%dma_wait3A_854, %dma_wait3A_855] : memref<500000x128xf32, #tpu.memory_space<hbm>> -> memref<500000x128xf32, #tpu.memory_space<hbm>>
      tpu.wait_indirect_dma semaphore(%arg30 : memref<!tpu.dma_semaphore, #tpu.memory_space<semaphore_mem>>) src(%dma_wait3A_856 : memref<500000x128xf32, #tpu.memory_space<hbm>>) dst(%dma_wait3A_851 : memref<32x128xf32, #tpu.memory_space<vmem>>)
      %dma_wait3A_857 = arith.constant 32 : i32
      %dma_wait3A_858 = arith.constant 0 : i32
      %dma_wait3A_859 = tpu.memref_slice %arg15[%dma_wait3A_857, %dma_wait3A_858] : memref<128x128xf32, #tpu.memory_space<vmem>> -> memref<32x128xf32, #tpu.memory_space<vmem>>
      %dma_wait3A_860 = arith.constant 32 : i32
      %dma_wait3A_861 = tpu.memref_slice %arg11[%dma_wait3A_860] : memref<128xi32, #tpu.memory_space<vmem>> -> memref<32xi32, #tpu.memory_space<vmem>>
      %dma_wait3A_862 = arith.constant 0 : i32
      %dma_wait3A_863 = arith.constant 0 : i32
      %dma_wait3A_864 = tpu.memref_slice %arg3[%dma_wait3A_862, %dma_wait3A_863] : memref<500000x128xf32, #tpu.memory_space<hbm>> -> memref<500000x128xf32, #tpu.memory_space<hbm>>
      tpu.wait_indirect_dma semaphore(%arg31 : memref<!tpu.dma_semaphore, #tpu.memory_space<semaphore_mem>>) src(%dma_wait3A_864 : memref<500000x128xf32, #tpu.memory_space<hbm>>) dst(%dma_wait3A_859 : memref<32x128xf32, #tpu.memory_space<vmem>>)
      %dma_wait3A_865 = arith.constant 64 : i32
      %dma_wait3A_866 = arith.constant 0 : i32
      %dma_wait3A_867 = tpu.memref_slice %arg15[%dma_wait3A_865, %dma_wait3A_866] : memref<128x128xf32, #tpu.memory_space<vmem>> -> memref<32x128xf32, #tpu.memory_space<vmem>>
      %dma_wait3A_868 = arith.constant 64 : i32
      %dma_wait3A_869 = tpu.memref_slice %arg11[%dma_wait3A_868] : memref<128xi32, #tpu.memory_space<vmem>> -> memref<32xi32, #tpu.memory_space<vmem>>
      %dma_wait3A_870 = arith.constant 0 : i32
      %dma_wait3A_871 = arith.constant 0 : i32
      %dma_wait3A_872 = tpu.memref_slice %arg3[%dma_wait3A_870, %dma_wait3A_871] : memref<500000x128xf32, #tpu.memory_space<hbm>> -> memref<500000x128xf32, #tpu.memory_space<hbm>>
      tpu.wait_indirect_dma semaphore(%arg32 : memref<!tpu.dma_semaphore, #tpu.memory_space<semaphore_mem>>) src(%dma_wait3A_872 : memref<500000x128xf32, #tpu.memory_space<hbm>>) dst(%dma_wait3A_867 : memref<32x128xf32, #tpu.memory_space<vmem>>)
      %dma_wait3A_873 = arith.constant 96 : i32
      %dma_wait3A_874 = arith.constant 0 : i32
      %dma_wait3A_875 = tpu.memref_slice %arg15[%dma_wait3A_873, %dma_wait3A_874] : memref<128x128xf32, #tpu.memory_space<vmem>> -> memref<32x128xf32, #tpu.memory_space<vmem>>
      %dma_wait3A_876 = arith.constant 96 : i32
      %dma_wait3A_877 = tpu.memref_slice %arg11[%dma_wait3A_876] : memref<128xi32, #tpu.memory_space<vmem>> -> memref<32xi32, #tpu.memory_space<vmem>>
      %dma_wait3A_878 = arith.constant 0 : i32
      %dma_wait3A_879 = arith.constant 0 : i32
      %dma_wait3A_880 = tpu.memref_slice %arg3[%dma_wait3A_878, %dma_wait3A_879] : memref<500000x128xf32, #tpu.memory_space<hbm>> -> memref<500000x128xf32, #tpu.memory_space<hbm>>
      tpu.wait_indirect_dma semaphore(%arg33 : memref<!tpu.dma_semaphore, #tpu.memory_space<semaphore_mem>>) src(%dma_wait3A_880 : memref<500000x128xf32, #tpu.memory_space<hbm>>) dst(%dma_wait3A_875 : memref<32x128xf32, #tpu.memory_space<vmem>>)
      %sub3A_881 = arith.constant 2 : i32
      %sub3A_882 = arith.subi %add3A_843, %sub3A_881 : i32
      %dma_wait3A_883 = arith.constant 0 : i32
      %dma_wait3A_884 = tpu.memref_slice %arg5[%sub3A_882, %dma_wait3A_883, %mul3A_2] : memref<200x64x4096xf32, #tpu.memory_space<hbm>> -> memref<1x64x128xf32, #tpu.memory_space<hbm>>
      %dma_wait3A_885 = tpu.memref_squeeze %dma_wait3A_884 : memref<1x64x128xf32, #tpu.memory_space<hbm>> -> memref<64x128xf32, #tpu.memory_space<hbm>>
      %dma_wait3A_886 = arith.constant 0 : i32
      %dma_wait3A_887 = tpu.memref_slice %arg5[%sub3A_882, %dma_wait3A_886, %mul3A_2] : memref<200x64x4096xf32, #tpu.memory_space<hbm>> -> memref<1x64x128xf32, #tpu.memory_space<hbm>>
      %dma_wait3A_888 = tpu.memref_squeeze %dma_wait3A_887 : memref<1x64x128xf32, #tpu.memory_space<hbm>> -> memref<64x128xf32, #tpu.memory_space<hbm>>
      tpu.wait_dma2 semaphore(%arg35 : memref<!tpu.dma_semaphore, #tpu.memory_space<semaphore_mem>>) src(%arg17 : memref<64x128xf32, #tpu.memory_space<vmem>>) dst(%dma_wait3A_888 : memref<64x128xf32, #tpu.memory_space<hbm>>)
      %get3A_889 = arith.index_cast %add3A_843 : i32 to index
      %get3A_890 = arith.constant 0 : index
      %get3A_891 = tpu.vector_load %arg6[%get3A_889, %get3A_890] {strides = array<i32>} : memref<200x128xi32, #tpu.memory_space<vmem>>, vector<16xi32>,
      %and3A_892 = arith.constant 1 : i32
      %and3A_893 = vector.broadcast %and3A_892 : i32 to vector<16xi32>
      %and3A_894 = arith.andi %get3A_891, %and3A_893 : vector<16xi32>
      %mul3A_895 = arith.constant 64 : i32
      %mul3A_896 = vector.broadcast %mul3A_895 : i32 to vector<16xi32>
      %mul3A_897 = arith.muli %and3A_894, %mul3A_896 : vector<16xi32>
      %get3A_898 = arith.index_cast %add3A_843 : i32 to index
      %get3A_899 = arith.constant 16 : index
      %get3A_900 = tpu.vector_load %arg6[%get3A_898, %get3A_899] {strides = array<i32>} : memref<200x128xi32, #tpu.memory_space<vmem>>, vector<16xi32>,
      %and3A_901 = arith.constant 1 : i32
      %and3A_902 = vector.broadcast %and3A_901 : i32 to vector<16xi32>
      %and3A_903 = arith.andi %get3A_900, %and3A_902 : vector<16xi32>
      %mul3A_904 = arith.constant 64 : i32
      %mul3A_905 = vector.broadcast %mul3A_904 : i32 to vector<16xi32>
      %mul3A_906 = arith.muli %and3A_903, %mul3A_905 : vector<16xi32>
      %get3A_907 = arith.index_cast %add3A_843 : i32 to index
      %get3A_908 = arith.constant 32 : index
      %get3A_909 = tpu.vector_load %arg6[%get3A_907, %get3A_908] {strides = array<i32>} : memref<200x128xi32, #tpu.memory_space<vmem>>, vector<16xi32>,
      %and3A_910 = arith.constant 1 : i32
      %and3A_911 = vector.broadcast %and3A_910 : i32 to vector<16xi32>
      %and3A_912 = arith.andi %get3A_909, %and3A_911 : vector<16xi32>
      %mul3A_913 = arith.constant 64 : i32
      %mul3A_914 = vector.broadcast %mul3A_913 : i32 to vector<16xi32>
      %mul3A_915 = arith.muli %and3A_912, %mul3A_914 : vector<16xi32>
      %get3A_916 = arith.index_cast %add3A_843 : i32 to index
      %get3A_917 = arith.constant 48 : index
      %get3A_918 = tpu.vector_load %arg6[%get3A_916, %get3A_917] {strides = array<i32>} : memref<200x128xi32, #tpu.memory_space<vmem>>, vector<16xi32>,
      %and3A_919 = arith.constant 1 : i32
      %and3A_920 = vector.broadcast %and3A_919 : i32 to vector<16xi32>
      %and3A_921 = arith.andi %get3A_918, %and3A_920 : vector<16xi32>
      %mul3A_922 = arith.constant 64 : i32
      %mul3A_923 = vector.broadcast %mul3A_922 : i32 to vector<16xi32>
      %mul3A_924 = arith.muli %and3A_921, %mul3A_923 : vector<16xi32>
      %get3A_925 = arith.index_cast %add3A_843 : i32 to index
      %get3A_926 = arith.constant 64 : index
      %get3A_927 = tpu.vector_load %arg6[%get3A_925, %get3A_926] {strides = array<i32>} : memref<200x128xi32, #tpu.memory_space<vmem>>, vector<16xi32>,
      %and3A_928 = arith.constant 1 : i32
      %and3A_929 = vector.broadcast %and3A_928 : i32 to vector<16xi32>
      %and3A_930 = arith.andi %get3A_927, %and3A_929 : vector<16xi32>
      %mul3A_931 = arith.constant 64 : i32
      %mul3A_932 = vector.broadcast %mul3A_931 : i32 to vector<16xi32>
      %mul3A_933 = arith.muli %and3A_930, %mul3A_932 : vector<16xi32>
      %get3A_934 = arith.index_cast %add3A_843 : i32 to index
      %get3A_935 = arith.constant 80 : index
      %get3A_936 = tpu.vector_load %arg6[%get3A_934, %get3A_935] {strides = array<i32>} : memref<200x128xi32, #tpu.memory_space<vmem>>, vector<16xi32>,
      %and3A_937 = arith.constant 1 : i32
      %and3A_938 = vector.broadcast %and3A_937 : i32 to vector<16xi32>
      %and3A_939 = arith.andi %get3A_936, %and3A_938 : vector<16xi32>
      %mul3A_940 = arith.constant 64 : i32
      %mul3A_941 = vector.broadcast %mul3A_940 : i32 to vector<16xi32>
      %mul3A_942 = arith.muli %and3A_939, %mul3A_941 : vector<16xi32>
      %get3A_943 = arith.index_cast %add3A_843 : i32 to index
      %get3A_944 = arith.constant 96 : index
      %get3A_945 = tpu.vector_load %arg6[%get3A_943, %get3A_944] {strides = array<i32>} : memref<200x128xi32, #tpu.memory_space<vmem>>, vector<16xi32>,
      %and3A_946 = arith.constant 1 : i32
      %and3A_947 = vector.broadcast %and3A_946 : i32 to vector<16xi32>
      %and3A_948 = arith.andi %get3A_945, %and3A_947 : vector<16xi32>
      %mul3A_949 = arith.constant 64 : i32
      %mul3A_950 = vector.broadcast %mul3A_949 : i32 to vector<16xi32>
      %mul3A_951 = arith.muli %and3A_948, %mul3A_950 : vector<16xi32>
      %get3A_952 = arith.index_cast %add3A_843 : i32 to index
      %get3A_953 = arith.constant 112 : index
      %get3A_954 = tpu.vector_load %arg6[%get3A_952, %get3A_953] {strides = array<i32>} : memref<200x128xi32, #tpu.memory_space<vmem>>, vector<16xi32>,
      %and3A_955 = arith.constant 1 : i32
      %and3A_956 = vector.broadcast %and3A_955 : i32 to vector<16xi32>
      %and3A_957 = arith.andi %get3A_954, %and3A_956 : vector<16xi32>
      %mul3A_958 = arith.constant 64 : i32
      %mul3A_959 = vector.broadcast %mul3A_958 : i32 to vector<16xi32>
      %mul3A_960 = arith.muli %and3A_957, %mul3A_959 : vector<16xi32>
      %mul3A_961 = arith.constant 64 : i32
      %mul3A_962 = arith.muli %add3A_843, %mul3A_961 : i32
      %scan3A_963 = arith.constant 0 : i32
      %scan3A_964 = arith.constant 0 : i32
      %scan3A_965 = arith.constant 64 : i32
      %scan3A_966 = arith.addi %scan3A_964, %scan3A_965 : i32
      %scan3A_967 = arith.constant 2 : i32
      scf.for %scan3A_975 = %scan3A_964 to %scan3A_966 step %scan3A_967  : i32 {
        %and3A_976 = arith.constant 15 : i32
        %and3A_977 = arith.andi %scan3A_975, %and3A_976 : i32
        %shift_right_arithmetic3A = arith.constant 4 : i32
        %shift_right_arithmetic3A_978 = arith.shrsi %scan3A_975, %shift_right_arithmetic3A : i32
        %shift_left3A = arith.constant 4 : i32
        %shift_left3A_979 = arith.shli %shift_right_arithmetic3A_978, %shift_left3A : i32
        %add3A_980 = vector.broadcast %and3A_977 : i32 to vector<16xi32>
        %add3A_981 = arith.addi %add3A_980, %iota3A : vector<16xi32>
        %and3A_982 = arith.constant 15 : i32
        %and3A_983 = vector.broadcast %and3A_982 : i32 to vector<16xi32>
        %and3A_984 = arith.andi %add3A_981, %and3A_983 : vector<16xi32>
        %add3A_985 = vector.broadcast %shift_left3A_979 : i32 to vector<16xi32>
        %add3A_986 = arith.addi %and3A_984, %add3A_985 : vector<16xi32>
        %add3A_987 = vector.broadcast %mul3A_962 : i32 to vector<16xi32>
        %add3A_988 = arith.addi %add3A_987, %add3A_986 : vector<16xi32>
        %gather3A = tpu.vector_load_idx %arg7[%add3A_988] : memref<12816xf32, #tpu.memory_space<vmem>>[vector<16xi32>], vector<16xf32>,
        %add3A_989 = arith.addi %mul3A_897, %add3A_986 : vector<16xi32>
        %gather3A_990 = tpu.vector_load_idx %arg15[%add3A_313, %add3A_989] : memref<128x128xf32, #tpu.memory_space<vmem>>[vector<16xi32>, vector<16xi32>], vector<16xf32>,
        %add3A_991 = arith.addf %gather3A_990, %gather3A : vector<16xf32>
        tpu.vector_store_idx %arg17[%add3A_986, %add3A_313], %add3A_991 : memref<64x128xf32, #tpu.memory_space<vmem>>[vector<16xi32>, vector<16xi32>], vector<16xf32>,
        %add3A_992 = arith.addi %mul3A_906, %add3A_986 : vector<16xi32>
        %gather3A_993 = tpu.vector_load_idx %arg15[%add3A_316, %add3A_992] : memref<128x128xf32, #tpu.memory_space<vmem>>[vector<16xi32>, vector<16xi32>], vector<16xf32>,
        %add3A_994 = arith.addf %gather3A_993, %gather3A : vector<16xf32>
        tpu.vector_store_idx %arg17[%add3A_986, %add3A_316], %add3A_994 : memref<64x128xf32, #tpu.memory_space<vmem>>[vector<16xi32>, vector<16xi32>], vector<16xf32>,
        %add3A_995 = arith.addi %mul3A_915, %add3A_986 : vector<16xi32>
        %gather3A_996 = tpu.vector_load_idx %arg15[%add3A_319, %add3A_995] : memref<128x128xf32, #tpu.memory_space<vmem>>[vector<16xi32>, vector<16xi32>], vector<16xf32>,
        %add3A_997 = arith.addf %gather3A_996, %gather3A : vector<16xf32>
        tpu.vector_store_idx %arg17[%add3A_986, %add3A_319], %add3A_997 : memref<64x128xf32, #tpu.memory_space<vmem>>[vector<16xi32>, vector<16xi32>], vector<16xf32>,
        %add3A_998 = arith.addi %mul3A_924, %add3A_986 : vector<16xi32>
        %gather3A_999 = tpu.vector_load_idx %arg15[%add3A_322, %add3A_998] : memref<128x128xf32, #tpu.memory_space<vmem>>[vector<16xi32>, vector<16xi32>], vector<16xf32>,
        %add3A_1000 = arith.addf %gather3A_999, %gather3A : vector<16xf32>
        tpu.vector_store_idx %arg17[%add3A_986, %add3A_322], %add3A_1000 : memref<64x128xf32, #tpu.memory_space<vmem>>[vector<16xi32>, vector<16xi32>], vector<16xf32>,
        %add3A_1001 = arith.addi %mul3A_933, %add3A_986 : vector<16xi32>
        %gather3A_1002 = tpu.vector_load_idx %arg15[%add3A_325, %add3A_1001] : memref<128x128xf32, #tpu.memory_space<vmem>>[vector<16xi32>, vector<16xi32>], vector<16xf32>,
        %add3A_1003 = arith.addf %gather3A_1002, %gather3A : vector<16xf32>
        tpu.vector_store_idx %arg17[%add3A_986, %add3A_325], %add3A_1003 : memref<64x128xf32, #tpu.memory_space<vmem>>[vector<16xi32>, vector<16xi32>], vector<16xf32>,
        %add3A_1004 = arith.addi %mul3A_942, %add3A_986 : vector<16xi32>
        %gather3A_1005 = tpu.vector_load_idx %arg15[%add3A_328, %add3A_1004] : memref<128x128xf32, #tpu.memory_space<vmem>>[vector<16xi32>, vector<16xi32>], vector<16xf32>,
        %add3A_1006 = arith.addf %gather3A_1005, %gather3A : vector<16xf32>
        tpu.vector_store_idx %arg17[%add3A_986, %add3A_328], %add3A_1006 : memref<64x128xf32, #tpu.memory_space<vmem>>[vector<16xi32>, vector<16xi32>], vector<16xf32>,
        %add3A_1007 = arith.addi %mul3A_951, %add3A_986 : vector<16xi32>
        %gather3A_1008 = tpu.vector_load_idx %arg15[%add3A_331, %add3A_1007] : memref<128x128xf32, #tpu.memory_space<vmem>>[vector<16xi32>, vector<16xi32>], vector<16xf32>,
        %add3A_1009 = arith.addf %gather3A_1008, %gather3A : vector<16xf32>
        tpu.vector_store_idx %arg17[%add3A_986, %add3A_331], %add3A_1009 : memref<64x128xf32, #tpu.memory_space<vmem>>[vector<16xi32>, vector<16xi32>], vector<16xf32>,
        %add3A_1010 = arith.addi %mul3A_960, %add3A_986 : vector<16xi32>
        %gather3A_1011 = tpu.vector_load_idx %arg15[%add3A_334, %add3A_1010] : memref<128x128xf32, #tpu.memory_space<vmem>>[vector<16xi32>, vector<16xi32>], vector<16xf32>,
        %add3A_1012 = arith.addf %gather3A_1011, %gather3A : vector<16xf32>
        tpu.vector_store_idx %arg17[%add3A_986, %add3A_334], %add3A_1012 : memref<64x128xf32, #tpu.memory_space<vmem>>[vector<16xi32>, vector<16xi32>], vector<16xf32>,
        %scan3A_1013 = arith.constant 1 : i32
        %scan3A_1014 = arith.addi %scan3A_975, %scan3A_1013 : i32
        %and3A_1015 = arith.constant 15 : i32
        %and3A_1016 = arith.andi %scan3A_1014, %and3A_1015 : i32
        %shift_right_arithmetic3A_1017 = arith.constant 4 : i32
        %shift_right_arithmetic3A_1018 = arith.shrsi %scan3A_1014, %shift_right_arithmetic3A_1017 : i32
        %shift_left3A_1019 = arith.constant 4 : i32
        %shift_left3A_1020 = arith.shli %shift_right_arithmetic3A_1018, %shift_left3A_1019 : i32
        %add3A_1021 = vector.broadcast %and3A_1016 : i32 to vector<16xi32>
        %add3A_1022 = arith.addi %add3A_1021, %iota3A : vector<16xi32>
        %and3A_1023 = arith.constant 15 : i32
        %and3A_1024 = vector.broadcast %and3A_1023 : i32 to vector<16xi32>
        %and3A_1025 = arith.andi %add3A_1022, %and3A_1024 : vector<16xi32>
        %add3A_1026 = vector.broadcast %shift_left3A_1020 : i32 to vector<16xi32>
        %add3A_1027 = arith.addi %and3A_1025, %add3A_1026 : vector<16xi32>
        %add3A_1028 = vector.broadcast %mul3A_962 : i32 to vector<16xi32>
        %add3A_1029 = arith.addi %add3A_1028, %add3A_1027 : vector<16xi32>
        %gather3A_1030 = tpu.vector_load_idx %arg7[%add3A_1029] : memref<12816xf32, #tpu.memory_space<vmem>>[vector<16xi32>], vector<16xf32>,
        %add3A_1031 = arith.addi %mul3A_897, %add3A_1027 : vector<16xi32>
        %gather3A_1032 = tpu.vector_load_idx %arg15[%add3A_313, %add3A_1031] : memref<128x128xf32, #tpu.memory_space<vmem>>[vector<16xi32>, vector<16xi32>], vector<16xf32>,
        %add3A_1033 = arith.addf %gather3A_1032, %gather3A_1030 : vector<16xf32>
        tpu.vector_store_idx %arg17[%add3A_1027, %add3A_313], %add3A_1033 : memref<64x128xf32, #tpu.memory_space<vmem>>[vector<16xi32>, vector<16xi32>], vector<16xf32>,
        %add3A_1034 = arith.addi %mul3A_906, %add3A_1027 : vector<16xi32>
        %gather3A_1035 = tpu.vector_load_idx %arg15[%add3A_316, %add3A_1034] : memref<128x128xf32, #tpu.memory_space<vmem>>[vector<16xi32>, vector<16xi32>], vector<16xf32>,
        %add3A_1036 = arith.addf %gather3A_1035, %gather3A_1030 : vector<16xf32>
        tpu.vector_store_idx %arg17[%add3A_1027, %add3A_316], %add3A_1036 : memref<64x128xf32, #tpu.memory_space<vmem>>[vector<16xi32>, vector<16xi32>], vector<16xf32>,
        %add3A_1037 = arith.addi %mul3A_915, %add3A_1027 : vector<16xi32>
        %gather3A_1038 = tpu.vector_load_idx %arg15[%add3A_319, %add3A_1037] : memref<128x128xf32, #tpu.memory_space<vmem>>[vector<16xi32>, vector<16xi32>], vector<16xf32>,
        %add3A_1039 = arith.addf %gather3A_1038, %gather3A_1030 : vector<16xf32>
        tpu.vector_store_idx %arg17[%add3A_1027, %add3A_319], %add3A_1039 : memref<64x128xf32, #tpu.memory_space<vmem>>[vector<16xi32>, vector<16xi32>], vector<16xf32>,
        %add3A_1040 = arith.addi %mul3A_924, %add3A_1027 : vector<16xi32>
        %gather3A_1041 = tpu.vector_load_idx %arg15[%add3A_322, %add3A_1040] : memref<128x128xf32, #tpu.memory_space<vmem>>[vector<16xi32>, vector<16xi32>], vector<16xf32>,
        %add3A_1042 = arith.addf %gather3A_1041, %gather3A_1030 : vector<16xf32>
        tpu.vector_store_idx %arg17[%add3A_1027, %add3A_322], %add3A_1042 : memref<64x128xf32, #tpu.memory_space<vmem>>[vector<16xi32>, vector<16xi32>], vector<16xf32>,
        %add3A_1043 = arith.addi %mul3A_933, %add3A_1027 : vector<16xi32>
        %gather3A_1044 = tpu.vector_load_idx %arg15[%add3A_325, %add3A_1043] : memref<128x128xf32, #tpu.memory_space<vmem>>[vector<16xi32>, vector<16xi32>], vector<16xf32>,
        %add3A_1045 = arith.addf %gather3A_1044, %gather3A_1030 : vector<16xf32>
        tpu.vector_store_idx %arg17[%add3A_1027, %add3A_325], %add3A_1045 : memref<64x128xf32, #tpu.memory_space<vmem>>[vector<16xi32>, vector<16xi32>], vector<16xf32>,
        %add3A_1046 = arith.addi %mul3A_942, %add3A_1027 : vector<16xi32>
        %gather3A_1047 = tpu.vector_load_idx %arg15[%add3A_328, %add3A_1046] : memref<128x128xf32, #tpu.memory_space<vmem>>[vector<16xi32>, vector<16xi32>], vector<16xf32>,
        %add3A_1048 = arith.addf %gather3A_1047, %gather3A_1030 : vector<16xf32>
        tpu.vector_store_idx %arg17[%add3A_1027, %add3A_328], %add3A_1048 : memref<64x128xf32, #tpu.memory_space<vmem>>[vector<16xi32>, vector<16xi32>], vector<16xf32>,
        %add3A_1049 = arith.addi %mul3A_951, %add3A_1027 : vector<16xi32>
        %gather3A_1050 = tpu.vector_load_idx %arg15[%add3A_331, %add3A_1049] : memref<128x128xf32, #tpu.memory_space<vmem>>[vector<16xi32>, vector<16xi32>], vector<16xf32>,
        %add3A_1051 = arith.addf %gather3A_1050, %gather3A_1030 : vector<16xf32>
        tpu.vector_store_idx %arg17[%add3A_1027, %add3A_331], %add3A_1051 : memref<64x128xf32, #tpu.memory_space<vmem>>[vector<16xi32>, vector<16xi32>], vector<16xf32>,
        %add3A_1052 = arith.addi %mul3A_960, %add3A_1027 : vector<16xi32>
        %gather3A_1053 = tpu.vector_load_idx %arg15[%add3A_334, %add3A_1052] : memref<128x128xf32, #tpu.memory_space<vmem>>[vector<16xi32>, vector<16xi32>], vector<16xf32>,
        %add3A_1054 = arith.addf %gather3A_1053, %gather3A_1030 : vector<16xf32>
        tpu.vector_store_idx %arg17[%add3A_1027, %add3A_334], %add3A_1054 : memref<64x128xf32, #tpu.memory_space<vmem>>[vector<16xi32>, vector<16xi32>], vector<16xf32>,
      }
      %scan3A_968 = arith.constant 64 : i32
      %dma_start3A_969 = arith.constant 0 : i32
      %dma_start3A_970 = tpu.memref_slice %arg5[%add3A_843, %dma_start3A_969, %mul3A_2] : memref<200x64x4096xf32, #tpu.memory_space<hbm>> -> memref<1x64x128xf32, #tpu.memory_space<hbm>>
      %dma_start3A_971 = tpu.memref_squeeze %dma_start3A_970 : memref<1x64x128xf32, #tpu.memory_space<hbm>> -> memref<64x128xf32, #tpu.memory_space<hbm>>
      %dma_start3A_972 = arith.constant 0 : i32
      %dma_start3A_973 = tpu.memref_slice %arg5[%add3A_843, %dma_start3A_972, %mul3A_2] : memref<200x64x4096xf32, #tpu.memory_space<hbm>> -> memref<1x64x128xf32, #tpu.memory_space<hbm>>
      %dma_start3A_974 = tpu.memref_squeeze %dma_start3A_973 : memref<1x64x128xf32, #tpu.memory_space<hbm>> -> memref<64x128xf32, #tpu.memory_space<hbm>>
      tpu.enqueue_dma source(%arg17 : memref<64x128xf32, #tpu.memory_space<vmem>>) target(%dma_start3A_974 : memref<64x128xf32, #tpu.memory_space<hbm>>) target_semaphore(%arg35 : memref<!tpu.dma_semaphore, #tpu.memory_space<semaphore_mem>>)
    }
    %scan3A_339 = arith.constant 50 : i32
    %dma_wait3A = arith.constant 198 : i32
    %dma_wait3A_340 = arith.constant 0 : i32
    %dma_wait3A_341 = tpu.memref_slice %arg5[%dma_wait3A, %dma_wait3A_340, %mul3A_2] : memref<200x64x4096xf32, #tpu.memory_space<hbm>> -> memref<1x64x128xf32, #tpu.memory_space<hbm>>
    %dma_wait3A_342 = tpu.memref_squeeze %dma_wait3A_341 : memref<1x64x128xf32, #tpu.memory_space<hbm>> -> memref<64x128xf32, #tpu.memory_space<hbm>>
    %dma_wait3A_343 = arith.constant 0 : i32
    %dma_wait3A_344 = tpu.memref_slice %arg5[%dma_wait3A, %dma_wait3A_343, %mul3A_2] : memref<200x64x4096xf32, #tpu.memory_space<hbm>> -> memref<1x64x128xf32, #tpu.memory_space<hbm>>
    %dma_wait3A_345 = tpu.memref_squeeze %dma_wait3A_344 : memref<1x64x128xf32, #tpu.memory_space<hbm>> -> memref<64x128xf32, #tpu.memory_space<hbm>>
    tpu.wait_dma2 semaphore(%arg34 : memref<!tpu.dma_semaphore, #tpu.memory_space<semaphore_mem>>) src(%arg16 : memref<64x128xf32, #tpu.memory_space<vmem>>) dst(%dma_wait3A_345 : memref<64x128xf32, #tpu.memory_space<hbm>>)
    %dma_wait3A_346 = arith.constant 199 : i32
    %dma_wait3A_347 = arith.constant 0 : i32
    %dma_wait3A_348 = tpu.memref_slice %arg5[%dma_wait3A_346, %dma_wait3A_347, %mul3A_2] : memref<200x64x4096xf32, #tpu.memory_space<hbm>> -> memref<1x64x128xf32, #tpu.memory_space<hbm>>
    %dma_wait3A_349 = tpu.memref_squeeze %dma_wait3A_348 : memref<1x64x128xf32, #tpu.memory_space<hbm>> -> memref<64x128xf32, #tpu.memory_space<hbm>>
    %dma_wait3A_350 = arith.constant 0 : i32
    %dma_wait3A_351 = tpu.memref_slice %arg5[%dma_wait3A_346, %dma_wait3A_350, %mul3A_2] : memref<200x64x4096xf32, #tpu.memory_space<hbm>> -> memref<1x64x128xf32, #tpu.memory_space<hbm>>
    %dma_wait3A_352 = tpu.memref_squeeze %dma_wait3A_351 : memref<1x64x128xf32, #tpu.memory_space<hbm>> -> memref<64x128xf32, #tpu.memory_space<hbm>>
    tpu.wait_dma2 semaphore(%arg35 : memref<!tpu.dma_semaphore, #tpu.memory_space<semaphore_mem>>) src(%arg17 : memref<64x128xf32, #tpu.memory_space<vmem>>) dst(%dma_wait3A_352 : memref<64x128xf32, #tpu.memory_space<hbm>>)
    return
  }
}

</mosaic_0001>

<sc_bundles>
// kernel: kernel.3.cloned.1.call-start
scs
__scs_entry_jumppad:
0x0: {  	(pc) =	sbr.rel $0x88, $3  }
0x1: {  	(tag) =	ssettag $0x0;
	lr =	simm.s32 $0x1  }
0x2: {  	[smem:$0x3F9E] =	sst lr;
	_ =	strace $0xD0000000  }
0x3: {  	_ = 	snop  }
0x4: {  	_ = 	snop  }
0x5: {  	_ = 	snop  }
0x6: {  	_ = 	snop  }
0x7: {  	_ = 	snop  }
__scs_overlays_trampoline_lowered:
0x8: {  	[smem:$0x3FAD] =	sst s0  }
0x9: {  	[smem:$0x3FAE] =	sst s1  }
0xa: {  	[smem:$0x3FAF] =	sst s2  }
0xb: {  	[smem:$0x3FB0] =	sst s3  }
0xc: {  	[smem:$0x3FB1] =	sst s4  }
0xd: {  	[smem:$0x3FB2] =	sst s5  }
0xe: {  	[smem:$0x3FB3] =	sst s6  }
0xf: {  	[smem:$0x3FB4] =	sst s7  }
0x10: {  	[smem:$0x3FB5] =	sst s8  }
0x11: {  	[smem:$0x3FB6] =	sst s9;
	s0 =	simm.s32 @!p0 $0x0  }
0x12: {  	s1 =	sld [smem:$0x3F9C];
	s0 =	simm.s32 @p0 $0x1  }
0x13: {  	[smem:$0x3FB7] =	sst s0;
	s0 =	simm.s32 @!p1 $0x0  }
0x14: {  	s2 =	sld [smem:$0x3F9B];
	s0 =	simm.s32 @p1 $0x1  }
0x15: {  	[smem:$0x3FB8] =	sst s0;
	s0 =	simm.s32 @!p2 $0x0  }
0x16: {  	s3 =	sld [smem:$0x3FDB];
	s0 =	simm.s32 @p2 $0x1  }
0x17: {  	s4 =	simm.s32 $0x1BF5;
	[smem:$0x3FBA] =	sst s0  }
0x18: {  	s0 =	sld [smem:$0x3F9D];
	_ =	swait.ge [sflag:s4], $0x0  }
0x19: {  	s7 =	sld [smem:$0x3F9E]  }
0x1a: {  	s8 =	sadd.s32 $0xFFFFE003, lr  }
0x1b: {  	s9 =	sadd.s32 $0xFFFFFEF7, lr;
	s5 =	simm.s32 $0xFFFFFFFF;
	p2 =	slt.u32 s8, $0xFFFFF086  }
0x1c: {  	p1 =	slt.u32 s9, $0xF7A;
	s5 =	simm.s32 @!p2 $0x0  }
0x1d: {  	s5 =	simm.s32 @p1 $0x1;
	p0 =	seq.s32 s7, s2  }
0x1e: {  	s7 =	smul.u32 @!p0 $0xF7A, s2;
	p2 =	seq.s32 @!p0 s5, $0x0  }
0x1f: {  	s9 =	smul.u32 $0xF7A, s1;
	s8 =	simm.s32 @!p0 $0x1BF5;
	p2 =	por !p2, p0  }
0x20: {  	[sflag:s8] =	ssyncset.s32 @!p0 $0xFFFFF086;
	s6 =	sadd.s32 @!p0 s3, s7;
	s7 =	simm.s32 @!p0 $0x108  }
0x21: {  	s3 =	sadd.s32 s3, s9;
	s6 =	sadd.s32 @!p0 $0x88, s6;
	s7 =	simm.s32 @p2 $0x1082  }
0x22: {  	[simem:s7], [sflag:s8] =	dma.local @!p0 [hbm:s6], $0xF7A  }
0x23: {  	s9 =	sor.u32 $0xD0000000, s2;
	s6 =	simm.s32 $0x108;
	_ =	swait.ge @!p0 [sflag:s8], $0x0  }
0x24: {  	s3 =	sadd.s32 $0x88, s3;
	s6 =	simm.s32 @!p1 $0x1082;
	[sflag:s4] =	ssyncset.s32 $0xFFFFF086  }
0x25: {  	[simem:s6], [sflag:s4] =	dma.local [hbm:s3], $0xF7A  }
0x26: {  	[smem:$0x3F9E] =	sst s1;
	(tag) =	ssettag s2;
	_ =	strace s9  }
0x27: {  	s1 =	sld [smem:$0x3FAE]  }
0x28: {  	s2 =	sld [smem:$0x3FAF]  }
0x29: {  	s4 =	sld [smem:$0x3FB1]  }
0x2a: {  	p0 =	seq.s32 s5, $0x0;
	s5 =	sld [smem:$0x3FB2]  }
0x2b: {  	s6 =	sld [smem:$0x3FB3]  }
0x2c: {  	s7 =	sld [smem:$0x3FB4]  }
0x2d: {  	s3 =	simm.s32 $0x108;
	s8 =	sld [smem:$0x3FB5]  }
0x2e: {  	s3 =	simm.s32 @!p0 $0x1082;
	s9 =	sld [smem:$0x3FB6]  }
0x2f: {  	lr =	sadd.s32 s0, s3;
	s0 =	sld [smem:$0x3FAD]  }
0x30: {  	s3 =	sld [smem:$0x3FB0]  }
0x31: {  	[smem:$0x3FB9] =	sst s10  }
0x32: {  	s10 =	sld [smem:$0x3FB7];
	_ =	sdelay $0x3  }
0x33: {  	p0 =	seq.s32 s10, $0x1;
	s10 =	sld [smem:$0x3FB9];
	_ =	sdelay $0x3  }
0x34: {  	[smem:$0x3FB9] =	sst s10  }
0x35: {  	s10 =	sld [smem:$0x3FB8];
	_ =	sdelay $0x3  }
0x36: {  	p1 =	seq.s32 s10, $0x1;
	s10 =	sld [smem:$0x3FB9];
	_ =	sdelay $0x3  }
0x37: {  	[smem:$0x3FB9] =	sst s10  }
0x38: {  	s10 =	sld [smem:$0x3FBA]  }
0x39: {  	_ = 	snop;
	(pc) =	sbr.ind lr, $3  }
0x3a: {  	_ = 	snop  }
0x3b: {  	_ = 	snop  }
0x3c: {  	p2 =	seq.s32 s10, $0x1;
	s10 =	sld [smem:$0x3FB9]  }
0x3d: {  	_ =	shalt  }
0x3e: {  	_ =	shalt  }
0x3f: {  	_ =	shalt  }
0x40: {  	_ =	shalt  }
0x41: {  	_ =	shalt  }
0x42: {  	_ =	shalt  }
0x43: {  	_ =	shalt  }
0x44: {  	_ =	shalt  }
0x45: {  	_ =	shalt  }
0x46: {  	_ =	shalt  }
0x47: {  	_ =	shalt  }
0x48: {  	_ =	shalt  }
0x49: {  	_ =	shalt  }
0x4a: {  	_ =	shalt  }
0x4b: {  	_ =	shalt  }
0x4c: {  	_ =	shalt  }
0x4d: {  	_ =	shalt  }
0x4e: {  	_ =	shalt  }
0x4f: {  	_ =	shalt  }
0x50: {  	_ =	shalt  }
0x51: {  	_ =	shalt  }
0x52: {  	_ =	shalt  }
0x53: {  	_ =	shalt  }
0x54: {  	_ =	shalt  }
0x55: {  	_ =	shalt  }
0x56: {  	_ =	shalt  }
0x57: {  	_ =	shalt  }
0x58: {  	_ =	shalt  }
0x59: {  	_ =	shalt  }
0x5a: {  	_ =	shalt  }
0x5b: {  	_ =	shalt  }
0x5c: {  	_ =	shalt  }
0x5d: {  	_ =	shalt  }
0x5e: {  	_ =	shalt  }
0x5f: {  	_ =	shalt  }
0x60: {  	_ =	shalt  }
0x61: {  	_ =	shalt  }
0x62: {  	_ =	shalt  }
0x63: {  	_ =	shalt  }
0x64: {  	_ =	shalt  }
0x65: {  	_ =	shalt  }
0x66: {  	_ =	shalt  }
0x67: {  	_ =	shalt  }
0x68: {  	_ =	shalt  }
0x69: {  	_ =	shalt  }
0x6a: {  	_ =	shalt  }
0x6b: {  	_ =	shalt  }
0x6c: {  	_ =	shalt  }
0x6d: {  	_ =	shalt  }
0x6e: {  	_ =	shalt  }
0x6f: {  	_ =	shalt  }
0x70: {  	_ =	shalt  }
0x71: {  	_ =	shalt  }
0x72: {  	_ =	shalt  }
0x73: {  	_ =	shalt  }
0x74: {  	_ =	shalt  }
0x75: {  	_ =	shalt  }
0x76: {  	_ =	shalt  }
0x77: {  	_ =	shalt  }
0x78: {  	_ =	shalt  }
0x79: {  	_ =	shalt  }
0x7a: {  	_ =	shalt  }
0x7b: {  	_ =	shalt  }
0x7c: {  	_ =	shalt  }
0x7d: {  	_ =	shalt  }
0x7e: {  	_ =	shalt  }
0x7f: {  	_ =	shalt  }
0x80: {  	_ =	shalt  }
0x81: {  	_ =	shalt  }
0x82: {  	_ =	shalt  }
0x83: {  	_ =	shalt  }
0x84: {  	_ =	shalt  }
0x85: {  	_ =	shalt  }
0x86: {  	_ =	shalt  }
0x87: {  	_ =	shalt  }
.Lfunc_end0:
.L_simem_size_0:
called_computation_lowered:
.L_overlay_start_0:
0x88: {  	s2 =	sld [smem:$0x3FD9]  }
0x89: {  	s3 =	sld [smem:$0x3FFE];
	_ =	sdelay $0x1  }
0x8a: {  	s1 =	srdreg.scid  }
0x8b: {  	s0 =	sand.u32 $0x1, s1  }
0x8c: {  	s17 =	sshll.u32 s0, $0xA;
	s2 =	sadd.s32 s3, s2  }
0x8d: {  	s2 =	sadd.s32 s2, s17  }
0x8e: {  	[smem:$0x3FC5] =	sst s2  }
0x8f: {  	_ = 	snop  }
0x90: {  	s2 =	sld [smem:$0x3FC9]  }
0x91: {  	s18 =	sld [smem:$0x3FD0];
	(tm) =	ssettm $0x1  }
0x92: {  	s4 =	sld [smem:$0x3FFB];
	_ =	sdelay $0x3  }
0x93: {  	_ =	strace s4  }
0x94: {  	s4 =	sld [smem:$0x3FFC];
	_ =	sdelay $0x3  }
0x95: {  	_ =	strace s4  }
0x96: {  	s4 =	sld [smem:$0x3FFD];
	_ =	sdelay $0x3  }
0x97: {  	_ =	strace s4  }
0x98: {  	_ =	strace $0x8FFFFFFF  }
0x99: {  	s19 =	sld [smem:$0x3FDB];
	_ =	sdelay $0x1  }
0x9a: {  	s5 =	simm.s32 $_scs_section_size  }
0x9b: {  	s6 =	simm.s32 $_size__tile_overlayer_lowered;
	s7 =	simm.s32 $_tile_overlayer_lowered  }
0x9c: {  	s22 =	simm.s32 $0x1BFF;
	s21 =	sshll.u32 s7, $0x1;
	s4 =	sadd.s32 s5, s19  }
0x9d: {  	s8 =	simm.s32 $0x0;
	s20 =	sshll.u32 s6, $0x1;
	s6 =	sadd.s32 s21, s4  }
0x9e: {  	[timem:s8], [sflag:s22] =	dma.local [hbm:s6], s20  }
0x9f: {  	_ =	swait.ge [sflag:s22], s20  }
0xa0: {  	s5 =	ssub.s32 $0x0, s20;
	[sflag:s22] =	ssyncset.done $0x0  }
0xa1: {  	[sflag:s22] =	ssyncadd.s32 s5;
	_ =	sdelay $0x1  }
0xa2: {  	s23 =	simm.s32 $0x1B8B  }
0xa3: {  	_ =	swait.ge [sflag:s23], $0x1  }
0xa4: {  	[sflag:s23] =	ssyncset.done $0x0  }
0xa5: {  	s25 =	simm.s32 $0x1B8E;
	s24 =	sld [smem:$0x3FFE];
	[sflag:s23] =	ssyncadd.s32 $0xFFFFFFFF  }
0xa6: {  	s26 =	simm.s32 $execute0_lowered;
	[smem:$0x3FD2] =	sst s25  }
0xa7: {  	s6 =	sshll.u32 s26, $0x1;
	_ =	strace $0x80000046;
	[dreg:$0x1] =	wrdreg $0xFFFFFFFF  }
0xa8: {  	s28 =	simm.s32 $_size_execute0_lowered;
	s4 =	sadd.s32 s4, s6;
	[dreg:$0x0] =	wrdreg $0x0  }
0xa9: {  	s6 =	sshll.u32 s28, $0x1;
	[dreg:$0x2] =	wrdreg s4  }
0xaa: {  	[dreg:$0x3] =	wrdreg s6  }
0xab: {  	[dreg:$0x4] =	wrdreg $0xC0  }
0xac: {  	_ =	task [dreg:s8], $0x5FFFF  }
0xad: {  	[dreg:$0x1] =	wrdreg $0xFFFFFFFF  }
0xae: {  	[dreg:$0x0] =	wrdreg $0x60  }
0xaf: {  	[dreg:$0x2] =	wrdreg s2  }
0xb0: {  	[dreg:$0x3] =	wrdreg s24  }
0xb1: {  	[dreg:$0x4] =	wrdreg s18  }
0xb2: {  	[dreg:$0x5] =	wrdreg $0x9  }
0xb3: {  	_ =	task.clear_ibuf [dreg:s8], $0x6FFFF;
	_ =	strace $0x90000046  }
0xb4: {  	s29 =	simm.s32 $0x9;
	_ =	strace $0x80000048  }
0xb5: {  	_ =	swait.ge [sflag:s29], $0x1  }
0xb6: {  	[sflag:s29] =	ssyncadd.s32 $0xFFFFFFFF  }
0xb7: {  	_ =	strace $0x90000048  }
0xb8: {  	_ =	sfence  }
0xb9: {  	s30 =	sld [smem:$0x0];
	_ =	sdelay $0x2  }
0xba: {  	s31 =	sshll.u32 s1, $0xD;
	s1 =	sshrl.u32 s1, $0x2  }
0xbb: {  	s3 =	sand.u32 $0x4000, s31;
	s1 =	sadd.s32 s1, s30  }
0xbc: {  	s0 =	sor.u32 s3, s0;
	s1 =	sshll.u32 s1, $0x11  }
0xbd: {  	s0 =	sor.u32 s1, s0  }
0xbe: {  	s0 =	sadd.s32 $0x8F2B, s0  }
0xbf: {  	[sflag:s0] =	ssyncadd.remote.s32 $0x1  }
0xc0: {  	_ =	sfence.sel $0xFFFF  }
0xc1: {  	[dreg:$0x0] =	wrdreg $0xFFFFFFFF;
	(pc) =	sbr.abs _section_cstart, $3  }
0xc2: {  	[dreg:$0x1] =	wrdreg $0xFFFFFFFF  }
0xc3: {  	_ =	task.clear_ibuf [dreg:s8], $0x2FFFF;
	_ =	strace $0x9FFFFFFF  }
0xc4: {  	(tm) =	ssettm $0x7FFFFFFF  }
0xc5: {  	_ =	shalt  }
tec
execute0_lowered:
.L_overlay_start_1:
0x0: {  	(tag) =	ssettag $0x1  }
0x1: {  	s0 =	rddreg [dreg:$0x0]  }
0x2: {  	s2 =	rddreg [dreg:$0x1]  }
0x3: {  	s1 =	rddreg [dreg:$0x2];
	s3 =	simm.s32 $0x0;
	s26 =	srdreg.scid  }
0x4: {  	s4 =	stileid.u32;
	s9 =	simm.s32 $0x400;
	s10 =	simm.s32 $0x8000  }
0x5: {  	s12 =	simm.s32 $0x6400;
	s13 =	simm.s32 $0x20;
	s15 =	simm.s32 $0x9880  }
0x6: {  	s23 =	simm.s32 $0xD880;
	s21 =	simm.s32 $0x15880;
	s16 =	simm.s32 $0x19880  }
0x7: {  	s20 =	simm.s32 $0xC;
	s22 =	simm.s32 $0x11;
	s24 =	simm.s32 $0xD  }
0x8: {  	s25 =	simm.s32 $0xE;
	s28 =	simm.s32 $0x10;
	s29 =	simm.s32 $0x12  }
0x9: {  	[smem:$0x7FF] =	sst s3;
	s3 =	sand.u32 $0x1, s26;
	s5 =	sshll.u32 s4, $0xB  }
0xa: {  	v0 =	vlaneseq.u32;
	s4 =	sadd.s32 $0xF42A00, s2;
	s6 =	ssub.s32 $0x2, s3;
	s3 =	sshll.u32 s3, $0xA  }
0xb: {  	s2 =	sadd.s32 $0x600, s2;
	v1 =	vmul.u32 $0x80, v0;
	v9 =	vor.u32 $0x10, v0;
	v10 =	vor.u32 $0x20, v0;
	s26 =	simm.s32 $0xF;
	s5 =	sor.u32 s3, s5  }
0xc: {  	v11 =	vor.u32 $0x30, v0;
	v12 =	vor.u32 $0x40, v0;
	v13 =	vor.u32 $0x50, v0;
	_ =	strace $0x80000047;
	s7 =	sshrl.u32 s6, $0x1;
	s3 =	sshrl.u32 s5, $0x3  }
0xd: {  	v14 =	vor.u32 $0x60, v0;
	v15 =	vor.u32 $0x70, v0;
	[dreg:$0x4] =	wrdreg s2;
	v2 =	vor.u32 $0x800, v1;
	s30 =	ssub.s32 s6, s7;
	s0 =	sadd.s32 s0, s3  }
0xe: {  	v3 =	vor.u32 $0x1000, v1;
	v4 =	vor.u32 $0x1800, v1;
	v5 =	vor.u32 $0x2000, v1;
	s6 =	simm.s32 $0x1B880;
	s31 =	smax.u32 s30, $0x1;
	[dreg:$0x5] =	wrdreg s0  }
0xf: {  	v6 =	vor.u32 $0x2800, v1;
	v7 =	vor.u32 $0x3000, v1;
	v8 =	vor.u32 $0x3800, v1;
	s3 =	simm.s32 $0x0;
	[dreg:$0x6] =	wrdreg s31;
	s0 =	simm.s32 $0x11880  }
.LBB2_1:
0x10: {  	[dreg:$0x7] =	wrdreg s3  }
0x11: {  	s2 =	simm.s32 $0x0;
	s14 =	rddreg [dreg:$0x5];
	s7 =	simm.s32 $0x13  }
0x12: {  	[tilespmem:s2], [sflag:$0x13] =	stream.strided.gather [hbm4b:s14+s9], $0x6400, s10, s9, $0x38;
	[tilespmem:$0x1D880] =	vst v63  }
0x13: {  	_ =	swait.ge [sflag:s7], $0x6400  }
0x14: {  	[sflag:s7] =	ssyncset.done $0x0  }
0x15: {  	s17 =	rddreg [dreg:$0x4];
	[sflag:s7] =	ssyncadd.s32 $0xFFFF9C00  }
0x16: {  	[tilespmem:s12], [sflag:$0x13] =	stream.linear.gather [hbm4b:s17+s2], $0x3200, $0x38;
	[tilespmem:$0x1D880] =	vst v63  }
0x17: {  	_ =	swait.ge [sflag:s7], $0x3200  }
0x18: {  	[sflag:s7] =	ssyncset.done $0x0  }
0x19: {  	[sflag:s7] =	ssyncadd.s32 $0xFFFFCE00  }
0x1a: {  	v16 =	vld [tilespmem:$0x0]  }
0x1b: {  	v17 =	vld [tilespmem:$0x10]  }
0x1c: {  	v18 =	vld [tilespmem:$0x20]  }
0x1d: {  	v19 =	vld [tilespmem:$0x30]  }
0x1e: {  	v20 =	vld [tilespmem:$0x40]  }
0x1f: {  	v21 =	vld [tilespmem:$0x50];
	v16 =	vshrl.u32 v16, $0x1  }
0x20: {  	[tilespmem:$0x9680] =	vst v16;
	v16 =	vshrl.u32 v17, $0x1;
	v17 =	vld [tilespmem:$0x60]  }
0x21: {  	v53 =	vld [tilespmem:$0x70];
	[tilespmem:$0x9690] =	vst v16;
	v16 =	vshrl.u32 v18, $0x1  }
0x22: {  	[tilespmem:$0x96A0] =	vst v16;
	v16 =	vshrl.u32 v19, $0x1  }
0x23: {  	[tilespmem:$0x96B0] =	vst v16;
	v16 =	vshrl.u32 v20, $0x1  }
0x24: {  	[tilespmem:$0x96C0] =	vst v16;
	v16 =	vshrl.u32 v21, $0x1  }
0x25: {  	[tilespmem:$0x96D0] =	vst v16;
	v16 =	vshrl.u32 v17, $0x1  }
0x26: {  	[tilespmem:$0x96E0] =	vst v16;
	v16 =	vshrl.u32 v53, $0x1  }
0x27: {  	s18 =	simm.s32 $0x9680;
	[tilespmem:$0x96F0] =	vst v16  }
0x28: {  	[tilespmem:s15], [sflag:$0x1] =	stream.indirect.gather [hbm4b:s4+s13], $0x80, s18, s13, $0xb8;
	[tilespmem:$0x1D880] =	vst v63  }
0x29: {  	s19 =	simm.s32 $0x96A0;
	s31 =	simm.s32 $0xA880  }
0x2a: {  	[tilespmem:s31], [sflag:$0x2] =	stream.indirect.gather [hbm4b:s4+s13], $0x80, s19, s13, $0xb8;
	[tilespmem:$0x1D880] =	vst v63  }
0x2b: {  	s3 =	simm.s32 $0x96C0;
	s7 =	simm.s32 $0xB880  }
0x2c: {  	[tilespmem:s7], [sflag:$0x3] =	stream.indirect.gather [hbm4b:s4+s13], $0x80, s3, s13, $0xb8;
	[tilespmem:$0x1D880] =	vst v63  }
0x2d: {  	s8 =	simm.s32 $0x96E0;
	s11 =	simm.s32 $0xC880  }
0x2e: {  	[tilespmem:s11], [sflag:$0x4] =	stream.indirect.gather [hbm4b:s4+s13], $0x80, s8, s13, $0xb8;
	[tilespmem:$0x1D880] =	vst v63  }
0x2f: {  	v16 =	vld [tilespmem:$0x80]  }
0x30: {  	v17 =	vld [tilespmem:$0x90]  }
0x31: {  	v54 =	vld [tilespmem:$0xA0]  }
0x32: {  	v55 =	vld [tilespmem:$0xB0]  }
0x33: {  	v56 =	vld [tilespmem:$0xC0]  }
0x34: {  	v57 =	vld [tilespmem:$0xD0];
	v16 =	vshrl.u32 v16, $0x1  }
0x35: {  	[tilespmem:$0x9700] =	vst v16;
	v16 =	vshrl.u32 v17, $0x1;
	v17 =	vld [tilespmem:$0xE0]  }
0x36: {  	v58 =	vld [tilespmem:$0xF0];
	[tilespmem:$0x9710] =	vst v16;
	v16 =	vshrl.u32 v54, $0x1  }
0x37: {  	[tilespmem:$0x9720] =	vst v16;
	v16 =	vshrl.u32 v55, $0x1  }
0x38: {  	[tilespmem:$0x9730] =	vst v16;
	v16 =	vshrl.u32 v56, $0x1  }
0x39: {  	[tilespmem:$0x9740] =	vst v16;
	v16 =	vshrl.u32 v57, $0x1  }
0x3a: {  	[tilespmem:$0x9750] =	vst v16;
	v16 =	vshrl.u32 v17, $0x1  }
0x3b: {  	[tilespmem:$0x9760] =	vst v16;
	v16 =	vshrl.u32 v58, $0x1  }
0x3c: {  	s14 =	simm.s32 $0x9700;
	[tilespmem:$0x9770] =	vst v16  }
0x3d: {  	[tilespmem:s23], [sflag:$0x5] =	stream.indirect.gather [hbm4b:s4+s13], $0x80, s14, s13, $0xb8;
	[tilespmem:$0x1D880] =	vst v63  }
0x3e: {  	s17 =	simm.s32 $0x9720;
	s18 =	simm.s32 $0xE880  }
0x3f: {  	[tilespmem:s18], [sflag:$0x6] =	stream.indirect.gather [hbm4b:s4+s13], $0x80, s17, s13, $0xb8;
	[tilespmem:$0x1D880] =	vst v63  }
0x40: {  	s19 =	simm.s32 $0x9740;
	s31 =	simm.s32 $0xF880  }
0x41: {  	[tilespmem:s31], [sflag:$0x7] =	stream.indirect.gather [hbm4b:s4+s13], $0x80, s19, s13, $0xb8;
	[tilespmem:$0x1D880] =	vst v63  }
0x42: {  	s3 =	simm.s32 $0x9760;
	s7 =	simm.s32 $0x10880  }
0x43: {  	[tilespmem:s7], [sflag:$0x8] =	stream.indirect.gather [hbm4b:s4+s13], $0x80, s3, s13, $0xb8;
	[tilespmem:$0x1D880] =	vst v63  }
0x44: {  	v16 =	vld [tilespmem:$0x100]  }
0x45: {  	v17 =	vld [tilespmem:$0x110]  }
0x46: {  	v59 =	vld [tilespmem:$0x120]  }
0x47: {  	v60 =	vld [tilespmem:$0x130]  }
0x48: {  	v61 =	vld [tilespmem:$0x140]  }
0x49: {  	v62 =	vld [tilespmem:$0x150];
	v16 =	vshrl.u32 v16, $0x1  }
0x4a: {  	[tilespmem:$0x9780] =	vst v16;
	v16 =	vshrl.u32 v17, $0x1;
	v17 =	vld [tilespmem:$0x160]  }
0x4b: {  	v63 =	vld [tilespmem:$0x170];
	[tilespmem:$0x9790] =	vst v16;
	v16 =	vshrl.u32 v59, $0x1  }
0x4c: {  	[tilespmem:$0x97A0] =	vst v16;
	v16 =	vshrl.u32 v60, $0x1  }
0x4d: {  	[tilespmem:$0x97B0] =	vst v16;
	v16 =	vshrl.u32 v61, $0x1  }
0x4e: {  	[tilespmem:$0x97C0] =	vst v16;
	v16 =	vshrl.u32 v62, $0x1  }
0x4f: {  	[tilespmem:$0x97D0] =	vst v16;
	v16 =	vshrl.u32 v17, $0x1  }
0x50: {  	[tilespmem:$0x97E0] =	vst v16;
	v16 =	vshrl.u32 v63, $0x1  }
0x51: {  	s8 =	simm.s32 $0x9780;
	[tilespmem:$0x97F0] =	vst v16  }
0x52: {  	[tilespmem:s0], [sflag:$0x9] =	stream.indirect.gather [hbm4b:s4+s13], $0x80, s8, s13, $0xb8;
	[tilespmem:$0x1D880] =	vst v63  }
0x53: {  	s11 =	simm.s32 $0x97A0;
	s14 =	simm.s32 $0x12880  }
0x54: {  	[tilespmem:s14], [sflag:$0xA] =	stream.indirect.gather [hbm4b:s4+s13], $0x80, s11, s13, $0xb8;
	[tilespmem:$0x1D880] =	vst v63  }
0x55: {  	s17 =	simm.s32 $0x97C0;
	s18 =	simm.s32 $0x13880  }
0x56: {  	[tilespmem:s18], [sflag:$0xB] =	stream.indirect.gather [hbm4b:s4+s13], $0x80, s17, s13, $0xb8;
	[tilespmem:$0x1D880] =	vst v63  }
0x57: {  	s30 =	simm.s32 $0x0;
	s19 =	simm.s32 $0x97E0;
	s31 =	simm.s32 $0x14880  }
0x58: {  	[tilespmem:s31], [sflag:$0xC] =	stream.indirect.gather [hbm4b:s4+s13], $0x80, s19, s13, $0xb8;
	[tilespmem:$0x1D880] =	vst v63  }
.LBB2_2:
0x59: {  	s31 =	sshllo.u32 s30, $0x2  }
0x5a: {  	s2 =	sshll.u32 s31, $0x7  }
0x5b: {  	s2 =	sand.u32 $0x3FFFFF80, s2  }
0x5c: {  	v16 =	vld [tilespmem:s2+$0x0];
	_ =	sdelay $0x4  }
0x5d: {  	v16 =	vshrl.u32 v16, $0x1  }
0x5e: {  	[tilespmem:$0x9800] =	vst v16  }
0x5f: {  	v16 =	vld [tilespmem:s2+$0x10];
	_ =	sdelay $0x4  }
0x60: {  	v16 =	vshrl.u32 v16, $0x1  }
0x61: {  	[tilespmem:$0x9810] =	vst v16  }
0x62: {  	v16 =	vld [tilespmem:s2+$0x20];
	_ =	sdelay $0x4  }
0x63: {  	v16 =	vshrl.u32 v16, $0x1  }
0x64: {  	[tilespmem:$0x9820] =	vst v16  }
0x65: {  	v16 =	vld [tilespmem:s2+$0x30];
	_ =	sdelay $0x4  }
0x66: {  	v16 =	vshrl.u32 v16, $0x1  }
0x67: {  	[tilespmem:$0x9830] =	vst v16  }
0x68: {  	v16 =	vld [tilespmem:s2+$0x40];
	_ =	sdelay $0x4  }
0x69: {  	v16 =	vshrl.u32 v16, $0x1  }
0x6a: {  	[tilespmem:$0x9840] =	vst v16  }
0x6b: {  	v16 =	vld [tilespmem:s2+$0x50];
	_ =	sdelay $0x4  }
0x6c: {  	v16 =	vshrl.u32 v16, $0x1  }
0x6d: {  	[tilespmem:$0x9850] =	vst v16  }
0x6e: {  	v16 =	vld [tilespmem:s2+$0x60];
	_ =	sdelay $0x4  }
0x6f: {  	v16 =	vshrl.u32 v16, $0x1  }
0x70: {  	[tilespmem:$0x9860] =	vst v16  }
0x71: {  	v16 =	vld [tilespmem:s2+$0x70];
	_ =	sdelay $0x4  }
0x72: {  	v16 =	vshrl.u32 v16, $0x1  }
0x73: {  	s3 =	simm.s32 $0x9800;
	[tilespmem:$0x9870] =	vst v16  }
0x74: {  	[tilespmem:s21], [sflag:$0xD] =	stream.indirect.gather [hbm4b:s4+s13], $0x80, s3, s13, $0xb8;
	[tilespmem:$0x1D880] =	vst v63  }
0x75: {  	s19 =	simm.s32 $0x9820;
	s7 =	simm.s32 $0x16880  }
0x76: {  	[tilespmem:s7], [sflag:$0xE] =	stream.indirect.gather [hbm4b:s4+s13], $0x80, s19, s13, $0xb8;
	[tilespmem:$0x1D880] =	vst v63  }
0x77: {  	s8 =	simm.s32 $0x17880;
	s7 =	simm.s32 $0x9840  }
0x78: {  	[tilespmem:s8], [sflag:$0xF] =	stream.indirect.gather [hbm4b:s4+s13], $0x80, s7, s13, $0xb8;
	[tilespmem:$0x1D880] =	vst v63  }
0x79: {  	s11 =	simm.s32 $0x9860;
	s14 =	simm.s32 $0x18880;
	s17 =	simm.s32 $0x1  }
0x7a: {  	[tilespmem:s14], [sflag:$0x10] =	stream.indirect.gather [hbm4b:s4+s13], $0x80, s11, s13, $0xb8;
	[tilespmem:$0x1D880] =	vst v63  }
0x7b: {  	_ =	swait.ge [sflag:s17], $0x1000  }
0x7c: {  	[sflag:s17] =	ssyncset.done $0x0  }
0x7d: {  	s18 =	simm.s32 $0x2;
	[sflag:s17] =	ssyncadd.s32 $0xFFFFF000  }
0x7e: {  	_ =	swait.ge [sflag:s18], $0x1000  }
0x7f: {  	[sflag:s18] =	ssyncset.done $0x0  }
0x80: {  	s19 =	simm.s32 $0x3;
	[sflag:s18] =	ssyncadd.s32 $0xFFFFF000  }
0x81: {  	_ =	swait.ge [sflag:s19], $0x1000  }
0x82: {  	[sflag:s19] =	ssyncset.done $0x0  }
0x83: {  	s7 =	simm.s32 $0x4;
	[sflag:s19] =	ssyncadd.s32 $0xFFFFF000  }
0x84: {  	_ =	swait.ge [sflag:s7], $0x1000  }
0x85: {  	p1 =	seq.s32 s30, $0x0;
	[sflag:s7] =	ssyncset.done $0x0  }
0x86: {  	s3 =	simm.s32 @!p1 $0x11;
	[sflag:s7] =	ssyncadd.s32 $0xFFFFF000  }
0x87: {  	_ =	swait.ge @!p1 [sflag:s3], $0x2000  }
0x88: {  	s8 =	sshll.u32 s30, $0x9;
	[sflag:s3] =	ssyncset.done @!p1 $0x0  }
0x89: {  	s14 =	sand.u32 $0x3FFFFE00, s8;
	[sflag:s3] =	ssyncadd.s32 @!p1 $0xFFFFE000  }
0x8a: {  	v16 =	vld [tilespmem:s14+$0x0];
	_ =	sdelay $0x1  }
0x8b: {  	s18 =	simm.s32 $0x0  }
0x8c: {  	s11 =	sand.u32 $0xE, s18  }
0x8d: {  	v17 =	vadd.s32 s11, v0  }
0x8e: {  	s17 =	sand.u32 $0x30, s18;
	s19 =	sshll.u32 s30, $0x8;
	v17 =	vand.u32 $0xF, v17;
	v18 =	vshll.u32 v16, $0x6  }
0x8f: {  	v25 =	vor.u32 s17, v17;
	v16 =	vmov s19;
	v18 =	vand.u32 $0x40, v18  }
0x90: {  	v17 =	vor.u32 v1, v18;
	v18 =	vor.u32 v16, v25  }
0x91: {  	v19 =	vld [tilespmem:s14+$0x10];
	v20 =	vor.u32 v25, v17;
	_ =	sdelay $0x3  }
0x92: {  	v26 =	vld.idx.msk [tilespmem:v18+s12+$0x0], $0xffff  }
0x93: {  	v18 =	vshll.u32 v19, $0x6;
	v19 =	vld.idx.msk [tilespmem:v20+s15+$0x0], $0xffff  }
0x94: {  	v27 =	vshll.u32 v25, $0x7;
	v18 =	vand.u32 $0x40, v18  }
0x95: {  	v22 =	vor.u32 v0, v27;
	v21 =	vld [tilespmem:s14+$0x30];
	v18 =	vor.u32 v2, v18  }
0x96: {  	v20 =	vld [tilespmem:s14+$0x20];
	v24 =	vor.u32 v25, v18  }
0x97: {  	v23 =	vld [tilespmem:s14+$0x40]  }
0x98: {  	v28 =	vld [tilespmem:s14+$0x50];
	v19 =	vadd.f32 v19, v26  }
0x99: {  	v29 =	vld [tilespmem:s14+$0x60]  }
0x9a: {  	v30 =	vld [tilespmem:s14+$0x70];
	[tilespmem:v22+s16+$0x0] =	vst.idx.msk $0xffff, v19  }
0x9b: {  	v19 =	vshll.u32 v20, $0x6;
	v20 =	vld.idx.msk [tilespmem:v24+s15+$0x0], $0xffff  }
0x9c: {  	v19 =	vand.u32 $0x40, v19  }
0x9d: {  	v22 =	vor.u32 v9, v27;
	v19 =	vor.u32 v3, v19  }
0x9e: {  	v24 =	vor.u32 v25, v19;
	_ =	sdelay $0x1  }
0x9f: {  	v20 =	vadd.f32 v20, v26;
	_ =	sdelay $0x1  }
0xa0: {  	[tilespmem:v22+s16+$0x0] =	vst.idx.msk $0xffff, v20  }
0xa1: {  	v20 =	vshll.u32 v21, $0x6;
	v21 =	vld.idx.msk [tilespmem:v24+s15+$0x0], $0xffff  }
0xa2: {  	v20 =	vand.u32 $0x40, v20  }
0xa3: {  	v22 =	vor.u32 v10, v27;
	v20 =	vor.u32 v4, v20  }
0xa4: {  	v24 =	vor.u32 v25, v20;
	_ =	sdelay $0x1  }
0xa5: {  	v21 =	vadd.f32 v21, v26;
	_ =	sdelay $0x1  }
0xa6: {  	[tilespmem:v22+s16+$0x0] =	vst.idx.msk $0xffff, v21  }
0xa7: {  	v21 =	vshll.u32 v23, $0x6;
	v22 =	vld.idx.msk [tilespmem:v24+s15+$0x0], $0xffff  }
0xa8: {  	v21 =	vand.u32 $0x40, v21  }
0xa9: {  	v23 =	vor.u32 v11, v27;
	v21 =	vor.u32 v5, v21  }
0xaa: {  	v24 =	vor.u32 v25, v21;
	_ =	sdelay $0x1  }
0xab: {  	v22 =	vadd.f32 v22, v26;
	_ =	sdelay $0x1  }
0xac: {  	[tilespmem:v23+s16+$0x0] =	vst.idx.msk $0xffff, v22  }
0xad: {  	v22 =	vshll.u32 v28, $0x6;
	v23 =	vld.idx.msk [tilespmem:v24+s15+$0x0], $0xffff  }
0xae: {  	v22 =	vand.u32 $0x40, v22  }
0xaf: {  	v24 =	vor.u32 v12, v27;
	v22 =	vor.u32 v6, v22  }
0xb0: {  	v28 =	vor.u32 v25, v22;
	_ =	sdelay $0x1  }
0xb1: {  	v23 =	vadd.f32 v23, v26;
	_ =	sdelay $0x1  }
0xb2: {  	[tilespmem:v24+s16+$0x0] =	vst.idx.msk $0xffff, v23  }
0xb3: {  	v23 =	vshll.u32 v29, $0x6;
	v24 =	vld.idx.msk [tilespmem:v28+s15+$0x0], $0xffff  }
0xb4: {  	v23 =	vand.u32 $0x40, v23  }
0xb5: {  	v28 =	vor.u32 v13, v27;
	v23 =	vor.u32 v7, v23  }
0xb6: {  	v29 =	vor.u32 v25, v23;
	_ =	sdelay $0x1  }
0xb7: {  	v24 =	vadd.f32 v24, v26;
	_ =	sdelay $0x1  }
0xb8: {  	[tilespmem:v28+s16+$0x0] =	vst.idx.msk $0xffff, v24  }
0xb9: {  	v24 =	vshll.u32 v30, $0x6;
	v28 =	vld.idx.msk [tilespmem:v29+s15+$0x0], $0xffff  }
0xba: {  	v24 =	vand.u32 $0x40, v24  }
0xbb: {  	v29 =	vor.u32 v14, v27;
	v24 =	vor.u32 v8, v24  }
0xbc: {  	v25 =	vor.u32 v25, v24;
	_ =	sdelay $0x1  }
0xbd: {  	v28 =	vadd.f32 v28, v26;
	_ =	sdelay $0x1  }
0xbe: {  	s3 =	sor.u32 $0x1, s11;
	[tilespmem:v29+s16+$0x0] =	vst.idx.msk $0xffff, v28  }
0xbf: {  	v28 =	vadd.s32 s3, v0;
	v25 =	vld.idx.msk [tilespmem:v25+s15+$0x0], $0xffff  }
0xc0: {  	v28 =	vand.u32 $0xF, v28  }
0xc1: {  	v27 =	vor.u32 v15, v27;
	v29 =	vor.u32 s17, v28  }
0xc2: {  	v28 =	vor.u32 v16, v29  }
0xc3: {  	v30 =	vor.u32 v29, v17  }
0xc4: {  	v25 =	vadd.f32 v25, v26;
	_ =	sdelay $0x1  }
0xc5: {  	[tilespmem:v27+s16+$0x0] =	vst.idx.msk $0xffff, v25  }
0xc6: {  	v27 =	vld.idx.msk [tilespmem:v28+s12+$0x0], $0xffff  }
0xc7: {  	v26 =	vld.idx.msk [tilespmem:v30+s15+$0x0], $0xffff  }
0xc8: {  	v25 =	vshll.u32 v29, $0x7  }
0xc9: {  	v28 =	vor.u32 v0, v25  }
0xca: {  	v30 =	vor.u32 v29, v18;
	_ =	sdelay $0x1  }
0xcb: {  	v26 =	vadd.f32 v26, v27;
	_ =	sdelay $0x1  }
0xcc: {  	[tilespmem:v28+s16+$0x0] =	vst.idx.msk $0xffff, v26  }
0xcd: {  	v26 =	vld.idx.msk [tilespmem:v30+s15+$0x0], $0xffff;
	_ =	sdelay $0x1  }
0xce: {  	v28 =	vor.u32 v9, v25  }
0xcf: {  	v30 =	vor.u32 v29, v19;
	_ =	sdelay $0x1  }
0xd0: {  	v26 =	vadd.f32 v26, v27;
	_ =	sdelay $0x1  }
0xd1: {  	[tilespmem:v28+s16+$0x0] =	vst.idx.msk $0xffff, v26  }
0xd2: {  	v26 =	vld.idx.msk [tilespmem:v30+s15+$0x0], $0xffff;
	_ =	sdelay $0x1  }
0xd3: {  	v28 =	vor.u32 v10, v25  }
0xd4: {  	v30 =	vor.u32 v29, v20;
	_ =	sdelay $0x1  }
0xd5: {  	v26 =	vadd.f32 v26, v27;
	_ =	sdelay $0x1  }
0xd6: {  	[tilespmem:v28+s16+$0x0] =	vst.idx.msk $0xffff, v26  }
0xd7: {  	v26 =	vld.idx.msk [tilespmem:v30+s15+$0x0], $0xffff;
	_ =	sdelay $0x1  }
0xd8: {  	v28 =	vor.u32 v11, v25  }
0xd9: {  	v30 =	vor.u32 v29, v21;
	_ =	sdelay $0x1  }
0xda: {  	v26 =	vadd.f32 v26, v27;
	_ =	sdelay $0x1  }
0xdb: {  	[tilespmem:v28+s16+$0x0] =	vst.idx.msk $0xffff, v26  }
0xdc: {  	v26 =	vld.idx.msk [tilespmem:v30+s15+$0x0], $0xffff;
	_ =	sdelay $0x1  }
0xdd: {  	v28 =	vor.u32 v12, v25  }
0xde: {  	v30 =	vor.u32 v29, v22;
	_ =	sdelay $0x1  }
0xdf: {  	v26 =	vadd.f32 v26, v27;
	_ =	sdelay $0x1  }
0xe0: {  	[tilespmem:v28+s16+$0x0] =	vst.idx.msk $0xffff, v26  }
0xe1: {  	v26 =	vld.idx.msk [tilespmem:v30+s15+$0x0], $0xffff;
	_ =	sdelay $0x1  }
0xe2: {  	v28 =	vor.u32 v13, v25  }
0xe3: {  	v30 =	vor.u32 v29, v23;
	_ =	sdelay $0x1  }
0xe4: {  	v26 =	vadd.f32 v26, v27;
	_ =	sdelay $0x1  }
0xe5: {  	[tilespmem:v28+s16+$0x0] =	vst.idx.msk $0xffff, v26  }
0xe6: {  	v30 =	vld.idx.msk [tilespmem:v30+s15+$0x0], $0xffff;
	_ =	sdelay $0x1  }
0xe7: {  	v28 =	vor.u32 v14, v25  }
0xe8: {  	v26 =	vor.u32 v29, v24;
	_ =	sdelay $0x1  }
0xe9: {  	s17 =	sshll.u32 s30, $0x2;
	v29 =	vadd.f32 v30, v27  }
.LBB2_3:
0xea: {  	_ = 	snop  }
0xeb: {  	s18 =	sadd.s32 $0x2, s18;
	[tilespmem:v28+s16+$0x0] =	vst.idx.msk $0xffff, v29  }
0xec: {  	s3 =	sand.u32 $0xE, s18;
	p0 =	slt.u32 s18, $0x3E;
	v28 =	vld.idx.msk [tilespmem:v26+s15+$0x0], $0xffff  }
0xed: {  	v26 =	vadd.s32 s3, v0;
	s3 =	sor.u32 $0x1, s3  }
0xee: {  	s7 =	sand.u32 $0x30, s18;
	v26 =	vand.u32 $0xF, v26;
	v29 =	vadd.s32 s3, v0  }
0xef: {  	v30 =	vor.u32 s7, v26;
	v26 =	vand.u32 $0xF, v29;
	v29 =	vor.u32 v15, v25  }
0xf0: {  	v31 =	vor.u32 v16, v30;
	v32 =	vor.u32 v30, v17;
	v33 =	vshll.u32 v30, $0x7  }
0xf1: {  	v26 =	vor.u32 s7, v26  }
0xf2: {  	v25 =	vshll.u32 v26, $0x7;
	v27 =	vadd.f32 v28, v27;
	_ =	sdelay $0x1  }
0xf3: {  	[tilespmem:v29+s16+$0x0] =	vst.idx.msk $0xffff, v27  }
0xf4: {  	v27 =	vld.idx.msk [tilespmem:v31+s12+$0x0], $0xffff  }
0xf5: {  	v28 =	vld.idx.msk [tilespmem:v32+s15+$0x0], $0xffff;
	_ =	sdelay $0x2  }
0xf6: {  	v29 =	vor.u32 v0, v33  }
0xf7: {  	v31 =	vor.u32 v30, v18;
	_ =	sdelay $0x1  }
0xf8: {  	v28 =	vadd.f32 v28, v27;
	_ =	sdelay $0x1  }
0xf9: {  	[tilespmem:v29+s16+$0x0] =	vst.idx.msk $0xffff, v28  }
0xfa: {  	v28 =	vld.idx.msk [tilespmem:v31+s15+$0x0], $0xffff;
	_ =	sdelay $0x2  }
0xfb: {  	v29 =	vor.u32 v9, v33  }
0xfc: {  	v31 =	vor.u32 v30, v19;
	_ =	sdelay $0x1  }
0xfd: {  	v28 =	vadd.f32 v28, v27;
	_ =	sdelay $0x1  }
0xfe: {  	[tilespmem:v29+s16+$0x0] =	vst.idx.msk $0xffff, v28  }
0xff: {  	v28 =	vld.idx.msk [tilespmem:v31+s15+$0x0], $0xffff;
	_ =	sdelay $0x2  }
0x100: {  	v29 =	vor.u32 v10, v33  }
0x101: {  	v31 =	vor.u32 v30, v20;
	_ =	sdelay $0x1  }
0x102: {  	v28 =	vadd.f32 v28, v27;
	_ =	sdelay $0x1  }
0x103: {  	[tilespmem:v29+s16+$0x0] =	vst.idx.msk $0xffff, v28  }
0x104: {  	v28 =	vld.idx.msk [tilespmem:v31+s15+$0x0], $0xffff;
	_ =	sdelay $0x2  }
0x105: {  	v29 =	vor.u32 v11, v33  }
0x106: {  	v31 =	vor.u32 v30, v21;
	_ =	sdelay $0x1  }
0x107: {  	v28 =	vadd.f32 v28, v27;
	_ =	sdelay $0x1  }
0x108: {  	[tilespmem:v29+s16+$0x0] =	vst.idx.msk $0xffff, v28  }
0x109: {  	v28 =	vld.idx.msk [tilespmem:v31+s15+$0x0], $0xffff;
	_ =	sdelay $0x2  }
0x10a: {  	v29 =	vor.u32 v12, v33  }
0x10b: {  	v31 =	vor.u32 v30, v22;
	_ =	sdelay $0x1  }
0x10c: {  	v28 =	vadd.f32 v28, v27;
	_ =	sdelay $0x1  }
0x10d: {  	[tilespmem:v29+s16+$0x0] =	vst.idx.msk $0xffff, v28  }
0x10e: {  	v28 =	vld.idx.msk [tilespmem:v31+s15+$0x0], $0xffff;
	_ =	sdelay $0x2  }
0x10f: {  	v29 =	vor.u32 v13, v33  }
0x110: {  	v31 =	vor.u32 v30, v23;
	_ =	sdelay $0x1  }
0x111: {  	v28 =	vadd.f32 v28, v27;
	_ =	sdelay $0x1  }
0x112: {  	[tilespmem:v29+s16+$0x0] =	vst.idx.msk $0xffff, v28  }
0x113: {  	v28 =	vld.idx.msk [tilespmem:v31+s15+$0x0], $0xffff;
	_ =	sdelay $0x2  }
0x114: {  	v29 =	vor.u32 v14, v33  }
0x115: {  	v30 =	vor.u32 v30, v24;
	_ =	sdelay $0x1  }
0x116: {  	v28 =	vadd.f32 v28, v27;
	_ =	sdelay $0x1  }
0x117: {  	[tilespmem:v29+s16+$0x0] =	vst.idx.msk $0xffff, v28  }
0x118: {  	v28 =	vld.idx.msk [tilespmem:v30+s15+$0x0], $0xffff;
	_ =	sdelay $0x2  }
0x119: {  	v29 =	vor.u32 v15, v33  }
0x11a: {  	v30 =	vor.u32 v16, v26  }
0x11b: {  	v31 =	vor.u32 v26, v17  }
0x11c: {  	v27 =	vadd.f32 v28, v27;
	_ =	sdelay $0x1  }
0x11d: {  	[tilespmem:v29+s16+$0x0] =	vst.idx.msk $0xffff, v27  }
0x11e: {  	v27 =	vld.idx.msk [tilespmem:v30+s12+$0x0], $0xffff  }
0x11f: {  	v28 =	vld.idx.msk [tilespmem:v31+s15+$0x0], $0xffff;
	_ =	sdelay $0x2  }
0x120: {  	v29 =	vor.u32 v0, v25  }
0x121: {  	v30 =	vor.u32 v26, v18;
	_ =	sdelay $0x1  }
0x122: {  	v28 =	vadd.f32 v28, v27;
	_ =	sdelay $0x1  }
0x123: {  	[tilespmem:v29+s16+$0x0] =	vst.idx.msk $0xffff, v28  }
0x124: {  	v28 =	vld.idx.msk [tilespmem:v30+s15+$0x0], $0xffff;
	_ =	sdelay $0x2  }
0x125: {  	v29 =	vor.u32 v9, v25  }
0x126: {  	v30 =	vor.u32 v26, v19;
	_ =	sdelay $0x1  }
0x127: {  	v28 =	vadd.f32 v28, v27;
	_ =	sdelay $0x1  }
0x128: {  	[tilespmem:v29+s16+$0x0] =	vst.idx.msk $0xffff, v28  }
0x129: {  	v28 =	vld.idx.msk [tilespmem:v30+s15+$0x0], $0xffff;
	_ =	sdelay $0x2  }
0x12a: {  	v29 =	vor.u32 v10, v25  }
0x12b: {  	v30 =	vor.u32 v26, v20;
	_ =	sdelay $0x1  }
0x12c: {  	v28 =	vadd.f32 v28, v27;
	_ =	sdelay $0x1  }
0x12d: {  	[tilespmem:v29+s16+$0x0] =	vst.idx.msk $0xffff, v28  }
0x12e: {  	v28 =	vld.idx.msk [tilespmem:v30+s15+$0x0], $0xffff;
	_ =	sdelay $0x2  }
0x12f: {  	v29 =	vor.u32 v11, v25  }
0x130: {  	v30 =	vor.u32 v26, v21;
	_ =	sdelay $0x1  }
0x131: {  	v28 =	vadd.f32 v28, v27;
	_ =	sdelay $0x1  }
0x132: {  	[tilespmem:v29+s16+$0x0] =	vst.idx.msk $0xffff, v28  }
0x133: {  	v28 =	vld.idx.msk [tilespmem:v30+s15+$0x0], $0xffff;
	_ =	sdelay $0x2  }
0x134: {  	v29 =	vor.u32 v12, v25  }
0x135: {  	v30 =	vor.u32 v26, v22;
	_ =	sdelay $0x1  }
0x136: {  	v28 =	vadd.f32 v28, v27;
	_ =	sdelay $0x1  }
0x137: {  	[tilespmem:v29+s16+$0x0] =	vst.idx.msk $0xffff, v28  }
0x138: {  	v28 =	vld.idx.msk [tilespmem:v30+s15+$0x0], $0xffff;
	_ =	sdelay $0x2  }
0x139: {  	v29 =	vor.u32 v13, v25  }
0x13a: {  	v30 =	vor.u32 v26, v23;
	_ =	sdelay $0x1  }
0x13b: {  	v28 =	vadd.f32 v28, v27;
	_ =	sdelay $0x1  }
0x13c: {  	[tilespmem:v29+s16+$0x0] =	vst.idx.msk $0xffff, v28  }
0x13d: {  	v29 =	vld.idx.msk [tilespmem:v30+s15+$0x0], $0xffff;
	_ =	sdelay $0x1  }
.Ltmp0:
0x13e: {  	(pc) =	sbr.rel @p0 .LBB2_3-.Ltmp0, $3  }
0x13f: {  	v28 =	vor.u32 v14, v25  }
0x140: {  	v26 =	vor.u32 v26, v24;
	_ =	sdelay $0x1  }
0x141: {  	v29 =	vadd.f32 v29, v27  }
0x142: {  	_ =	sdelay $0x3  }
0x143: {  	[tilespmem:v28+s16+$0x0] =	vst.idx.msk $0xffff, v29  }
0x144: {  	v16 =	vld.idx.msk [tilespmem:v26+s15+$0x0], $0xffff;
	_ =	sdelay $0x1  }
0x145: {  	v17 =	vor.u32 v15, v25;
	_ =	sdelay $0x1  }
0x146: {  	s3 =	sshll.u32 s30, $0x14  }
0x147: {  	s3 =	sor.u32 s5, s3;
	v16 =	vadd.f32 v16, v27  }
0x148: {  	s3 =	sshrl.u32 s3, $0x3  }
0x149: {  	p0 =	seq.s32 s30, $0x31;
	s3 =	sadd.s32 s1, s3;
	[tilespmem:v17+s16+$0x0] =	vst.idx.msk $0xffff, v16  }
0x14a: {  	[hbm4b:s3+s9] =	stream.strided.scatter [tilespmem:s16], [sflag:$0x11], $0x2000, s10, s9, $0x38;
	[tilespmem:$0x1D880] =	vst v63  }
0x14b: {  	v16 =	vld @!p0 [tilespmem:s14+$0x200];
	_ =	sdelay $0x4  }
0x14c: {  	v16 =	vshrl.u32 @!p0 v16, $0x1  }
0x14d: {  	[tilespmem:$0x9680] =	vst @!p0 v16  }
0x14e: {  	v16 =	vld @!p0 [tilespmem:s14+$0x210];
	_ =	sdelay $0x4  }
0x14f: {  	v16 =	vshrl.u32 @!p0 v16, $0x1  }
0x150: {  	[tilespmem:$0x9690] =	vst @!p0 v16  }
0x151: {  	v16 =	vld @!p0 [tilespmem:s14+$0x220];
	_ =	sdelay $0x4  }
0x152: {  	v16 =	vshrl.u32 @!p0 v16, $0x1  }
0x153: {  	[tilespmem:$0x96A0] =	vst @!p0 v16  }
0x154: {  	v16 =	vld @!p0 [tilespmem:s14+$0x230];
	_ =	sdelay $0x4  }
0x155: {  	v16 =	vshrl.u32 @!p0 v16, $0x1  }
0x156: {  	[tilespmem:$0x96B0] =	vst @!p0 v16  }
0x157: {  	v16 =	vld @!p0 [tilespmem:s14+$0x240];
	_ =	sdelay $0x4  }
0x158: {  	v16 =	vshrl.u32 @!p0 v16, $0x1  }
0x159: {  	[tilespmem:$0x96C0] =	vst @!p0 v16  }
0x15a: {  	v16 =	vld @!p0 [tilespmem:s14+$0x250];
	_ =	sdelay $0x4  }
0x15b: {  	v16 =	vshrl.u32 @!p0 v16, $0x1  }
0x15c: {  	[tilespmem:$0x96D0] =	vst @!p0 v16  }
0x15d: {  	v16 =	vld @!p0 [tilespmem:s14+$0x260];
	_ =	sdelay $0x4  }
0x15e: {  	v16 =	vshrl.u32 @!p0 v16, $0x1  }
0x15f: {  	[tilespmem:$0x96E0] =	vst @!p0 v16  }
0x160: {  	v16 =	vld @!p0 [tilespmem:s14+$0x270];
	_ =	sdelay $0x4  }
0x161: {  	v16 =	vshrl.u32 @!p0 v16, $0x1  }
0x162: {  	s7 =	simm.s32 @!p0 $0x9680;
	s18 =	simm.s32 @!p0 $0x9880;
	s3 =	simm.s32 @!p0 $0x20;
	[tilespmem:$0x96F0] =	vst @!p0 v16  }
0x163: {  	[tilespmem:s18], [sflag:$0x1] =	stream.indirect.gather @!p0 [hbm4b:s4+s3], $0x80, s7, s3, $0xb8;
	[tilespmem:$0x1D880] =	vst v63  }
0x164: {  	s7 =	simm.s32 @!p0 $0x96A0;
	s18 =	simm.s32 @!p0 $0xA880  }
0x165: {  	[tilespmem:s18], [sflag:$0x2] =	stream.indirect.gather @!p0 [hbm4b:s4+s3], $0x80, s7, s3, $0xb8;
	[tilespmem:$0x1D880] =	vst v63  }
0x166: {  	s7 =	simm.s32 @!p0 $0x96C0;
	s18 =	simm.s32 @!p0 $0xB880  }
0x167: {  	[tilespmem:s18], [sflag:$0x3] =	stream.indirect.gather @!p0 [hbm4b:s4+s3], $0x80, s7, s3, $0xb8;
	[tilespmem:$0x1D880] =	vst v63  }
0x168: {  	s7 =	simm.s32 @!p0 $0x96E0;
	s18 =	simm.s32 @!p0 $0xC880  }
0x169: {  	[tilespmem:s18], [sflag:$0x4] =	stream.indirect.gather @!p0 [hbm4b:s4+s3], $0x80, s7, s3, $0xb8;
	[tilespmem:$0x1D880] =	vst v63  }
0x16a: {  	s7 =	simm.s32 $0x5  }
0x16b: {  	_ =	swait.ge [sflag:s7], $0x1000  }
0x16c: {  	[sflag:s7] =	ssyncset.done $0x0  }
0x16d: {  	s8 =	simm.s32 $0x6;
	[sflag:s7] =	ssyncadd.s32 $0xFFFFF000  }
0x16e: {  	_ =	swait.ge [sflag:s8], $0x1000  }
0x16f: {  	[sflag:s8] =	ssyncset.done $0x0  }
0x170: {  	s11 =	simm.s32 $0x7;
	[sflag:s8] =	ssyncadd.s32 $0xFFFFF000  }
0x171: {  	_ =	swait.ge [sflag:s11], $0x1000  }
0x172: {  	[sflag:s11] =	ssyncset.done $0x0  }
0x173: {  	s18 =	simm.s32 $0x8;
	[sflag:s11] =	ssyncadd.s32 $0xFFFFF000  }
0x174: {  	_ =	swait.ge [sflag:s18], $0x1000  }
0x175: {  	[sflag:s18] =	ssyncset.done $0x0  }
0x176: {  	s3 =	simm.s32 @!p1 $0x12;
	[sflag:s18] =	ssyncadd.s32 $0xFFFFF000  }
0x177: {  	s18 =	sor.u32 $0x1, s17;
	_ =	swait.ge @!p1 [sflag:s3], $0x2000  }
0x178: {  	s19 =	sshll.u32 s18, $0x7;
	[sflag:s3] =	ssyncset.done @!p1 $0x0  }
0x179: {  	s8 =	sand.u32 $0x3FFFFF80, s19;
	[sflag:s3] =	ssyncadd.s32 @!p1 $0xFFFFE000  }
0x17a: {  	v16 =	vld [tilespmem:s8+$0x0];
	_ =	sdelay $0x1  }
0x17b: {  	s19 =	simm.s32 $0x0  }
0x17c: {  	s7 =	sand.u32 $0xE, s19  }
0x17d: {  	v17 =	vadd.s32 s7, v0  }
0x17e: {  	s11 =	sshll.u32 s18, $0x6;
	s3 =	sand.u32 $0x30, s19;
	v17 =	vand.u32 $0xF, v17;
	v18 =	vshll.u32 v16, $0x6  }
0x17f: {  	v25 =	vor.u32 s3, v17;
	v16 =	vmov s11;
	v18 =	vand.u32 $0x40, v18  }
0x180: {  	v17 =	vor.u32 v1, v18;
	v18 =	vor.u32 v16, v25  }
0x181: {  	v19 =	vld [tilespmem:s8+$0x10];
	v20 =	vor.u32 v25, v17;
	_ =	sdelay $0x3  }
0x182: {  	v26 =	vld.idx.msk [tilespmem:v18+s12+$0x0], $0xffff  }
0x183: {  	v18 =	vshll.u32 v19, $0x6;
	v19 =	vld.idx.msk [tilespmem:v20+s23+$0x0], $0xffff  }
0x184: {  	v27 =	vshll.u32 v25, $0x7;
	v18 =	vand.u32 $0x40, v18  }
0x185: {  	v21 =	vld [tilespmem:s8+$0x30];
	v22 =	vor.u32 v0, v27;
	v18 =	vor.u32 v2, v18  }
0x186: {  	v20 =	vld [tilespmem:s8+$0x20];
	v24 =	vor.u32 v25, v18  }
0x187: {  	v23 =	vld [tilespmem:s8+$0x40]  }
0x188: {  	v28 =	vld [tilespmem:s8+$0x50];
	v19 =	vadd.f32 v19, v26  }
0x189: {  	v29 =	vld [tilespmem:s8+$0x60]  }
0x18a: {  	v30 =	vld [tilespmem:s8+$0x70];
	[tilespmem:v22+s6+$0x0] =	vst.idx.msk $0xffff, v19  }
0x18b: {  	v19 =	vshll.u32 v20, $0x6;
	v20 =	vld.idx.msk [tilespmem:v24+s23+$0x0], $0xffff  }
0x18c: {  	v19 =	vand.u32 $0x40, v19  }
0x18d: {  	v22 =	vor.u32 v9, v27;
	v19 =	vor.u32 v3, v19  }
0x18e: {  	v24 =	vor.u32 v25, v19;
	_ =	sdelay $0x1  }
0x18f: {  	v20 =	vadd.f32 v20, v26;
	_ =	sdelay $0x1  }
0x190: {  	[tilespmem:v22+s6+$0x0] =	vst.idx.msk $0xffff, v20  }
0x191: {  	v20 =	vshll.u32 v21, $0x6;
	v21 =	vld.idx.msk [tilespmem:v24+s23+$0x0], $0xffff  }
0x192: {  	v20 =	vand.u32 $0x40, v20  }
0x193: {  	v22 =	vor.u32 v10, v27;
	v20 =	vor.u32 v4, v20  }
0x194: {  	v24 =	vor.u32 v25, v20;
	_ =	sdelay $0x1  }
0x195: {  	v21 =	vadd.f32 v21, v26;
	_ =	sdelay $0x1  }
0x196: {  	[tilespmem:v22+s6+$0x0] =	vst.idx.msk $0xffff, v21  }
0x197: {  	v21 =	vshll.u32 v23, $0x6;
	v22 =	vld.idx.msk [tilespmem:v24+s23+$0x0], $0xffff  }
0x198: {  	v21 =	vand.u32 $0x40, v21  }
0x199: {  	v23 =	vor.u32 v11, v27;
	v21 =	vor.u32 v5, v21  }
0x19a: {  	v24 =	vor.u32 v25, v21;
	_ =	sdelay $0x1  }
0x19b: {  	v22 =	vadd.f32 v22, v26;
	_ =	sdelay $0x1  }
0x19c: {  	[tilespmem:v23+s6+$0x0] =	vst.idx.msk $0xffff, v22  }
0x19d: {  	v22 =	vshll.u32 v28, $0x6;
	v23 =	vld.idx.msk [tilespmem:v24+s23+$0x0], $0xffff  }
0x19e: {  	v22 =	vand.u32 $0x40, v22  }
0x19f: {  	v24 =	vor.u32 v12, v27;
	v22 =	vor.u32 v6, v22  }
0x1a0: {  	v28 =	vor.u32 v25, v22;
	_ =	sdelay $0x1  }
0x1a1: {  	v23 =	vadd.f32 v23, v26;
	_ =	sdelay $0x1  }
0x1a2: {  	[tilespmem:v24+s6+$0x0] =	vst.idx.msk $0xffff, v23  }
0x1a3: {  	v23 =	vshll.u32 v29, $0x6;
	v24 =	vld.idx.msk [tilespmem:v28+s23+$0x0], $0xffff  }
0x1a4: {  	v23 =	vand.u32 $0x40, v23  }
0x1a5: {  	v28 =	vor.u32 v13, v27;
	v23 =	vor.u32 v7, v23  }
0x1a6: {  	v29 =	vor.u32 v25, v23;
	_ =	sdelay $0x1  }
0x1a7: {  	v24 =	vadd.f32 v24, v26;
	_ =	sdelay $0x1  }
0x1a8: {  	[tilespmem:v28+s6+$0x0] =	vst.idx.msk $0xffff, v24  }
0x1a9: {  	v24 =	vshll.u32 v30, $0x6;
	v28 =	vld.idx.msk [tilespmem:v29+s23+$0x0], $0xffff  }
0x1aa: {  	v24 =	vand.u32 $0x40, v24  }
0x1ab: {  	v29 =	vor.u32 v14, v27;
	v24 =	vor.u32 v8, v24  }
0x1ac: {  	v25 =	vor.u32 v25, v24;
	_ =	sdelay $0x1  }
0x1ad: {  	v28 =	vadd.f32 v28, v26;
	_ =	sdelay $0x1  }
0x1ae: {  	s7 =	sor.u32 $0x1, s7;
	[tilespmem:v29+s6+$0x0] =	vst.idx.msk $0xffff, v28  }
0x1af: {  	v28 =	vadd.s32 s7, v0;
	v25 =	vld.idx.msk [tilespmem:v25+s23+$0x0], $0xffff  }
0x1b0: {  	v28 =	vand.u32 $0xF, v28  }
0x1b1: {  	v27 =	vor.u32 v15, v27;
	v29 =	vor.u32 s3, v28  }
0x1b2: {  	v28 =	vor.u32 v16, v29  }
0x1b3: {  	v30 =	vor.u32 v29, v17  }
0x1b4: {  	v25 =	vadd.f32 v25, v26;
	_ =	sdelay $0x1  }
0x1b5: {  	[tilespmem:v27+s6+$0x0] =	vst.idx.msk $0xffff, v25  }
0x1b6: {  	v27 =	vld.idx.msk [tilespmem:v28+s12+$0x0], $0xffff  }
0x1b7: {  	v26 =	vld.idx.msk [tilespmem:v30+s23+$0x0], $0xffff  }
0x1b8: {  	v25 =	vshll.u32 v29, $0x7  }
0x1b9: {  	v28 =	vor.u32 v0, v25  }
0x1ba: {  	v30 =	vor.u32 v29, v18;
	_ =	sdelay $0x1  }
0x1bb: {  	v26 =	vadd.f32 v26, v27;
	_ =	sdelay $0x1  }
0x1bc: {  	[tilespmem:v28+s6+$0x0] =	vst.idx.msk $0xffff, v26  }
0x1bd: {  	v26 =	vld.idx.msk [tilespmem:v30+s23+$0x0], $0xffff;
	_ =	sdelay $0x1  }
0x1be: {  	v28 =	vor.u32 v9, v25  }
0x1bf: {  	v30 =	vor.u32 v29, v19;
	_ =	sdelay $0x1  }
0x1c0: {  	v26 =	vadd.f32 v26, v27;
	_ =	sdelay $0x1  }
0x1c1: {  	[tilespmem:v28+s6+$0x0] =	vst.idx.msk $0xffff, v26  }
0x1c2: {  	v26 =	vld.idx.msk [tilespmem:v30+s23+$0x0], $0xffff;
	_ =	sdelay $0x1  }
0x1c3: {  	v28 =	vor.u32 v10, v25  }
0x1c4: {  	v30 =	vor.u32 v29, v20;
	_ =	sdelay $0x1  }
0x1c5: {  	v26 =	vadd.f32 v26, v27;
	_ =	sdelay $0x1  }
0x1c6: {  	[tilespmem:v28+s6+$0x0] =	vst.idx.msk $0xffff, v26  }
0x1c7: {  	v26 =	vld.idx.msk [tilespmem:v30+s23+$0x0], $0xffff;
	_ =	sdelay $0x1  }
0x1c8: {  	v28 =	vor.u32 v11, v25  }
0x1c9: {  	v30 =	vor.u32 v29, v21;
	_ =	sdelay $0x1  }
0x1ca: {  	v26 =	vadd.f32 v26, v27;
	_ =	sdelay $0x1  }
0x1cb: {  	[tilespmem:v28+s6+$0x0] =	vst.idx.msk $0xffff, v26  }
0x1cc: {  	v26 =	vld.idx.msk [tilespmem:v30+s23+$0x0], $0xffff;
	_ =	sdelay $0x1  }
0x1cd: {  	v28 =	vor.u32 v12, v25  }
0x1ce: {  	v30 =	vor.u32 v29, v22;
	_ =	sdelay $0x1  }
0x1cf: {  	v26 =	vadd.f32 v26, v27;
	_ =	sdelay $0x1  }
0x1d0: {  	[tilespmem:v28+s6+$0x0] =	vst.idx.msk $0xffff, v26  }
0x1d1: {  	v26 =	vld.idx.msk [tilespmem:v30+s23+$0x0], $0xffff;
	_ =	sdelay $0x1  }
0x1d2: {  	v28 =	vor.u32 v13, v25  }
0x1d3: {  	v30 =	vor.u32 v29, v23;
	_ =	sdelay $0x1  }
0x1d4: {  	v26 =	vadd.f32 v26, v27;
	_ =	sdelay $0x1  }
0x1d5: {  	[tilespmem:v28+s6+$0x0] =	vst.idx.msk $0xffff, v26  }
0x1d6: {  	v30 =	vld.idx.msk [tilespmem:v30+s23+$0x0], $0xffff;
	_ =	sdelay $0x1  }
0x1d7: {  	v28 =	vor.u32 v14, v25  }
0x1d8: {  	v26 =	vor.u32 v29, v24;
	_ =	sdelay $0x1  }
0x1d9: {  	v29 =	vadd.f32 v30, v27  }
.LBB2_5:
0x1da: {  	_ = 	snop  }
0x1db: {  	s19 =	sadd.s32 $0x2, s19;
	[tilespmem:v28+s6+$0x0] =	vst.idx.msk $0xffff, v29  }
0x1dc: {  	s3 =	sand.u32 $0xE, s19;
	p1 =	slt.u32 s19, $0x3E;
	v28 =	vld.idx.msk [tilespmem:v26+s23+$0x0], $0xffff  }
0x1dd: {  	v26 =	vadd.s32 s3, v0;
	s3 =	sor.u32 $0x1, s3  }
0x1de: {  	s7 =	sand.u32 $0x30, s19;
	v26 =	vand.u32 $0xF, v26;
	v29 =	vadd.s32 s3, v0  }
0x1df: {  	v30 =	vor.u32 s7, v26;
	v26 =	vand.u32 $0xF, v29;
	v29 =	vor.u32 v15, v25  }
0x1e0: {  	v31 =	vor.u32 v16, v30;
	v32 =	vor.u32 v30, v17;
	v33 =	vshll.u32 v30, $0x7  }
0x1e1: {  	v26 =	vor.u32 s7, v26  }
0x1e2: {  	v25 =	vshll.u32 v26, $0x7;
	v27 =	vadd.f32 v28, v27;
	_ =	sdelay $0x1  }
0x1e3: {  	[tilespmem:v29+s6+$0x0] =	vst.idx.msk $0xffff, v27  }
0x1e4: {  	v27 =	vld.idx.msk [tilespmem:v31+s12+$0x0], $0xffff  }
0x1e5: {  	v28 =	vld.idx.msk [tilespmem:v32+s23+$0x0], $0xffff;
	_ =	sdelay $0x2  }
0x1e6: {  	v29 =	vor.u32 v0, v33  }
0x1e7: {  	v31 =	vor.u32 v30, v18;
	_ =	sdelay $0x1  }
0x1e8: {  	v28 =	vadd.f32 v28, v27;
	_ =	sdelay $0x1  }
0x1e9: {  	[tilespmem:v29+s6+$0x0] =	vst.idx.msk $0xffff, v28  }
0x1ea: {  	v28 =	vld.idx.msk [tilespmem:v31+s23+$0x0], $0xffff;
	_ =	sdelay $0x2  }
0x1eb: {  	v29 =	vor.u32 v9, v33  }
0x1ec: {  	v31 =	vor.u32 v30, v19;
	_ =	sdelay $0x1  }
0x1ed: {  	v28 =	vadd.f32 v28, v27;
	_ =	sdelay $0x1  }
0x1ee: {  	[tilespmem:v29+s6+$0x0] =	vst.idx.msk $0xffff, v28  }
0x1ef: {  	v28 =	vld.idx.msk [tilespmem:v31+s23+$0x0], $0xffff;
	_ =	sdelay $0x2  }
0x1f0: {  	v29 =	vor.u32 v10, v33  }
0x1f1: {  	v31 =	vor.u32 v30, v20;
	_ =	sdelay $0x1  }
0x1f2: {  	v28 =	vadd.f32 v28, v27;
	_ =	sdelay $0x1  }
0x1f3: {  	[tilespmem:v29+s6+$0x0] =	vst.idx.msk $0xffff, v28  }
0x1f4: {  	v28 =	vld.idx.msk [tilespmem:v31+s23+$0x0], $0xffff;
	_ =	sdelay $0x2  }
0x1f5: {  	v29 =	vor.u32 v11, v33  }
0x1f6: {  	v31 =	vor.u32 v30, v21;
	_ =	sdelay $0x1  }
0x1f7: {  	v28 =	vadd.f32 v28, v27;
	_ =	sdelay $0x1  }
0x1f8: {  	[tilespmem:v29+s6+$0x0] =	vst.idx.msk $0xffff, v28  }
0x1f9: {  	v28 =	vld.idx.msk [tilespmem:v31+s23+$0x0], $0xffff;
	_ =	sdelay $0x2  }
0x1fa: {  	v29 =	vor.u32 v12, v33  }
0x1fb: {  	v31 =	vor.u32 v30, v22;
	_ =	sdelay $0x1  }
0x1fc: {  	v28 =	vadd.f32 v28, v27;
	_ =	sdelay $0x1  }
0x1fd: {  	[tilespmem:v29+s6+$0x0] =	vst.idx.msk $0xffff, v28  }
0x1fe: {  	v28 =	vld.idx.msk [tilespmem:v31+s23+$0x0], $0xffff;
	_ =	sdelay $0x2  }
0x1ff: {  	v29 =	vor.u32 v13, v33  }
0x200: {  	v31 =	vor.u32 v30, v23;
	_ =	sdelay $0x1  }
0x201: {  	v28 =	vadd.f32 v28, v27;
	_ =	sdelay $0x1  }
0x202: {  	[tilespmem:v29+s6+$0x0] =	vst.idx.msk $0xffff, v28  }
0x203: {  	v28 =	vld.idx.msk [tilespmem:v31+s23+$0x0], $0xffff;
	_ =	sdelay $0x2  }
0x204: {  	v29 =	vor.u32 v14, v33  }
0x205: {  	v30 =	vor.u32 v30, v24;
	_ =	sdelay $0x1  }
0x206: {  	v28 =	vadd.f32 v28, v27;
	_ =	sdelay $0x1  }
0x207: {  	[tilespmem:v29+s6+$0x0] =	vst.idx.msk $0xffff, v28  }
0x208: {  	v28 =	vld.idx.msk [tilespmem:v30+s23+$0x0], $0xffff;
	_ =	sdelay $0x2  }
0x209: {  	v29 =	vor.u32 v15, v33  }
0x20a: {  	v30 =	vor.u32 v16, v26  }
0x20b: {  	v31 =	vor.u32 v26, v17  }
0x20c: {  	v27 =	vadd.f32 v28, v27;
	_ =	sdelay $0x1  }
0x20d: {  	[tilespmem:v29+s6+$0x0] =	vst.idx.msk $0xffff, v27  }
0x20e: {  	v27 =	vld.idx.msk [tilespmem:v30+s12+$0x0], $0xffff  }
0x20f: {  	v28 =	vld.idx.msk [tilespmem:v31+s23+$0x0], $0xffff;
	_ =	sdelay $0x2  }
0x210: {  	v29 =	vor.u32 v0, v25  }
0x211: {  	v30 =	vor.u32 v26, v18;
	_ =	sdelay $0x1  }
0x212: {  	v28 =	vadd.f32 v28, v27;
	_ =	sdelay $0x1  }
0x213: {  	[tilespmem:v29+s6+$0x0] =	vst.idx.msk $0xffff, v28  }
0x214: {  	v28 =	vld.idx.msk [tilespmem:v30+s23+$0x0], $0xffff;
	_ =	sdelay $0x2  }
0x215: {  	v29 =	vor.u32 v9, v25  }
0x216: {  	v30 =	vor.u32 v26, v19;
	_ =	sdelay $0x1  }
0x217: {  	v28 =	vadd.f32 v28, v27;
	_ =	sdelay $0x1  }
0x218: {  	[tilespmem:v29+s6+$0x0] =	vst.idx.msk $0xffff, v28  }
0x219: {  	v28 =	vld.idx.msk [tilespmem:v30+s23+$0x0], $0xffff;
	_ =	sdelay $0x2  }
0x21a: {  	v29 =	vor.u32 v10, v25  }
0x21b: {  	v30 =	vor.u32 v26, v20;
	_ =	sdelay $0x1  }
0x21c: {  	v28 =	vadd.f32 v28, v27;
	_ =	sdelay $0x1  }
0x21d: {  	[tilespmem:v29+s6+$0x0] =	vst.idx.msk $0xffff, v28  }
0x21e: {  	v28 =	vld.idx.msk [tilespmem:v30+s23+$0x0], $0xffff;
	_ =	sdelay $0x2  }
0x21f: {  	v29 =	vor.u32 v11, v25  }
0x220: {  	v30 =	vor.u32 v26, v21;
	_ =	sdelay $0x1  }
0x221: {  	v28 =	vadd.f32 v28, v27;
	_ =	sdelay $0x1  }
0x222: {  	[tilespmem:v29+s6+$0x0] =	vst.idx.msk $0xffff, v28  }
0x223: {  	v28 =	vld.idx.msk [tilespmem:v30+s23+$0x0], $0xffff;
	_ =	sdelay $0x2  }
0x224: {  	v29 =	vor.u32 v12, v25  }
0x225: {  	v30 =	vor.u32 v26, v22;
	_ =	sdelay $0x1  }
0x226: {  	v28 =	vadd.f32 v28, v27;
	_ =	sdelay $0x1  }
0x227: {  	[tilespmem:v29+s6+$0x0] =	vst.idx.msk $0xffff, v28  }
0x228: {  	v28 =	vld.idx.msk [tilespmem:v30+s23+$0x0], $0xffff;
	_ =	sdelay $0x2  }
0x229: {  	v29 =	vor.u32 v13, v25  }
0x22a: {  	v30 =	vor.u32 v26, v23;
	_ =	sdelay $0x1  }
0x22b: {  	v28 =	vadd.f32 v28, v27;
	_ =	sdelay $0x1  }
0x22c: {  	[tilespmem:v29+s6+$0x0] =	vst.idx.msk $0xffff, v28  }
0x22d: {  	v29 =	vld.idx.msk [tilespmem:v30+s23+$0x0], $0xffff;
	_ =	sdelay $0x1  }
.Ltmp1:
0x22e: {  	(pc) =	sbr.rel @p1 .LBB2_5-.Ltmp1, $3  }
0x22f: {  	v28 =	vor.u32 v14, v25  }
0x230: {  	v26 =	vor.u32 v26, v24;
	_ =	sdelay $0x1  }
0x231: {  	v29 =	vadd.f32 v29, v27  }
0x232: {  	_ =	sdelay $0x3  }
0x233: {  	[tilespmem:v28+s6+$0x0] =	vst.idx.msk $0xffff, v29  }
0x234: {  	v16 =	vld.idx.msk [tilespmem:v26+s23+$0x0], $0xffff;
	_ =	sdelay $0x1  }
0x235: {  	v17 =	vor.u32 v15, v25;
	_ =	sdelay $0x1  }
0x236: {  	s3 =	sshll.u32 s18, $0x12  }
0x237: {  	s3 =	sor.u32 s5, s3;
	v16 =	vadd.f32 v16, v27  }
0x238: {  	s3 =	sshrl.u32 s3, $0x3  }
0x239: {  	s3 =	sadd.s32 s1, s3;
	[tilespmem:v17+s6+$0x0] =	vst.idx.msk $0xffff, v16  }
0x23a: {  	[hbm4b:s3+s9] =	stream.strided.scatter [tilespmem:s6], [sflag:$0x12], $0x2000, s10, s9, $0x38;
	[tilespmem:$0x1D880] =	vst v63  }
0x23b: {  	v16 =	vld @!p0 [tilespmem:s14+$0x280];
	_ =	sdelay $0x4  }
0x23c: {  	v16 =	vshrl.u32 @!p0 v16, $0x1  }
0x23d: {  	[tilespmem:$0x9700] =	vst @!p0 v16  }
0x23e: {  	v16 =	vld @!p0 [tilespmem:s14+$0x290];
	_ =	sdelay $0x4  }
0x23f: {  	v16 =	vshrl.u32 @!p0 v16, $0x1  }
0x240: {  	[tilespmem:$0x9710] =	vst @!p0 v16  }
0x241: {  	v16 =	vld @!p0 [tilespmem:s14+$0x2A0];
	_ =	sdelay $0x4  }
0x242: {  	v16 =	vshrl.u32 @!p0 v16, $0x1  }
0x243: {  	[tilespmem:$0x9720] =	vst @!p0 v16  }
0x244: {  	v16 =	vld @!p0 [tilespmem:s14+$0x2B0];
	_ =	sdelay $0x4  }
0x245: {  	v16 =	vshrl.u32 @!p0 v16, $0x1  }
0x246: {  	[tilespmem:$0x9730] =	vst @!p0 v16  }
0x247: {  	v16 =	vld @!p0 [tilespmem:s14+$0x2C0];
	_ =	sdelay $0x4  }
0x248: {  	v16 =	vshrl.u32 @!p0 v16, $0x1  }
0x249: {  	[tilespmem:$0x9740] =	vst @!p0 v16  }
0x24a: {  	v16 =	vld @!p0 [tilespmem:s14+$0x2D0];
	_ =	sdelay $0x4  }
0x24b: {  	v16 =	vshrl.u32 @!p0 v16, $0x1  }
0x24c: {  	[tilespmem:$0x9750] =	vst @!p0 v16  }
0x24d: {  	v16 =	vld @!p0 [tilespmem:s14+$0x2E0];
	_ =	sdelay $0x4  }
0x24e: {  	v16 =	vshrl.u32 @!p0 v16, $0x1  }
0x24f: {  	[tilespmem:$0x9760] =	vst @!p0 v16  }
0x250: {  	v16 =	vld @!p0 [tilespmem:s14+$0x2F0];
	_ =	sdelay $0x4  }
0x251: {  	v16 =	vshrl.u32 @!p0 v16, $0x1  }
0x252: {  	s7 =	simm.s32 @!p0 $0x9700;
	s8 =	simm.s32 @!p0 $0xD880;
	s3 =	simm.s32 @!p0 $0x20;
	[tilespmem:$0x9770] =	vst @!p0 v16  }
0x253: {  	[tilespmem:s8], [sflag:$0x5] =	stream.indirect.gather @!p0 [hbm4b:s4+s3], $0x80, s7, s3, $0xb8;
	[tilespmem:$0x1D880] =	vst v63  }
0x254: {  	s7 =	simm.s32 @!p0 $0x9720;
	s8 =	simm.s32 @!p0 $0xE880  }
0x255: {  	[tilespmem:s8], [sflag:$0x6] =	stream.indirect.gather @!p0 [hbm4b:s4+s3], $0x80, s7, s3, $0xb8;
	[tilespmem:$0x1D880] =	vst v63  }
0x256: {  	s7 =	simm.s32 @!p0 $0x9740;
	s8 =	simm.s32 @!p0 $0xF880  }
0x257: {  	[tilespmem:s8], [sflag:$0x7] =	stream.indirect.gather @!p0 [hbm4b:s4+s3], $0x80, s7, s3, $0xb8;
	[tilespmem:$0x1D880] =	vst v63  }
0x258: {  	s7 =	simm.s32 @!p0 $0x9760;
	s8 =	simm.s32 @!p0 $0x10880  }
0x259: {  	[tilespmem:s8], [sflag:$0x8] =	stream.indirect.gather @!p0 [hbm4b:s4+s3], $0x80, s7, s3, $0xb8;
	[tilespmem:$0x1D880] =	vst v63  }
0x25a: {  	s8 =	simm.s32 $0x9  }
0x25b: {  	_ =	swait.ge [sflag:s8], $0x1000  }
0x25c: {  	[sflag:s8] =	ssyncset.done $0x0  }
0x25d: {  	s11 =	simm.s32 $0xA;
	[sflag:s8] =	ssyncadd.s32 $0xFFFFF000  }
0x25e: {  	_ =	swait.ge [sflag:s11], $0x1000  }
0x25f: {  	[sflag:s11] =	ssyncset.done $0x0  }
0x260: {  	s18 =	simm.s32 $0xB;
	[sflag:s11] =	ssyncadd.s32 $0xFFFFF000  }
0x261: {  	_ =	swait.ge [sflag:s18], $0x1000  }
0x262: {  	[sflag:s18] =	ssyncset.done $0x0  }
0x263: {  	[sflag:s18] =	ssyncadd.s32 $0xFFFFF000  }
0x264: {  	_ =	swait.ge [sflag:s20], $0x1000  }
0x265: {  	[sflag:s20] =	ssyncset.done $0x0  }
0x266: {  	[sflag:s20] =	ssyncadd.s32 $0xFFFFF000  }
0x267: {  	s17 =	sor.u32 $0x2, s17;
	_ =	swait.ge [sflag:s22], $0x2000  }
0x268: {  	s19 =	sshll.u32 s17, $0x7;
	[sflag:s22] =	ssyncset.done $0x0  }
0x269: {  	s7 =	sand.u32 $0x3FFFFF80, s19;
	[sflag:s22] =	ssyncadd.s32 $0xFFFFE000  }
0x26a: {  	v16 =	vld [tilespmem:s7+$0x0];
	_ =	sdelay $0x1  }
0x26b: {  	s18 =	simm.s32 $0x0  }
0x26c: {  	s3 =	sand.u32 $0xE, s18  }
0x26d: {  	v17 =	vadd.s32 s3, v0  }
0x26e: {  	s11 =	sshll.u32 s17, $0x6;
	s19 =	sand.u32 $0x30, s18;
	v17 =	vand.u32 $0xF, v17;
	v18 =	vshll.u32 v16, $0x6  }
0x26f: {  	v25 =	vor.u32 s19, v17;
	v16 =	vmov s11;
	v18 =	vand.u32 $0x40, v18  }
0x270: {  	v17 =	vor.u32 v1, v18;
	v18 =	vor.u32 v16, v25  }
0x271: {  	v19 =	vld [tilespmem:s7+$0x10];
	v20 =	vor.u32 v25, v17;
	_ =	sdelay $0x3  }
0x272: {  	v26 =	vld.idx.msk [tilespmem:v18+s12+$0x0], $0xffff  }
0x273: {  	v18 =	vshll.u32 v19, $0x6;
	v19 =	vld.idx.msk [tilespmem:v20+s0+$0x0], $0xffff  }
0x274: {  	v27 =	vshll.u32 v25, $0x7;
	v18 =	vand.u32 $0x40, v18  }
0x275: {  	v22 =	vor.u32 v0, v27;
	v21 =	vld [tilespmem:s7+$0x30];
	v18 =	vor.u32 v2, v18  }
0x276: {  	v20 =	vld [tilespmem:s7+$0x20];
	v24 =	vor.u32 v25, v18  }
0x277: {  	v23 =	vld [tilespmem:s7+$0x40]  }
0x278: {  	v28 =	vld [tilespmem:s7+$0x50];
	v19 =	vadd.f32 v19, v26  }
0x279: {  	v29 =	vld [tilespmem:s7+$0x60]  }
0x27a: {  	v30 =	vld [tilespmem:s7+$0x70];
	[tilespmem:v22+s16+$0x0] =	vst.idx.msk $0xffff, v19  }
0x27b: {  	v19 =	vshll.u32 v20, $0x6;
	v20 =	vld.idx.msk [tilespmem:v24+s0+$0x0], $0xffff  }
0x27c: {  	v19 =	vand.u32 $0x40, v19  }
0x27d: {  	v22 =	vor.u32 v9, v27;
	v19 =	vor.u32 v3, v19  }
0x27e: {  	v24 =	vor.u32 v25, v19;
	_ =	sdelay $0x1  }
0x27f: {  	v20 =	vadd.f32 v20, v26;
	_ =	sdelay $0x1  }
0x280: {  	[tilespmem:v22+s16+$0x0] =	vst.idx.msk $0xffff, v20  }
0x281: {  	v20 =	vshll.u32 v21, $0x6;
	v21 =	vld.idx.msk [tilespmem:v24+s0+$0x0], $0xffff  }
0x282: {  	v20 =	vand.u32 $0x40, v20  }
0x283: {  	v22 =	vor.u32 v10, v27;
	v20 =	vor.u32 v4, v20  }
0x284: {  	v24 =	vor.u32 v25, v20;
	_ =	sdelay $0x1  }
0x285: {  	v21 =	vadd.f32 v21, v26;
	_ =	sdelay $0x1  }
0x286: {  	[tilespmem:v22+s16+$0x0] =	vst.idx.msk $0xffff, v21  }
0x287: {  	v21 =	vshll.u32 v23, $0x6;
	v22 =	vld.idx.msk [tilespmem:v24+s0+$0x0], $0xffff  }
0x288: {  	v21 =	vand.u32 $0x40, v21  }
0x289: {  	v23 =	vor.u32 v11, v27;
	v21 =	vor.u32 v5, v21  }
0x28a: {  	v24 =	vor.u32 v25, v21;
	_ =	sdelay $0x1  }
0x28b: {  	v22 =	vadd.f32 v22, v26;
	_ =	sdelay $0x1  }
0x28c: {  	[tilespmem:v23+s16+$0x0] =	vst.idx.msk $0xffff, v22  }
0x28d: {  	v22 =	vshll.u32 v28, $0x6;
	v23 =	vld.idx.msk [tilespmem:v24+s0+$0x0], $0xffff  }
0x28e: {  	v22 =	vand.u32 $0x40, v22  }
0x28f: {  	v24 =	vor.u32 v12, v27;
	v22 =	vor.u32 v6, v22  }
0x290: {  	v28 =	vor.u32 v25, v22;
	_ =	sdelay $0x1  }
0x291: {  	v23 =	vadd.f32 v23, v26;
	_ =	sdelay $0x1  }
0x292: {  	[tilespmem:v24+s16+$0x0] =	vst.idx.msk $0xffff, v23  }
0x293: {  	v23 =	vshll.u32 v29, $0x6;
	v24 =	vld.idx.msk [tilespmem:v28+s0+$0x0], $0xffff  }
0x294: {  	v23 =	vand.u32 $0x40, v23  }
0x295: {  	v28 =	vor.u32 v13, v27;
	v23 =	vor.u32 v7, v23  }
0x296: {  	v29 =	vor.u32 v25, v23;
	_ =	sdelay $0x1  }
0x297: {  	v24 =	vadd.f32 v24, v26;
	_ =	sdelay $0x1  }
0x298: {  	[tilespmem:v28+s16+$0x0] =	vst.idx.msk $0xffff, v24  }
0x299: {  	v24 =	vshll.u32 v30, $0x6;
	v28 =	vld.idx.msk [tilespmem:v29+s0+$0x0], $0xffff  }
0x29a: {  	v24 =	vand.u32 $0x40, v24  }
0x29b: {  	v29 =	vor.u32 v14, v27;
	v24 =	vor.u32 v8, v24  }
0x29c: {  	v25 =	vor.u32 v25, v24;
	_ =	sdelay $0x1  }
0x29d: {  	v28 =	vadd.f32 v28, v26;
	_ =	sdelay $0x1  }
0x29e: {  	s7 =	sor.u32 $0x1, s3;
	[tilespmem:v29+s16+$0x0] =	vst.idx.msk $0xffff, v28  }
0x29f: {  	v28 =	vadd.s32 s7, v0;
	v25 =	vld.idx.msk [tilespmem:v25+s0+$0x0], $0xffff  }
0x2a0: {  	v28 =	vand.u32 $0xF, v28  }
0x2a1: {  	v27 =	vor.u32 v15, v27;
	v29 =	vor.u32 s19, v28  }
0x2a2: {  	v28 =	vor.u32 v16, v29  }
0x2a3: {  	v30 =	vor.u32 v29, v17  }
0x2a4: {  	v25 =	vadd.f32 v25, v26;
	_ =	sdelay $0x1  }
0x2a5: {  	[tilespmem:v27+s16+$0x0] =	vst.idx.msk $0xffff, v25  }
0x2a6: {  	v27 =	vld.idx.msk [tilespmem:v28+s12+$0x0], $0xffff  }
0x2a7: {  	v26 =	vld.idx.msk [tilespmem:v30+s0+$0x0], $0xffff  }
0x2a8: {  	v25 =	vshll.u32 v29, $0x7  }
0x2a9: {  	v28 =	vor.u32 v0, v25  }
0x2aa: {  	v30 =	vor.u32 v29, v18;
	_ =	sdelay $0x1  }
0x2ab: {  	v26 =	vadd.f32 v26, v27;
	_ =	sdelay $0x1  }
0x2ac: {  	[tilespmem:v28+s16+$0x0] =	vst.idx.msk $0xffff, v26  }
0x2ad: {  	v26 =	vld.idx.msk [tilespmem:v30+s0+$0x0], $0xffff;
	_ =	sdelay $0x1  }
0x2ae: {  	v28 =	vor.u32 v9, v25  }
0x2af: {  	v30 =	vor.u32 v29, v19;
	_ =	sdelay $0x1  }
0x2b0: {  	v26 =	vadd.f32 v26, v27;
	_ =	sdelay $0x1  }
0x2b1: {  	[tilespmem:v28+s16+$0x0] =	vst.idx.msk $0xffff, v26  }
0x2b2: {  	v26 =	vld.idx.msk [tilespmem:v30+s0+$0x0], $0xffff;
	_ =	sdelay $0x1  }
0x2b3: {  	v28 =	vor.u32 v10, v25  }
0x2b4: {  	v30 =	vor.u32 v29, v20;
	_ =	sdelay $0x1  }
0x2b5: {  	v26 =	vadd.f32 v26, v27;
	_ =	sdelay $0x1  }
0x2b6: {  	[tilespmem:v28+s16+$0x0] =	vst.idx.msk $0xffff, v26  }
0x2b7: {  	v26 =	vld.idx.msk [tilespmem:v30+s0+$0x0], $0xffff;
	_ =	sdelay $0x1  }
0x2b8: {  	v28 =	vor.u32 v11, v25  }
0x2b9: {  	v30 =	vor.u32 v29, v21;
	_ =	sdelay $0x1  }
0x2ba: {  	v26 =	vadd.f32 v26, v27;
	_ =	sdelay $0x1  }
0x2bb: {  	[tilespmem:v28+s16+$0x0] =	vst.idx.msk $0xffff, v26  }
0x2bc: {  	v26 =	vld.idx.msk [tilespmem:v30+s0+$0x0], $0xffff;
	_ =	sdelay $0x1  }
0x2bd: {  	v28 =	vor.u32 v12, v25  }
0x2be: {  	v30 =	vor.u32 v29, v22;
	_ =	sdelay $0x1  }
0x2bf: {  	v26 =	vadd.f32 v26, v27;
	_ =	sdelay $0x1  }
0x2c0: {  	[tilespmem:v28+s16+$0x0] =	vst.idx.msk $0xffff, v26  }
0x2c1: {  	v26 =	vld.idx.msk [tilespmem:v30+s0+$0x0], $0xffff;
	_ =	sdelay $0x1  }
0x2c2: {  	v28 =	vor.u32 v13, v25  }
0x2c3: {  	v30 =	vor.u32 v29, v23;
	_ =	sdelay $0x1  }
0x2c4: {  	v26 =	vadd.f32 v26, v27;
	_ =	sdelay $0x1  }
0x2c5: {  	[tilespmem:v28+s16+$0x0] =	vst.idx.msk $0xffff, v26  }
0x2c6: {  	v30 =	vld.idx.msk [tilespmem:v30+s0+$0x0], $0xffff;
	_ =	sdelay $0x1  }
0x2c7: {  	v28 =	vor.u32 v14, v25  }
0x2c8: {  	v26 =	vor.u32 v29, v24;
	_ =	sdelay $0x1  }
0x2c9: {  	v29 =	vadd.f32 v30, v27  }
.LBB2_7:
0x2ca: {  	_ = 	snop  }
0x2cb: {  	s18 =	sadd.s32 $0x2, s18;
	[tilespmem:v28+s16+$0x0] =	vst.idx.msk $0xffff, v29  }
0x2cc: {  	s3 =	sand.u32 $0xE, s18;
	p1 =	slt.u32 s18, $0x3E;
	v28 =	vld.idx.msk [tilespmem:v26+s0+$0x0], $0xffff  }
0x2cd: {  	v26 =	vadd.s32 s3, v0;
	s3 =	sor.u32 $0x1, s3  }
0x2ce: {  	s7 =	sand.u32 $0x30, s18;
	v26 =	vand.u32 $0xF, v26;
	v29 =	vadd.s32 s3, v0  }
0x2cf: {  	v30 =	vor.u32 s7, v26;
	v26 =	vand.u32 $0xF, v29;
	v29 =	vor.u32 v15, v25  }
0x2d0: {  	v31 =	vor.u32 v16, v30;
	v32 =	vor.u32 v30, v17;
	v33 =	vshll.u32 v30, $0x7  }
0x2d1: {  	v26 =	vor.u32 s7, v26  }
0x2d2: {  	v25 =	vshll.u32 v26, $0x7;
	v27 =	vadd.f32 v28, v27;
	_ =	sdelay $0x1  }
0x2d3: {  	[tilespmem:v29+s16+$0x0] =	vst.idx.msk $0xffff, v27  }
0x2d4: {  	v27 =	vld.idx.msk [tilespmem:v31+s12+$0x0], $0xffff  }
0x2d5: {  	v28 =	vld.idx.msk [tilespmem:v32+s0+$0x0], $0xffff;
	_ =	sdelay $0x2  }
0x2d6: {  	v29 =	vor.u32 v0, v33  }
0x2d7: {  	v31 =	vor.u32 v30, v18;
	_ =	sdelay $0x1  }
0x2d8: {  	v28 =	vadd.f32 v28, v27;
	_ =	sdelay $0x1  }
0x2d9: {  	[tilespmem:v29+s16+$0x0] =	vst.idx.msk $0xffff, v28  }
0x2da: {  	v28 =	vld.idx.msk [tilespmem:v31+s0+$0x0], $0xffff;
	_ =	sdelay $0x2  }
0x2db: {  	v29 =	vor.u32 v9, v33  }
0x2dc: {  	v31 =	vor.u32 v30, v19;
	_ =	sdelay $0x1  }
0x2dd: {  	v28 =	vadd.f32 v28, v27;
	_ =	sdelay $0x1  }
0x2de: {  	[tilespmem:v29+s16+$0x0] =	vst.idx.msk $0xffff, v28  }
0x2df: {  	v28 =	vld.idx.msk [tilespmem:v31+s0+$0x0], $0xffff;
	_ =	sdelay $0x2  }
0x2e0: {  	v29 =	vor.u32 v10, v33  }
0x2e1: {  	v31 =	vor.u32 v30, v20;
	_ =	sdelay $0x1  }
0x2e2: {  	v28 =	vadd.f32 v28, v27;
	_ =	sdelay $0x1  }
0x2e3: {  	[tilespmem:v29+s16+$0x0] =	vst.idx.msk $0xffff, v28  }
0x2e4: {  	v28 =	vld.idx.msk [tilespmem:v31+s0+$0x0], $0xffff;
	_ =	sdelay $0x2  }
0x2e5: {  	v29 =	vor.u32 v11, v33  }
0x2e6: {  	v31 =	vor.u32 v30, v21;
	_ =	sdelay $0x1  }
0x2e7: {  	v28 =	vadd.f32 v28, v27;
	_ =	sdelay $0x1  }
0x2e8: {  	[tilespmem:v29+s16+$0x0] =	vst.idx.msk $0xffff, v28  }
0x2e9: {  	v28 =	vld.idx.msk [tilespmem:v31+s0+$0x0], $0xffff;
	_ =	sdelay $0x2  }
0x2ea: {  	v29 =	vor.u32 v12, v33  }
0x2eb: {  	v31 =	vor.u32 v30, v22;
	_ =	sdelay $0x1  }
0x2ec: {  	v28 =	vadd.f32 v28, v27;
	_ =	sdelay $0x1  }
0x2ed: {  	[tilespmem:v29+s16+$0x0] =	vst.idx.msk $0xffff, v28  }
0x2ee: {  	v28 =	vld.idx.msk [tilespmem:v31+s0+$0x0], $0xffff;
	_ =	sdelay $0x2  }
0x2ef: {  	v29 =	vor.u32 v13, v33  }
0x2f0: {  	v31 =	vor.u32 v30, v23;
	_ =	sdelay $0x1  }
0x2f1: {  	v28 =	vadd.f32 v28, v27;
	_ =	sdelay $0x1  }
0x2f2: {  	[tilespmem:v29+s16+$0x0] =	vst.idx.msk $0xffff, v28  }
0x2f3: {  	v28 =	vld.idx.msk [tilespmem:v31+s0+$0x0], $0xffff;
	_ =	sdelay $0x2  }
0x2f4: {  	v29 =	vor.u32 v14, v33  }
0x2f5: {  	v30 =	vor.u32 v30, v24;
	_ =	sdelay $0x1  }
0x2f6: {  	v28 =	vadd.f32 v28, v27;
	_ =	sdelay $0x1  }
0x2f7: {  	[tilespmem:v29+s16+$0x0] =	vst.idx.msk $0xffff, v28  }
0x2f8: {  	v28 =	vld.idx.msk [tilespmem:v30+s0+$0x0], $0xffff;
	_ =	sdelay $0x2  }
0x2f9: {  	v29 =	vor.u32 v15, v33  }
0x2fa: {  	v30 =	vor.u32 v16, v26  }
0x2fb: {  	v31 =	vor.u32 v26, v17  }
0x2fc: {  	v27 =	vadd.f32 v28, v27;
	_ =	sdelay $0x1  }
0x2fd: {  	[tilespmem:v29+s16+$0x0] =	vst.idx.msk $0xffff, v27  }
0x2fe: {  	v27 =	vld.idx.msk [tilespmem:v30+s12+$0x0], $0xffff  }
0x2ff: {  	v28 =	vld.idx.msk [tilespmem:v31+s0+$0x0], $0xffff;
	_ =	sdelay $0x2  }
0x300: {  	v29 =	vor.u32 v0, v25  }
0x301: {  	v30 =	vor.u32 v26, v18;
	_ =	sdelay $0x1  }
0x302: {  	v28 =	vadd.f32 v28, v27;
	_ =	sdelay $0x1  }
0x303: {  	[tilespmem:v29+s16+$0x0] =	vst.idx.msk $0xffff, v28  }
0x304: {  	v28 =	vld.idx.msk [tilespmem:v30+s0+$0x0], $0xffff;
	_ =	sdelay $0x2  }
0x305: {  	v29 =	vor.u32 v9, v25  }
0x306: {  	v30 =	vor.u32 v26, v19;
	_ =	sdelay $0x1  }
0x307: {  	v28 =	vadd.f32 v28, v27;
	_ =	sdelay $0x1  }
0x308: {  	[tilespmem:v29+s16+$0x0] =	vst.idx.msk $0xffff, v28  }
0x309: {  	v28 =	vld.idx.msk [tilespmem:v30+s0+$0x0], $0xffff;
	_ =	sdelay $0x2  }
0x30a: {  	v29 =	vor.u32 v10, v25  }
0x30b: {  	v30 =	vor.u32 v26, v20;
	_ =	sdelay $0x1  }
0x30c: {  	v28 =	vadd.f32 v28, v27;
	_ =	sdelay $0x1  }
0x30d: {  	[tilespmem:v29+s16+$0x0] =	vst.idx.msk $0xffff, v28  }
0x30e: {  	v28 =	vld.idx.msk [tilespmem:v30+s0+$0x0], $0xffff;
	_ =	sdelay $0x2  }
0x30f: {  	v29 =	vor.u32 v11, v25  }
0x310: {  	v30 =	vor.u32 v26, v21;
	_ =	sdelay $0x1  }
0x311: {  	v28 =	vadd.f32 v28, v27;
	_ =	sdelay $0x1  }
0x312: {  	[tilespmem:v29+s16+$0x0] =	vst.idx.msk $0xffff, v28  }
0x313: {  	v28 =	vld.idx.msk [tilespmem:v30+s0+$0x0], $0xffff;
	_ =	sdelay $0x2  }
0x314: {  	v29 =	vor.u32 v12, v25  }
0x315: {  	v30 =	vor.u32 v26, v22;
	_ =	sdelay $0x1  }
0x316: {  	v28 =	vadd.f32 v28, v27;
	_ =	sdelay $0x1  }
0x317: {  	[tilespmem:v29+s16+$0x0] =	vst.idx.msk $0xffff, v28  }
0x318: {  	v28 =	vld.idx.msk [tilespmem:v30+s0+$0x0], $0xffff;
	_ =	sdelay $0x2  }
0x319: {  	v29 =	vor.u32 v13, v25  }
0x31a: {  	v30 =	vor.u32 v26, v23;
	_ =	sdelay $0x1  }
0x31b: {  	v28 =	vadd.f32 v28, v27;
	_ =	sdelay $0x1  }
0x31c: {  	[tilespmem:v29+s16+$0x0] =	vst.idx.msk $0xffff, v28  }
0x31d: {  	v29 =	vld.idx.msk [tilespmem:v30+s0+$0x0], $0xffff;
	_ =	sdelay $0x1  }
.Ltmp2:
0x31e: {  	(pc) =	sbr.rel @p1 .LBB2_7-.Ltmp2, $3  }
0x31f: {  	v28 =	vor.u32 v14, v25  }
0x320: {  	v26 =	vor.u32 v26, v24;
	_ =	sdelay $0x1  }
0x321: {  	v29 =	vadd.f32 v29, v27  }
0x322: {  	_ =	sdelay $0x3  }
0x323: {  	[tilespmem:v28+s16+$0x0] =	vst.idx.msk $0xffff, v29  }
0x324: {  	v16 =	vld.idx.msk [tilespmem:v26+s0+$0x0], $0xffff;
	_ =	sdelay $0x1  }
0x325: {  	v17 =	vor.u32 v15, v25;
	_ =	sdelay $0x1  }
0x326: {  	s3 =	sshll.u32 s17, $0x12  }
0x327: {  	s3 =	sor.u32 s5, s3;
	v16 =	vadd.f32 v16, v27  }
0x328: {  	s3 =	sshrl.u32 s3, $0x3  }
0x329: {  	s3 =	sadd.s32 s1, s3;
	[tilespmem:v17+s16+$0x0] =	vst.idx.msk $0xffff, v16  }
0x32a: {  	[hbm4b:s3+s9] =	stream.strided.scatter [tilespmem:s16], [sflag:$0x11], $0x2000, s10, s9, $0x38;
	[tilespmem:$0x1D880] =	vst v63  }
0x32b: {  	v16 =	vld @!p0 [tilespmem:s14+$0x300];
	_ =	sdelay $0x4  }
0x32c: {  	v16 =	vshrl.u32 @!p0 v16, $0x1  }
0x32d: {  	[tilespmem:$0x9780] =	vst @!p0 v16  }
0x32e: {  	v16 =	vld @!p0 [tilespmem:s14+$0x310];
	_ =	sdelay $0x4  }
0x32f: {  	v16 =	vshrl.u32 @!p0 v16, $0x1  }
0x330: {  	[tilespmem:$0x9790] =	vst @!p0 v16  }
0x331: {  	v16 =	vld @!p0 [tilespmem:s14+$0x320];
	_ =	sdelay $0x4  }
0x332: {  	v16 =	vshrl.u32 @!p0 v16, $0x1  }
0x333: {  	[tilespmem:$0x97A0] =	vst @!p0 v16  }
0x334: {  	v16 =	vld @!p0 [tilespmem:s14+$0x330];
	_ =	sdelay $0x4  }
0x335: {  	v16 =	vshrl.u32 @!p0 v16, $0x1  }
0x336: {  	[tilespmem:$0x97B0] =	vst @!p0 v16  }
0x337: {  	v16 =	vld @!p0 [tilespmem:s14+$0x340];
	_ =	sdelay $0x4  }
0x338: {  	v16 =	vshrl.u32 @!p0 v16, $0x1  }
0x339: {  	[tilespmem:$0x97C0] =	vst @!p0 v16  }
0x33a: {  	v16 =	vld @!p0 [tilespmem:s14+$0x350];
	_ =	sdelay $0x4  }
0x33b: {  	v16 =	vshrl.u32 @!p0 v16, $0x1  }
0x33c: {  	[tilespmem:$0x97D0] =	vst @!p0 v16  }
0x33d: {  	v16 =	vld @!p0 [tilespmem:s14+$0x360];
	_ =	sdelay $0x4  }
0x33e: {  	v16 =	vshrl.u32 @!p0 v16, $0x1  }
0x33f: {  	[tilespmem:$0x97E0] =	vst @!p0 v16  }
0x340: {  	v16 =	vld @!p0 [tilespmem:s14+$0x370];
	_ =	sdelay $0x4  }
0x341: {  	v16 =	vshrl.u32 @!p0 v16, $0x1  }
0x342: {  	s7 =	simm.s32 @!p0 $0x9780;
	s8 =	simm.s32 @!p0 $0x11880;
	s3 =	simm.s32 @!p0 $0x20;
	[tilespmem:$0x97F0] =	vst @!p0 v16  }
0x343: {  	[tilespmem:s8], [sflag:$0x9] =	stream.indirect.gather @!p0 [hbm4b:s4+s3], $0x80, s7, s3, $0xb8;
	[tilespmem:$0x1D880] =	vst v63  }
0x344: {  	s7 =	simm.s32 @!p0 $0x97A0;
	s8 =	simm.s32 @!p0 $0x12880  }
0x345: {  	[tilespmem:s8], [sflag:$0xA] =	stream.indirect.gather @!p0 [hbm4b:s4+s3], $0x80, s7, s3, $0xb8;
	[tilespmem:$0x1D880] =	vst v63  }
0x346: {  	s7 =	simm.s32 @!p0 $0x97C0;
	s8 =	simm.s32 @!p0 $0x13880  }
0x347: {  	[tilespmem:s8], [sflag:$0xB] =	stream.indirect.gather @!p0 [hbm4b:s4+s3], $0x80, s7, s3, $0xb8;
	[tilespmem:$0x1D880] =	vst v63  }
0x348: {  	s7 =	simm.s32 @!p0 $0x97E0;
	s8 =	simm.s32 @!p0 $0x14880  }
0x349: {  	[tilespmem:s8], [sflag:$0xC] =	stream.indirect.gather @!p0 [hbm4b:s4+s3], $0x80, s7, s3, $0xb8;
	[tilespmem:$0x1D880] =	vst v63  }
0x34a: {  	_ =	swait.ge [sflag:s24], $0x1000  }
0x34b: {  	[sflag:s24] =	ssyncset.done $0x0  }
0x34c: {  	[sflag:s24] =	ssyncadd.s32 $0xFFFFF000  }
0x34d: {  	_ =	swait.ge [sflag:s25], $0x1000  }
0x34e: {  	[sflag:s25] =	ssyncset.done $0x0  }
0x34f: {  	[sflag:s25] =	ssyncadd.s32 $0xFFFFF000  }
0x350: {  	_ =	swait.ge [sflag:s26], $0x1000  }
0x351: {  	[sflag:s26] =	ssyncset.done $0x0  }
0x352: {  	[sflag:s26] =	ssyncadd.s32 $0xFFFFF000  }
0x353: {  	_ =	swait.ge [sflag:s28], $0x1000  }
0x354: {  	[sflag:s28] =	ssyncset.done $0x0  }
0x355: {  	[sflag:s28] =	ssyncadd.s32 $0xFFFFF000  }
0x356: {  	_ =	swait.ge [sflag:s29], $0x2000  }
0x357: {  	[sflag:s29] =	ssyncset.done $0x0  }
0x358: {  	[sflag:s29] =	ssyncadd.s32 $0xFFFFE000  }
0x359: {  	v16 =	vld [tilespmem:s2+$0x0];
	_ =	sdelay $0x1  }
0x35a: {  	s14 =	simm.s32 $0x0  }
0x35b: {  	s11 =	sand.u32 $0xE, s14  }
0x35c: {  	v17 =	vadd.s32 s11, v0  }
0x35d: {  	s17 =	sshll.u32 s31, $0x6;
	s18 =	sand.u32 $0x30, s14;
	v17 =	vand.u32 $0xF, v17;
	v18 =	vshll.u32 v16, $0x6  }
0x35e: {  	v25 =	vor.u32 s18, v17;
	v16 =	vmov s17;
	v18 =	vand.u32 $0x40, v18  }
0x35f: {  	v17 =	vor.u32 v1, v18;
	v18 =	vor.u32 v16, v25  }
0x360: {  	v19 =	vld [tilespmem:s2+$0x10];
	v20 =	vor.u32 v25, v17;
	_ =	sdelay $0x3  }
0x361: {  	v26 =	vld.idx.msk [tilespmem:v18+s12+$0x0], $0xffff  }
0x362: {  	v18 =	vshll.u32 v19, $0x6;
	v19 =	vld.idx.msk [tilespmem:v20+s21+$0x0], $0xffff  }
0x363: {  	v27 =	vshll.u32 v25, $0x7;
	v18 =	vand.u32 $0x40, v18  }
0x364: {  	v22 =	vor.u32 v0, v27;
	v21 =	vld [tilespmem:s2+$0x30];
	v18 =	vor.u32 v2, v18  }
0x365: {  	v20 =	vld [tilespmem:s2+$0x20];
	v24 =	vor.u32 v25, v18  }
0x366: {  	v23 =	vld [tilespmem:s2+$0x40]  }
0x367: {  	v28 =	vld [tilespmem:s2+$0x50];
	v19 =	vadd.f32 v19, v26  }
0x368: {  	v29 =	vld [tilespmem:s2+$0x60]  }
0x369: {  	v30 =	vld [tilespmem:s2+$0x70];
	[tilespmem:v22+s6+$0x0] =	vst.idx.msk $0xffff, v19  }
0x36a: {  	v19 =	vshll.u32 v20, $0x6;
	v20 =	vld.idx.msk [tilespmem:v24+s21+$0x0], $0xffff  }
0x36b: {  	v19 =	vand.u32 $0x40, v19  }
0x36c: {  	v22 =	vor.u32 v9, v27;
	v19 =	vor.u32 v3, v19  }
0x36d: {  	v24 =	vor.u32 v25, v19;
	_ =	sdelay $0x1  }
0x36e: {  	v20 =	vadd.f32 v20, v26;
	_ =	sdelay $0x1  }
0x36f: {  	[tilespmem:v22+s6+$0x0] =	vst.idx.msk $0xffff, v20  }
0x370: {  	v20 =	vshll.u32 v21, $0x6;
	v21 =	vld.idx.msk [tilespmem:v24+s21+$0x0], $0xffff  }
0x371: {  	v20 =	vand.u32 $0x40, v20  }
0x372: {  	v22 =	vor.u32 v10, v27;
	v20 =	vor.u32 v4, v20  }
0x373: {  	v24 =	vor.u32 v25, v20;
	_ =	sdelay $0x1  }
0x374: {  	v21 =	vadd.f32 v21, v26;
	_ =	sdelay $0x1  }
0x375: {  	[tilespmem:v22+s6+$0x0] =	vst.idx.msk $0xffff, v21  }
0x376: {  	v21 =	vshll.u32 v23, $0x6;
	v22 =	vld.idx.msk [tilespmem:v24+s21+$0x0], $0xffff  }
0x377: {  	v21 =	vand.u32 $0x40, v21  }
0x378: {  	v23 =	vor.u32 v11, v27;
	v21 =	vor.u32 v5, v21  }
0x379: {  	v24 =	vor.u32 v25, v21;
	_ =	sdelay $0x1  }
0x37a: {  	v22 =	vadd.f32 v22, v26;
	_ =	sdelay $0x1  }
0x37b: {  	[tilespmem:v23+s6+$0x0] =	vst.idx.msk $0xffff, v22  }
0x37c: {  	v22 =	vshll.u32 v28, $0x6;
	v23 =	vld.idx.msk [tilespmem:v24+s21+$0x0], $0xffff  }
0x37d: {  	v22 =	vand.u32 $0x40, v22  }
0x37e: {  	v24 =	vor.u32 v12, v27;
	v22 =	vor.u32 v6, v22  }
0x37f: {  	v28 =	vor.u32 v25, v22;
	_ =	sdelay $0x1  }
0x380: {  	v23 =	vadd.f32 v23, v26;
	_ =	sdelay $0x1  }
0x381: {  	[tilespmem:v24+s6+$0x0] =	vst.idx.msk $0xffff, v23  }
0x382: {  	v23 =	vshll.u32 v29, $0x6;
	v24 =	vld.idx.msk [tilespmem:v28+s21+$0x0], $0xffff  }
0x383: {  	v23 =	vand.u32 $0x40, v23  }
0x384: {  	v28 =	vor.u32 v13, v27;
	v23 =	vor.u32 v7, v23  }
0x385: {  	v29 =	vor.u32 v25, v23;
	_ =	sdelay $0x1  }
0x386: {  	v24 =	vadd.f32 v24, v26;
	_ =	sdelay $0x1  }
0x387: {  	[tilespmem:v28+s6+$0x0] =	vst.idx.msk $0xffff, v24  }
0x388: {  	v24 =	vshll.u32 v30, $0x6;
	v28 =	vld.idx.msk [tilespmem:v29+s21+$0x0], $0xffff  }
0x389: {  	v24 =	vand.u32 $0x40, v24  }
0x38a: {  	v29 =	vor.u32 v14, v27;
	v24 =	vor.u32 v8, v24  }
0x38b: {  	v25 =	vor.u32 v25, v24;
	_ =	sdelay $0x1  }
0x38c: {  	v28 =	vadd.f32 v28, v26;
	_ =	sdelay $0x1  }
0x38d: {  	s19 =	sor.u32 $0x1, s11;
	[tilespmem:v29+s6+$0x0] =	vst.idx.msk $0xffff, v28  }
0x38e: {  	v28 =	vadd.s32 s19, v0;
	v25 =	vld.idx.msk [tilespmem:v25+s21+$0x0], $0xffff  }
0x38f: {  	v28 =	vand.u32 $0xF, v28  }
0x390: {  	v27 =	vor.u32 v15, v27;
	v29 =	vor.u32 s18, v28  }
0x391: {  	v28 =	vor.u32 v16, v29  }
0x392: {  	v30 =	vor.u32 v29, v17  }
0x393: {  	v25 =	vadd.f32 v25, v26;
	_ =	sdelay $0x1  }
0x394: {  	[tilespmem:v27+s6+$0x0] =	vst.idx.msk $0xffff, v25  }
0x395: {  	v27 =	vld.idx.msk [tilespmem:v28+s12+$0x0], $0xffff  }
0x396: {  	v26 =	vld.idx.msk [tilespmem:v30+s21+$0x0], $0xffff  }
0x397: {  	v25 =	vshll.u32 v29, $0x7  }
0x398: {  	v28 =	vor.u32 v0, v25  }
0x399: {  	v30 =	vor.u32 v29, v18;
	_ =	sdelay $0x1  }
0x39a: {  	v26 =	vadd.f32 v26, v27;
	_ =	sdelay $0x1  }
0x39b: {  	[tilespmem:v28+s6+$0x0] =	vst.idx.msk $0xffff, v26  }
0x39c: {  	v26 =	vld.idx.msk [tilespmem:v30+s21+$0x0], $0xffff;
	_ =	sdelay $0x1  }
0x39d: {  	v28 =	vor.u32 v9, v25  }
0x39e: {  	v30 =	vor.u32 v29, v19;
	_ =	sdelay $0x1  }
0x39f: {  	v26 =	vadd.f32 v26, v27;
	_ =	sdelay $0x1  }
0x3a0: {  	[tilespmem:v28+s6+$0x0] =	vst.idx.msk $0xffff, v26  }
0x3a1: {  	v26 =	vld.idx.msk [tilespmem:v30+s21+$0x0], $0xffff;
	_ =	sdelay $0x1  }
0x3a2: {  	v28 =	vor.u32 v10, v25  }
0x3a3: {  	v30 =	vor.u32 v29, v20;
	_ =	sdelay $0x1  }
0x3a4: {  	v26 =	vadd.f32 v26, v27;
	_ =	sdelay $0x1  }
0x3a5: {  	[tilespmem:v28+s6+$0x0] =	vst.idx.msk $0xffff, v26  }
0x3a6: {  	v26 =	vld.idx.msk [tilespmem:v30+s21+$0x0], $0xffff;
	_ =	sdelay $0x1  }
0x3a7: {  	v28 =	vor.u32 v11, v25  }
0x3a8: {  	v30 =	vor.u32 v29, v21;
	_ =	sdelay $0x1  }
0x3a9: {  	v26 =	vadd.f32 v26, v27;
	_ =	sdelay $0x1  }
0x3aa: {  	[tilespmem:v28+s6+$0x0] =	vst.idx.msk $0xffff, v26  }
0x3ab: {  	v26 =	vld.idx.msk [tilespmem:v30+s21+$0x0], $0xffff;
	_ =	sdelay $0x1  }
0x3ac: {  	v28 =	vor.u32 v12, v25  }
0x3ad: {  	v30 =	vor.u32 v29, v22;
	_ =	sdelay $0x1  }
0x3ae: {  	v26 =	vadd.f32 v26, v27;
	_ =	sdelay $0x1  }
0x3af: {  	[tilespmem:v28+s6+$0x0] =	vst.idx.msk $0xffff, v26  }
0x3b0: {  	v26 =	vld.idx.msk [tilespmem:v30+s21+$0x0], $0xffff;
	_ =	sdelay $0x1  }
0x3b1: {  	v28 =	vor.u32 v13, v25  }
0x3b2: {  	v30 =	vor.u32 v29, v23;
	_ =	sdelay $0x1  }
0x3b3: {  	v26 =	vadd.f32 v26, v27;
	_ =	sdelay $0x1  }
0x3b4: {  	[tilespmem:v28+s6+$0x0] =	vst.idx.msk $0xffff, v26  }
0x3b5: {  	v30 =	vld.idx.msk [tilespmem:v30+s21+$0x0], $0xffff;
	_ =	sdelay $0x1  }
0x3b6: {  	v28 =	vor.u32 v14, v25  }
0x3b7: {  	v26 =	vor.u32 v29, v24;
	_ =	sdelay $0x1  }
0x3b8: {  	v29 =	vadd.f32 v30, v27  }
.LBB2_9:
0x3b9: {  	_ = 	snop  }
0x3ba: {  	s14 =	sadd.s32 $0x2, s14;
	[tilespmem:v28+s6+$0x0] =	vst.idx.msk $0xffff, v29  }
0x3bb: {  	s2 =	sand.u32 $0xE, s14;
	p0 =	slt.u32 s14, $0x3E;
	v28 =	vld.idx.msk [tilespmem:v26+s21+$0x0], $0xffff  }
0x3bc: {  	v26 =	vadd.s32 s2, v0;
	s2 =	sor.u32 $0x1, s2  }
0x3bd: {  	s3 =	sand.u32 $0x30, s14;
	v26 =	vand.u32 $0xF, v26;
	v29 =	vadd.s32 s2, v0  }
0x3be: {  	v30 =	vor.u32 s3, v26;
	v26 =	vand.u32 $0xF, v29;
	v29 =	vor.u32 v15, v25  }
0x3bf: {  	v31 =	vor.u32 v16, v30;
	v32 =	vor.u32 v30, v17;
	v33 =	vshll.u32 v30, $0x7  }
0x3c0: {  	v26 =	vor.u32 s3, v26  }
0x3c1: {  	v25 =	vshll.u32 v26, $0x7;
	v27 =	vadd.f32 v28, v27;
	_ =	sdelay $0x1  }
0x3c2: {  	[tilespmem:v29+s6+$0x0] =	vst.idx.msk $0xffff, v27  }
0x3c3: {  	v27 =	vld.idx.msk [tilespmem:v31+s12+$0x0], $0xffff  }
0x3c4: {  	v28 =	vld.idx.msk [tilespmem:v32+s21+$0x0], $0xffff;
	_ =	sdelay $0x2  }
0x3c5: {  	v29 =	vor.u32 v0, v33  }
0x3c6: {  	v31 =	vor.u32 v30, v18;
	_ =	sdelay $0x1  }
0x3c7: {  	v28 =	vadd.f32 v28, v27;
	_ =	sdelay $0x1  }
0x3c8: {  	[tilespmem:v29+s6+$0x0] =	vst.idx.msk $0xffff, v28  }
0x3c9: {  	v28 =	vld.idx.msk [tilespmem:v31+s21+$0x0], $0xffff;
	_ =	sdelay $0x2  }
0x3ca: {  	v29 =	vor.u32 v9, v33  }
0x3cb: {  	v31 =	vor.u32 v30, v19;
	_ =	sdelay $0x1  }
0x3cc: {  	v28 =	vadd.f32 v28, v27;
	_ =	sdelay $0x1  }
0x3cd: {  	[tilespmem:v29+s6+$0x0] =	vst.idx.msk $0xffff, v28  }
0x3ce: {  	v28 =	vld.idx.msk [tilespmem:v31+s21+$0x0], $0xffff;
	_ =	sdelay $0x2  }
0x3cf: {  	v29 =	vor.u32 v10, v33  }
0x3d0: {  	v31 =	vor.u32 v30, v20;
	_ =	sdelay $0x1  }
0x3d1: {  	v28 =	vadd.f32 v28, v27;
	_ =	sdelay $0x1  }
0x3d2: {  	[tilespmem:v29+s6+$0x0] =	vst.idx.msk $0xffff, v28  }
0x3d3: {  	v28 =	vld.idx.msk [tilespmem:v31+s21+$0x0], $0xffff;
	_ =	sdelay $0x2  }
0x3d4: {  	v29 =	vor.u32 v11, v33  }
0x3d5: {  	v31 =	vor.u32 v30, v21;
	_ =	sdelay $0x1  }
0x3d6: {  	v28 =	vadd.f32 v28, v27;
	_ =	sdelay $0x1  }
0x3d7: {  	[tilespmem:v29+s6+$0x0] =	vst.idx.msk $0xffff, v28  }
0x3d8: {  	v28 =	vld.idx.msk [tilespmem:v31+s21+$0x0], $0xffff;
	_ =	sdelay $0x2  }
0x3d9: {  	v29 =	vor.u32 v12, v33  }
0x3da: {  	v31 =	vor.u32 v30, v22;
	_ =	sdelay $0x1  }
0x3db: {  	v28 =	vadd.f32 v28, v27;
	_ =	sdelay $0x1  }
0x3dc: {  	[tilespmem:v29+s6+$0x0] =	vst.idx.msk $0xffff, v28  }
0x3dd: {  	v28 =	vld.idx.msk [tilespmem:v31+s21+$0x0], $0xffff;
	_ =	sdelay $0x2  }
0x3de: {  	v29 =	vor.u32 v13, v33  }
0x3df: {  	v31 =	vor.u32 v30, v23;
	_ =	sdelay $0x1  }
0x3e0: {  	v28 =	vadd.f32 v28, v27;
	_ =	sdelay $0x1  }
0x3e1: {  	[tilespmem:v29+s6+$0x0] =	vst.idx.msk $0xffff, v28  }
0x3e2: {  	v28 =	vld.idx.msk [tilespmem:v31+s21+$0x0], $0xffff;
	_ =	sdelay $0x2  }
0x3e3: {  	v29 =	vor.u32 v14, v33  }
0x3e4: {  	v30 =	vor.u32 v30, v24;
	_ =	sdelay $0x1  }
0x3e5: {  	v28 =	vadd.f32 v28, v27;
	_ =	sdelay $0x1  }
0x3e6: {  	[tilespmem:v29+s6+$0x0] =	vst.idx.msk $0xffff, v28  }
0x3e7: {  	v28 =	vld.idx.msk [tilespmem:v30+s21+$0x0], $0xffff;
	_ =	sdelay $0x2  }
0x3e8: {  	v29 =	vor.u32 v15, v33  }
0x3e9: {  	v30 =	vor.u32 v16, v26  }
0x3ea: {  	v31 =	vor.u32 v26, v17  }
0x3eb: {  	v27 =	vadd.f32 v28, v27;
	_ =	sdelay $0x1  }
0x3ec: {  	[tilespmem:v29+s6+$0x0] =	vst.idx.msk $0xffff, v27  }
0x3ed: {  	v27 =	vld.idx.msk [tilespmem:v30+s12+$0x0], $0xffff  }
0x3ee: {  	v28 =	vld.idx.msk [tilespmem:v31+s21+$0x0], $0xffff;
	_ =	sdelay $0x2  }
0x3ef: {  	v29 =	vor.u32 v0, v25  }
0x3f0: {  	v30 =	vor.u32 v26, v18;
	_ =	sdelay $0x1  }
0x3f1: {  	v28 =	vadd.f32 v28, v27;
	_ =	sdelay $0x1  }
0x3f2: {  	[tilespmem:v29+s6+$0x0] =	vst.idx.msk $0xffff, v28  }
0x3f3: {  	v28 =	vld.idx.msk [tilespmem:v30+s21+$0x0], $0xffff;
	_ =	sdelay $0x2  }
0x3f4: {  	v29 =	vor.u32 v9, v25  }
0x3f5: {  	v30 =	vor.u32 v26, v19;
	_ =	sdelay $0x1  }
0x3f6: {  	v28 =	vadd.f32 v28, v27;
	_ =	sdelay $0x1  }
0x3f7: {  	[tilespmem:v29+s6+$0x0] =	vst.idx.msk $0xffff, v28  }
0x3f8: {  	v28 =	vld.idx.msk [tilespmem:v30+s21+$0x0], $0xffff;
	_ =	sdelay $0x2  }
0x3f9: {  	v29 =	vor.u32 v10, v25  }
0x3fa: {  	v30 =	vor.u32 v26, v20;
	_ =	sdelay $0x1  }
0x3fb: {  	v28 =	vadd.f32 v28, v27;
	_ =	sdelay $0x1  }
0x3fc: {  	[tilespmem:v29+s6+$0x0] =	vst.idx.msk $0xffff, v28  }
0x3fd: {  	v28 =	vld.idx.msk [tilespmem:v30+s21+$0x0], $0xffff;
	_ =	sdelay $0x2  }
0x3fe: {  	v29 =	vor.u32 v11, v25  }
0x3ff: {  	v30 =	vor.u32 v26, v21;
	_ =	sdelay $0x1  }
0x400: {  	v28 =	vadd.f32 v28, v27;
	_ =	sdelay $0x1  }
0x401: {  	[tilespmem:v29+s6+$0x0] =	vst.idx.msk $0xffff, v28  }
0x402: {  	v28 =	vld.idx.msk [tilespmem:v30+s21+$0x0], $0xffff;
	_ =	sdelay $0x2  }
0x403: {  	v29 =	vor.u32 v12, v25  }
0x404: {  	v30 =	vor.u32 v26, v22;
	_ =	sdelay $0x1  }
0x405: {  	v28 =	vadd.f32 v28, v27;
	_ =	sdelay $0x1  }
0x406: {  	[tilespmem:v29+s6+$0x0] =	vst.idx.msk $0xffff, v28  }
0x407: {  	v28 =	vld.idx.msk [tilespmem:v30+s21+$0x0], $0xffff;
	_ =	sdelay $0x2  }
0x408: {  	v29 =	vor.u32 v13, v25  }
0x409: {  	v30 =	vor.u32 v26, v23;
	_ =	sdelay $0x1  }
0x40a: {  	v28 =	vadd.f32 v28, v27;
	_ =	sdelay $0x1  }
0x40b: {  	[tilespmem:v29+s6+$0x0] =	vst.idx.msk $0xffff, v28  }
0x40c: {  	v29 =	vld.idx.msk [tilespmem:v30+s21+$0x0], $0xffff;
	_ =	sdelay $0x1  }
.Ltmp3:
0x40d: {  	(pc) =	sbr.rel @p0 .LBB2_9-.Ltmp3, $3  }
0x40e: {  	v28 =	vor.u32 v14, v25  }
0x40f: {  	v26 =	vor.u32 v26, v24;
	_ =	sdelay $0x1  }
0x410: {  	v29 =	vadd.f32 v29, v27  }
0x411: {  	_ =	sdelay $0x3  }
0x412: {  	[tilespmem:v28+s6+$0x0] =	vst.idx.msk $0xffff, v29  }
0x413: {  	v16 =	vld.idx.msk [tilespmem:v26+s21+$0x0], $0xffff;
	_ =	sdelay $0x1  }
0x414: {  	v17 =	vor.u32 v15, v25;
	s30 =	sadd.s32 $0x1, s30  }
0x415: {  	p0 =	sne.s32 s30, $0x32  }
.Ltmp4:
0x416: {  	s2 =	sshll.u32 s31, $0x12;
	(pc) =	sbr.rel @p0 .LBB2_2-.Ltmp4, $4  }
0x417: {  	s2 =	sor.u32 s5, s2;
	v16 =	vadd.f32 v16, v27  }
0x418: {  	s2 =	sshrl.u32 s2, $0x3  }
0x419: {  	s2 =	sadd.s32 s1, s2;
	[tilespmem:v17+s6+$0x0] =	vst.idx.msk $0xffff, v16  }
0x41a: {  	[hbm4b:s2+s9] =	stream.strided.scatter [tilespmem:s6], [sflag:$0x12], $0x2000, s10, s9, $0x38;
	[tilespmem:$0x1D880] =	vst v63  }
0x41b: {  	_ =	swait.ge [sflag:s22], $0x2000  }
0x41c: {  	[sflag:s22] =	ssyncset.done $0x0  }
0x41d: {  	[sflag:s22] =	ssyncadd.s32 $0xFFFFE000  }
0x41e: {  	_ =	swait.ge [sflag:s29], $0x2000  }
0x41f: {  	s3 =	rddreg [dreg:$0x7]  }
0x420: {  	s2 =	rddreg [dreg:$0x6];
	s3 =	sadd.s32 $0x1, s3  }
0x421: {  	p0 =	sne.s32 s3, s2  }
.Ltmp5:
0x422: {  	_ = 	snop;
	(pc) =	sbr.rel @p0 .LBB2_1-.Ltmp5, $3  }
0x423: {  	_ =	sdelay $0x1  }
0x424: {  	[sflag:s29] =	ssyncset.done $0x0  }
0x425: {  	[sflag:s29] =	ssyncadd.s32 $0xFFFFE000  }
0x426: {  	_ =	sfence.sel $0x180000  }
0x427: {  	[bflag:$0x0] =	sbarrier.arrive $0xFFFF  }
0x428: {  	_ =	strace $0x90000047  }
0x429: {  	s0 =	stileid.u32;
	[bflag:$0x2] =	sbarrier.arrive $0xFFFF  }
0x42a: {  	p0 =	sne.s32 s0, $0x0;
	s0 =	rddreg [dreg:$0x3]  }
0x42b: {  	s0 =	sadd.s32 @!p0 $0x100000, s0  }
0x42c: {  	[sflag:s0] =	ssyncadd.tile.s32 @!p0 $0x1;
	_ =	shalt  }
.Lfunc_end2:
_tile_overlayer_lowered:
.L_overlay_start_2:
0x42d: {  	(tag) =	ssettag $0x2  }
0x42e: {  	s0 =	rddreg [dreg:$0x0];
	s2 =	stileid.u32  }
0x42f: {  	s1 =	rddreg [dreg:$0x1];
	p0 =	sne.s32 s2, $0x0  }
0x430: {  	s3 =	rddreg [dreg:$0x2];
	[bflag:$0x3] =	sbarrier.arrive $0xFFFF;
	s2 =	simm.s32 @!p0 $0x1C13  }
0x431: {  	[timem:s3], [sflag:s2] =	dma.local @!p0 [hbm:s0], s1  }
0x432: {  	s0 =	simm.s32 @!p0 $0x13  }
0x433: {  	_ =	swait.ge @!p0 [sflag:s0], s1  }
0x434: {  	s1 =	ssub.s32 @!p0 $0x0, s1;
	[sflag:s0] =	ssyncset.done @!p0 $0x0  }
0x435: {  	[sflag:s0] =	ssyncadd.s32 @!p0 s1  }
0x436: {  	[bflag:$0x3] =	sbarrier.arrive $0xFFFF  }
0x437: {  	_ =	shalt  }

</sc_bundles>
